<compile_context>
chip_gen: v7x
topology: tpu7x:2x2x1
jax: 0.10.2.dev20260603
libtpu: 0.0.44.dev20260713+nightly
codegen_flags: <defaults>
</compile_context>

<pallas_src>
import functools

import jax
import jax.numpy as jnp
from jax import lax
from jax.experimental import pallas as pl
from jax.experimental.pallas import tpu as pltpu
from jax.experimental.pallas import tpu_sc as plsc

N, E, D, H = 10000, 160000, 1024, 128

NC, NS = 2, 16
NW = NC * NS
CHUNK = 128
EPAD = 163840
CPW = EPAD // NW
NCHUNK = CPW // CHUNK
NPAD = 10240
CW = 128
RB = 400
GRID = N // RB

_MESH = plsc.VectorSubcoreMesh(core_axis_name="c", subcore_axis_name="s",
                               num_cores=NC, num_subcores=NS)


NBUF = 2


def _sc_segsum(h, src2, dst2, zrow):

    @functools.partial(
        pl.kernel,
        out_type=jax.ShapeDtypeStruct((NC, NPAD, H), jnp.float32),
        mesh=_MESH,
        scratch_types=[
            pltpu.VMEM_SHARED((NPAD, H), jnp.float32),
            pltpu.VMEM((NCHUNK, CHUNK), jnp.int32),
            pltpu.VMEM((NCHUNK, CHUNK), jnp.int32),
        ] + [pltpu.VMEM((CHUNK, H), jnp.float32) for _ in range(NBUF)]
          + [pltpu.SemaphoreType.DMA for _ in range(NBUF)],
    )
    def k(h_hbm, src_hbm, dst_hbm, zrow_hbm, agg_out, agg_sh, src_v, dst_v,
          *bufsem):
        bufs, sems = bufsem[:NBUF], bufsem[NBUF:]
        cid = lax.axis_index("c")
        sid = lax.axis_index("s")
        wid = sid * NC + cid
        rpt = NPAD // NS
        r0 = sid * rpt
        cbase = wid * NCHUNK
        pltpu.sync_copy(src_hbm.at[pl.ds(cbase, NCHUNK)], src_v)
        pltpu.sync_copy(dst_hbm.at[pl.ds(cbase, NCHUNK)], dst_v)
        pltpu.sync_copy(zrow_hbm, bufs[0])
        for j in range(rpt // CHUNK):
            pltpu.sync_copy(bufs[0], agg_sh.at[pl.ds(r0 + j * CHUNK, CHUNK)])
        for b in range(NBUF):
            pltpu.async_copy(h_hbm.at[src_v.at[b]], bufs[b], sems[b])
        plsc.subcore_barrier()

        def round_(g, carry):
            for b in range(NBUF):
                i = g * NBUF + b
                pltpu.make_async_copy(h_hbm.at[src_v.at[i]], bufs[b],
                                      sems[b]).wait()
                pltpu.sync_copy(bufs[b], agg_sh.at[dst_v.at[i]], add=True)
                j = i + NBUF

                @pl.when(j < NCHUNK)
                def _():
                    pltpu.async_copy(h_hbm.at[src_v.at[j]], bufs[b], sems[b])
            return carry

        lax.fori_loop(0, NCHUNK // NBUF, round_, 0)
        plsc.subcore_barrier()
        nout = rpt // CHUNK
        for j in range(nout):
            b = j % NBUF
            sl = pl.ds(r0 + j * CHUNK, CHUNK)
            if j >= NBUF:
                psl = pl.ds(r0 + (j - NBUF) * CHUNK, CHUNK)
                pltpu.make_async_copy(bufs[b], agg_out.at[cid, psl],
                                      sems[b]).wait()
            pltpu.sync_copy(agg_sh.at[sl], bufs[b])
            pltpu.async_copy(bufs[b], agg_out.at[cid, sl], sems[b])
        for j in range(max(0, nout - NBUF), nout):
            b = j % NBUF
            sl = pl.ds(r0 + j * CHUNK, CHUNK)
            pltpu.make_async_copy(bufs[b], agg_out.at[cid, sl],
                                  sems[b]).wait()

    return k(h, src2, dst2, zrow)


def _sc_count(dst2, zrow, ones_c):

    @functools.partial(
        pl.kernel,
        out_type=jax.ShapeDtypeStruct((NC, NPAD, CW), jnp.float32),
        mesh=_MESH,
        scratch_types=[
            pltpu.VMEM_SHARED((NPAD, CW), jnp.float32),
            pltpu.VMEM((NCHUNK, CHUNK), jnp.int32),
            pltpu.VMEM((CHUNK, CW), jnp.float32),
            pltpu.VMEM((CHUNK, CW), jnp.float32),
            pltpu.SemaphoreType.DMA,
        ],
    )
    def k(dst_hbm, zrow_hbm, one_hbm,
          cnt_out, cnt_sh, dst_v, ones_v, zbuf, sem):
        cid = lax.axis_index("c")
        sid = lax.axis_index("s")
        wid = sid * NC + cid
        rpt = NPAD // NS
        r0 = sid * rpt
        pltpu.sync_copy(dst_hbm.at[pl.ds(wid * NCHUNK, NCHUNK)], dst_v)
        pltpu.sync_copy(one_hbm, ones_v)
        pltpu.sync_copy(zrow_hbm, zbuf)
        for j in range(rpt // CHUNK):
            pltpu.sync_copy(zbuf, cnt_sh.at[pl.ds(r0 + j * CHUNK, CHUNK)])
        plsc.subcore_barrier()

        def body(i, carry):
            pltpu.sync_copy(ones_v, cnt_sh.at[dst_v.at[i]], add=True)
            return carry

        lax.fori_loop(0, NCHUNK, body, 0)
        plsc.subcore_barrier()
        nout = rpt // CHUNK
        for j in range(nout):
            sl = pl.ds(r0 + j * CHUNK, CHUNK)
            if j > 0:
                psl = pl.ds(r0 + (j - 1) * CHUNK, CHUNK)
                pltpu.make_async_copy(zbuf, cnt_out.at[cid, psl], sem).wait()
            pltpu.sync_copy(cnt_sh.at[sl], zbuf)
            pltpu.async_copy(zbuf, cnt_out.at[cid, sl], sem)
        pltpu.make_async_copy(
            zbuf, cnt_out.at[cid, pl.ds(r0 + (nout - 1) * CHUNK, CHUNK)],
            sem).wait()

    return k(dst2, zrow, ones_c)


def _ln_relu(x, g, b):
    m = jnp.mean(x, axis=-1, keepdims=True)
    v = jnp.mean((x - m) ** 2, axis=-1, keepdims=True)
    return jnp.maximum((x - m) * lax.rsqrt(v + 1e-5) * g + b, 0.0)


def _proj_body(x_ref, w_ref, b_ref, g_ref, be_ref, o_ref):
    h = jnp.dot(x_ref[...], w_ref[...], preferred_element_type=jnp.float32)
    o_ref[...] = _ln_relu(h + b_ref[...], g_ref[...], be_ref[...])


def _proj(x, w, b, g, be):
    return pl.pallas_call(
        _proj_body,
        grid=(GRID,),
        in_specs=[
            pl.BlockSpec((RB, D), lambda i: (i, 0)),
            pl.BlockSpec((D, H), lambda i: (0, 0)),
            pl.BlockSpec((1, H), lambda i: (0, 0)),
            pl.BlockSpec((1, H), lambda i: (0, 0)),
            pl.BlockSpec((1, H), lambda i: (0, 0)),
        ],
        out_specs=pl.BlockSpec((RB, H), lambda i: (i, 0)),
        out_shape=jax.ShapeDtypeStruct((N, H), jnp.float32),
    )(x, w, b, g, be)


def _sage_block(p_ref, c_ref, h_ref, wl_ref, bl_ref, wr_ref, g_ref, be_ref):
    agg = p_ref[0] + p_ref[1]
    cnt = c_ref[0][:, :1] + c_ref[1][:, :1]
    mean = agg / jnp.maximum(cnt, 1.0)
    h = h_ref[...]
    hn = (jnp.dot(mean, wl_ref[...], preferred_element_type=jnp.float32)
          + bl_ref[...]
          + jnp.dot(h, wr_ref[...], preferred_element_type=jnp.float32))
    return h + _ln_relu(hn, g_ref[...], be_ref[...])


def _combine_body(p_ref, c_ref, h_ref, wl_ref, bl_ref, wr_ref, g_ref, be_ref,
                  o_ref):
    o_ref[...] = _sage_block(p_ref, c_ref, h_ref, wl_ref, bl_ref, wr_ref,
                             g_ref, be_ref)


_SAGE_SPECS = [
    pl.BlockSpec((NC, RB, H), lambda i: (0, i, 0)),
    pl.BlockSpec((NC, RB, CW), lambda i: (0, i, 0)),
    pl.BlockSpec((RB, H), lambda i: (i, 0)),
    pl.BlockSpec((H, H), lambda i: (0, 0)),
    pl.BlockSpec((1, H), lambda i: (0, 0)),
    pl.BlockSpec((H, H), lambda i: (0, 0)),
    pl.BlockSpec((1, H), lambda i: (0, 0)),
    pl.BlockSpec((1, H), lambda i: (0, 0)),
]


def _combine(p, c, h, wl, bl, wr, g, be):
    return pl.pallas_call(
        _combine_body,
        grid=(GRID,),
        in_specs=_SAGE_SPECS,
        out_specs=pl.BlockSpec((RB, H), lambda i: (i, 0)),
        out_shape=jax.ShapeDtypeStruct((N, H), jnp.float32),
    )(p, c, h, wl, bl, wr, g, be)


def _final_body(p_ref, c_ref, h_ref, wl_ref, bl_ref, wr_ref, g_ref, be_ref,
                w1_ref, b1_ref, g3_ref, be3_ref, w2_ref, b2_ref,
                o_ref, sum_sc, max_sc):
    i = pl.program_id(0)
    h2 = _sage_block(p_ref, c_ref, h_ref, wl_ref, bl_ref, wr_ref, g_ref,
                     be_ref)
    blk = h2.reshape(RB // 8, 8, H)
    bsum = jnp.sum(blk, axis=0)
    bmax = jnp.max(blk, axis=0)

    @pl.when(i == 0)
    def _():
        sum_sc[...] = bsum
        max_sc[...] = bmax

    @pl.when(i > 0)
    def _():
        sum_sc[...] = sum_sc[...] + bsum
        max_sc[...] = jnp.maximum(max_sc[...], bmax)

    @pl.when(i == pl.num_programs(0) - 1)
    def _():
        hm = jnp.sum(sum_sc[...], axis=0, keepdims=True) / N
        hx = jnp.max(max_sc[...], axis=0, keepdims=True)
        r = jnp.concatenate([hm, hx], axis=-1)
        r8 = jnp.broadcast_to(r, (8, 2 * H))
        r8 = jnp.dot(r8, w1_ref[...], preferred_element_type=jnp.float32)
        r8 = _ln_relu(r8 + b1_ref[...], g3_ref[...], be3_ref[...])
        out8 = (jnp.dot(r8, w2_ref[...], preferred_element_type=jnp.float32)
                + b2_ref[...])
        o_ref[...] = out8[:1]


def _final(p, c, h, wl, bl, wr, g, be, w1, b1, g3, be3, w2, b2):
    return pl.pallas_call(
        _final_body,
        grid=(GRID,),
        in_specs=_SAGE_SPECS + [
            pl.BlockSpec((2 * H, H), lambda i: (0, 0)),
            pl.BlockSpec((1, H), lambda i: (0, 0)),
            pl.BlockSpec((1, H), lambda i: (0, 0)),
            pl.BlockSpec((1, H), lambda i: (0, 0)),
            pl.BlockSpec((H, H), lambda i: (0, 0)),
            pl.BlockSpec((1, H), lambda i: (0, 0)),
        ],
        out_specs=pl.BlockSpec((1, H), lambda i: (0, 0)),
        out_shape=jax.ShapeDtypeStruct((1, H), jnp.float32),
        scratch_shapes=[pltpu.VMEM((8, H), jnp.float32),
                        pltpu.VMEM((8, H), jnp.float32)],
    )(p, c, h, wl, bl, wr, g, be, w1, b1, g3, be3, w2, b2)


def kernel(x, edge_index, W0, b0, g0, be0, Wl1, bl1, Wr1, g1, be1,
           Wl2, bl2, Wr2, g2, be2, W1, b1, g3, be3, W2, b2):
    pad = EPAD - E
    src2 = jnp.concatenate([edge_index[0], jnp.zeros((pad,), jnp.int32)]
                           ).reshape(EPAD // CHUNK, CHUNK)
    dst2 = jnp.concatenate([edge_index[1], jnp.full((pad,), N, jnp.int32)]
                           ).reshape(EPAD // CHUNK, CHUNK)
    zrow = jnp.zeros((CHUNK, H), jnp.float32)
    ones_c = jnp.ones((CHUNK, CW), jnp.float32)

    r2 = lambda a: a.reshape(1, -1)

    c = _sc_count(dst2, zrow, ones_c)
    h = _proj(x, W0, r2(b0), r2(g0), r2(be0))
    p1 = _sc_segsum(h, src2, dst2, zrow)
    h = _combine(p1, c, h, Wl1, r2(bl1), Wr1, r2(g1), r2(be1))
    p2 = _sc_segsum(h, src2, dst2, zrow)
    return _final(p2, c, h, Wl2, r2(bl2), Wr2, r2(g2), r2(be2),
                  W1, r2(b1), g3.reshape(1, -1), r2(be3), W2, r2(b2))

# --- scband reference (transcript-rebuilt; emitter-appended) ---
"""Pipeline reference for scband-kggraph-encoder-51153060495542 (READ-ONLY COPY).

The authoritative reference and input builder live on the scoring server;
editing this copy changes nothing except your own understanding.
"""

import jax, jax.numpy as jnp
import numpy as np

N, E, D, H = 10000, 160000, 1024, 128

def _ln(x, g, b):
    m = jnp.mean(x, axis=-1, keepdims=True)
    v = jnp.mean((x - m) ** 2, axis=-1, keepdims=True)
    return (x - m) / jnp.sqrt(v + 1e-5) * g + b

def setup_inputs(seed: int = 0) -> dict:
    key = jax.random.key(seed)
    ks = jax.random.split(key, 24)
    inp = {}
    inp['x'] = jax.random.normal(ks[0], (N, D), dtype=jnp.float32)
    inp['edge_index'] = jax.random.randint(ks[1], (2, E), 0, N, dtype=jnp.int32)
    s = 0.02
    inp['W0'] = jax.random.normal(ks[2], (D, H), dtype=jnp.float32) * s
    inp['b0'] = jnp.zeros((H,), dtype=jnp.float32)
    inp['g0'] = jnp.ones((H,), dtype=jnp.float32)
    inp['be0'] = jnp.zeros((H,), dtype=jnp.float32)
    inp['Wl1'] = jax.random.normal(ks[3], (H, H), dtype=jnp.float32) * s
    inp['bl1'] = jnp.zeros((H,), dtype=jnp.float32)
    inp['Wr1'] = jax.random.normal(ks[4], (H, H), dtype=jnp.float32) * s
    inp['g1'] = jnp.ones((H,), dtype=jnp.float32)
    inp['be1'] = jnp.zeros((H,), dtype=jnp.float32)
    inp['Wl2'] = jax.random.normal(ks[5], (H, H), dtype=jnp.float32) * s
    inp['bl2'] = jnp.zeros((H,), dtype=jnp.float32)
    inp['Wr2'] = jax.random.normal(ks[6], (H, H), dtype=jnp.float32) * s
    inp['g2'] = jnp.ones((H,), dtype=jnp.float32)
    inp['be2'] = jnp.zeros((H,), dtype=jnp.float32)
    inp['W1'] = jax.random.normal(ks[7], (2 * H, H), dtype=jnp.float32) * s
    inp['b1'] = jnp.zeros((H,), dtype=jnp.float32)
    inp['g3'] = jnp.ones((H,), dtype=jnp.float32)
    inp['be3'] = jnp.zeros((H,), dtype=jnp.float32)
    inp['W2'] = jax.random.normal(ks[8], (H, H), dtype=jnp.float32) * s
    inp['b2'] = jnp.zeros((H,), dtype=jnp.float32)
    return inp

def reference(x, edge_index, W0, b0, g0, be0, Wl1, bl1, Wr1, g1, be1, Wl2, bl2, Wr2, g2, be2, W1, b1, g3, be3, W2, b2):
    n = x.shape[0]
    src = edge_index[0]
    dst = edge_index[1]
    # input projection (dropout is identity in eval)
    h = jax.nn.relu(_ln(x @ W0 + b0, g0, be0))
    for (Wl, bl, Wr, g, be) in ((Wl1, bl1, Wr1, g1, be1), (Wl2, bl2, Wr2, g2, be2)):
        # SAGEConv with mean aggregation: lin_l(mean_j x_j) + lin_r(x_i)
        agg = jax.ops.segment_sum(h[src], dst, num_segments=n)
        cnt = jax.ops.segment_sum(jnp.ones((src.shape[0],), dtype=h.dtype), dst, num_segments=n)
        mean = agg / jnp.clip(cnt, 1.0, None)[:, None]
        hn = mean @ Wl + bl + h @ Wr
        hn = jax.nn.relu(_ln(hn, g, be))
        h = h + hn
    # batch is None -> single-graph global pooling
    h_mean = jnp.mean(h, axis=0, keepdims=True)
    h_max = jnp.max(h, axis=0, keepdims=True)
    r = jnp.concatenate([h_mean, h_max], axis=-1)
    r = jax.nn.relu(_ln(r @ W1 + b1, g3, be3))
    return r @ W2 + b2

if __name__ == "__main__":
    import jax
    _d = setup_inputs()
    print(jax.jit(kernel)(*tuple(_d.values())))

</pallas_src>

<mosaic_0001>
#map = affine_map<(d0, d1) -> (0, 0)>
#map1 = affine_map<(d0, d1) -> (0, 0, 0)>
module attributes {stable_mosaic.version = 14 : i64} {
  func.func @k(%arg0: i32, %arg1: i32, %arg2: memref<1280x128xi32, #tpu.memory_space<hbm>>, %arg3: memref<128x128xf32, #tpu.memory_space<hbm>>, %arg4: memref<128x128xf32, #tpu.memory_space<hbm>>, %arg5: memref<2x10240x128xf32, #tpu.memory_space<hbm>>, %arg6: memref<10240x128xf32, #tpu.memory_space<vmem_shared>>, %arg7: memref<40x128xi32, #tpu.memory_space<vmem>>, %arg8: memref<128x128xf32, #tpu.memory_space<vmem>>, %arg9: memref<128x128xf32, #tpu.memory_space<vmem>>, %arg10: memref<!tpu.dma_semaphore, #tpu.memory_space<semaphore_mem>>) attributes {dimension_semantics = [#tpu.dimension_semantics<core_parallel>, #tpu.dimension_semantics<subcore_parallel>], iteration_bounds = array<i64: 2, 16>, scalar_prefetch = 0 : i64, scratch_operands = 5 : i64, tpu.core_type = #tpu.core_type<sc_vector_subcore>, window_params = [{transform_indices = #map}, {transform_indices = #map}, {transform_indices = #map}, {transform_indices = #map1}]} {
    %mul3A = arith.constant 2 : i32
    %mul3A_0 = arith.muli %arg1, %mul3A : i32
    %add3A = arith.addi %mul3A_0, %arg0 : i32
    %mul3A_1 = arith.constant 640 : i32
    %mul3A_2 = arith.muli %arg1, %mul3A_1 : i32
    %mul3A_3 = arith.constant 40 : i32
    %mul3A_4 = arith.muli %add3A, %mul3A_3 : i32
    "tpu.region"() ({
      %run_scoped3A = tpu.sem_alloc : memref<!tpu.dma_semaphore, #tpu.memory_space<semaphore_mem>>
      %dma_start3A_99 = arith.constant 0 : i32
      %dma_start3A_100 = tpu.memref_slice %arg2[%mul3A_4, %dma_start3A_99] : memref<1280x128xi32, #tpu.memory_space<hbm>> -> memref<40x128xi32, #tpu.memory_space<hbm>>
      %dma_start3A_101 = arith.constant 0 : i32
      %dma_start3A_102 = tpu.memref_slice %arg2[%mul3A_4, %dma_start3A_101] : memref<1280x128xi32, #tpu.memory_space<hbm>> -> memref<40x128xi32, #tpu.memory_space<hbm>>
      tpu.enqueue_dma source(%dma_start3A_102 : memref<40x128xi32, #tpu.memory_space<hbm>>) target(%arg7 : memref<40x128xi32, #tpu.memory_space<vmem>>) target_semaphore(%run_scoped3A : memref<!tpu.dma_semaphore, #tpu.memory_space<semaphore_mem>>)
      %dma_wait3A_103 = arith.constant 0 : i32
      %dma_wait3A_104 = tpu.memref_slice %arg2[%mul3A_4, %dma_wait3A_103] : memref<1280x128xi32, #tpu.memory_space<hbm>> -> memref<40x128xi32, #tpu.memory_space<hbm>>
      %dma_wait3A_105 = arith.constant 0 : i32
      %dma_wait3A_106 = tpu.memref_slice %arg2[%mul3A_4, %dma_wait3A_105] : memref<1280x128xi32, #tpu.memory_space<hbm>> -> memref<40x128xi32, #tpu.memory_space<hbm>>
      tpu.wait_dma2 semaphore(%run_scoped3A : memref<!tpu.dma_semaphore, #tpu.memory_space<semaphore_mem>>) src(%dma_wait3A_106 : memref<40x128xi32, #tpu.memory_space<hbm>>) dst(%arg7 : memref<40x128xi32, #tpu.memory_space<vmem>>)
      tpu.yield
    }) : () -> ()
    "tpu.region"() ({
      %run_scoped3A = tpu.sem_alloc : memref<!tpu.dma_semaphore, #tpu.memory_space<semaphore_mem>>
      tpu.enqueue_dma source(%arg4 : memref<128x128xf32, #tpu.memory_space<hbm>>) target(%arg8 : memref<128x128xf32, #tpu.memory_space<vmem>>) target_semaphore(%run_scoped3A : memref<!tpu.dma_semaphore, #tpu.memory_space<semaphore_mem>>)
      tpu.wait_dma2 semaphore(%run_scoped3A : memref<!tpu.dma_semaphore, #tpu.memory_space<semaphore_mem>>) src(%arg4 : memref<128x128xf32, #tpu.memory_space<hbm>>) dst(%arg8 : memref<128x128xf32, #tpu.memory_space<vmem>>)
      tpu.yield
    }) : () -> ()
    "tpu.region"() ({
      %run_scoped3A = tpu.sem_alloc : memref<!tpu.dma_semaphore, #tpu.memory_space<semaphore_mem>>
      tpu.enqueue_dma source(%arg3 : memref<128x128xf32, #tpu.memory_space<hbm>>) target(%arg9 : memref<128x128xf32, #tpu.memory_space<vmem>>) target_semaphore(%run_scoped3A : memref<!tpu.dma_semaphore, #tpu.memory_space<semaphore_mem>>)
      tpu.wait_dma2 semaphore(%run_scoped3A : memref<!tpu.dma_semaphore, #tpu.memory_space<semaphore_mem>>) src(%arg3 : memref<128x128xf32, #tpu.memory_space<hbm>>) dst(%arg9 : memref<128x128xf32, #tpu.memory_space<vmem>>)
      tpu.yield
    }) : () -> ()
    %add3A_5 = arith.constant 0 : i32
    %add3A_6 = arith.addi %mul3A_2, %add3A_5 : i32
    "tpu.region"() ({
      %run_scoped3A = tpu.sem_alloc : memref<!tpu.dma_semaphore, #tpu.memory_space<semaphore_mem>>
      %dma_start3A_99 = arith.constant 0 : i32
      %dma_start3A_100 = tpu.memref_slice %arg6[%add3A_6, %dma_start3A_99] : memref<10240x128xf32, #tpu.memory_space<vmem_shared>> -> memref<128x128xf32, #tpu.memory_space<vmem_shared>>
      %dma_start3A_101 = arith.constant 0 : i32
      %dma_start3A_102 = tpu.memref_slice %arg6[%add3A_6, %dma_start3A_101] : memref<10240x128xf32, #tpu.memory_space<vmem_shared>> -> memref<128x128xf32, #tpu.memory_space<vmem_shared>>
      tpu.enqueue_dma source(%arg9 : memref<128x128xf32, #tpu.memory_space<vmem>>) target(%dma_start3A_102 : memref<128x128xf32, #tpu.memory_space<vmem_shared>>) target_semaphore(%run_scoped3A : memref<!tpu.dma_semaphore, #tpu.memory_space<semaphore_mem>>)
      %dma_wait3A_103 = arith.constant 0 : i32
      %dma_wait3A_104 = tpu.memref_slice %arg6[%add3A_6, %dma_wait3A_103] : memref<10240x128xf32, #tpu.memory_space<vmem_shared>> -> memref<128x128xf32, #tpu.memory_space<vmem_shared>>
      %dma_wait3A_105 = arith.constant 0 : i32
      %dma_wait3A_106 = tpu.memref_slice %arg6[%add3A_6, %dma_wait3A_105] : memref<10240x128xf32, #tpu.memory_space<vmem_shared>> -> memref<128x128xf32, #tpu.memory_space<vmem_shared>>
      tpu.wait_dma2 semaphore(%run_scoped3A : memref<!tpu.dma_semaphore, #tpu.memory_space<semaphore_mem>>) src(%arg9 : memref<128x128xf32, #tpu.memory_space<vmem>>) dst(%dma_wait3A_106 : memref<128x128xf32, #tpu.memory_space<vmem_shared>>)
      tpu.yield
    }) : () -> ()
    %add3A_7 = arith.constant 128 : i32
    %add3A_8 = arith.addi %mul3A_2, %add3A_7 : i32
    "tpu.region"() ({
      %run_scoped3A = tpu.sem_alloc : memref<!tpu.dma_semaphore, #tpu.memory_space<semaphore_mem>>
      %dma_start3A_99 = arith.constant 0 : i32
      %dma_start3A_100 = tpu.memref_slice %arg6[%add3A_8, %dma_start3A_99] : memref<10240x128xf32, #tpu.memory_space<vmem_shared>> -> memref<128x128xf32, #tpu.memory_space<vmem_shared>>
      %dma_start3A_101 = arith.constant 0 : i32
      %dma_start3A_102 = tpu.memref_slice %arg6[%add3A_8, %dma_start3A_101] : memref<10240x128xf32, #tpu.memory_space<vmem_shared>> -> memref<128x128xf32, #tpu.memory_space<vmem_shared>>
      tpu.enqueue_dma source(%arg9 : memref<128x128xf32, #tpu.memory_space<vmem>>) target(%dma_start3A_102 : memref<128x128xf32, #tpu.memory_space<vmem_shared>>) target_semaphore(%run_scoped3A : memref<!tpu.dma_semaphore, #tpu.memory_space<semaphore_mem>>)
      %dma_wait3A_103 = arith.constant 0 : i32
      %dma_wait3A_104 = tpu.memref_slice %arg6[%add3A_8, %dma_wait3A_103] : memref<10240x128xf32, #tpu.memory_space<vmem_shared>> -> memref<128x128xf32, #tpu.memory_space<vmem_shared>>
      %dma_wait3A_105 = arith.constant 0 : i32
      %dma_wait3A_106 = tpu.memref_slice %arg6[%add3A_8, %dma_wait3A_105] : memref<10240x128xf32, #tpu.memory_space<vmem_shared>> -> memref<128x128xf32, #tpu.memory_space<vmem_shared>>
      tpu.wait_dma2 semaphore(%run_scoped3A : memref<!tpu.dma_semaphore, #tpu.memory_space<semaphore_mem>>) src(%arg9 : memref<128x128xf32, #tpu.memory_space<vmem>>) dst(%dma_wait3A_106 : memref<128x128xf32, #tpu.memory_space<vmem_shared>>)
      tpu.yield
    }) : () -> ()
    %add3A_9 = arith.constant 256 : i32
    %add3A_10 = arith.addi %mul3A_2, %add3A_9 : i32
    "tpu.region"() ({
      %run_scoped3A = tpu.sem_alloc : memref<!tpu.dma_semaphore, #tpu.memory_space<semaphore_mem>>
      %dma_start3A_99 = arith.constant 0 : i32
      %dma_start3A_100 = tpu.memref_slice %arg6[%add3A_10, %dma_start3A_99] : memref<10240x128xf32, #tpu.memory_space<vmem_shared>> -> memref<128x128xf32, #tpu.memory_space<vmem_shared>>
      %dma_start3A_101 = arith.constant 0 : i32
      %dma_start3A_102 = tpu.memref_slice %arg6[%add3A_10, %dma_start3A_101] : memref<10240x128xf32, #tpu.memory_space<vmem_shared>> -> memref<128x128xf32, #tpu.memory_space<vmem_shared>>
      tpu.enqueue_dma source(%arg9 : memref<128x128xf32, #tpu.memory_space<vmem>>) target(%dma_start3A_102 : memref<128x128xf32, #tpu.memory_space<vmem_shared>>) target_semaphore(%run_scoped3A : memref<!tpu.dma_semaphore, #tpu.memory_space<semaphore_mem>>)
      %dma_wait3A_103 = arith.constant 0 : i32
      %dma_wait3A_104 = tpu.memref_slice %arg6[%add3A_10, %dma_wait3A_103] : memref<10240x128xf32, #tpu.memory_space<vmem_shared>> -> memref<128x128xf32, #tpu.memory_space<vmem_shared>>
      %dma_wait3A_105 = arith.constant 0 : i32
      %dma_wait3A_106 = tpu.memref_slice %arg6[%add3A_10, %dma_wait3A_105] : memref<10240x128xf32, #tpu.memory_space<vmem_shared>> -> memref<128x128xf32, #tpu.memory_space<vmem_shared>>
      tpu.wait_dma2 semaphore(%run_scoped3A : memref<!tpu.dma_semaphore, #tpu.memory_space<semaphore_mem>>) src(%arg9 : memref<128x128xf32, #tpu.memory_space<vmem>>) dst(%dma_wait3A_106 : memref<128x128xf32, #tpu.memory_space<vmem_shared>>)
      tpu.yield
    }) : () -> ()
    %add3A_11 = arith.constant 384 : i32
    %add3A_12 = arith.addi %mul3A_2, %add3A_11 : i32
    "tpu.region"() ({
      %run_scoped3A = tpu.sem_alloc : memref<!tpu.dma_semaphore, #tpu.memory_space<semaphore_mem>>
      %dma_start3A_99 = arith.constant 0 : i32
      %dma_start3A_100 = tpu.memref_slice %arg6[%add3A_12, %dma_start3A_99] : memref<10240x128xf32, #tpu.memory_space<vmem_shared>> -> memref<128x128xf32, #tpu.memory_space<vmem_shared>>
      %dma_start3A_101 = arith.constant 0 : i32
      %dma_start3A_102 = tpu.memref_slice %arg6[%add3A_12, %dma_start3A_101] : memref<10240x128xf32, #tpu.memory_space<vmem_shared>> -> memref<128x128xf32, #tpu.memory_space<vmem_shared>>
      tpu.enqueue_dma source(%arg9 : memref<128x128xf32, #tpu.memory_space<vmem>>) target(%dma_start3A_102 : memref<128x128xf32, #tpu.memory_space<vmem_shared>>) target_semaphore(%run_scoped3A : memref<!tpu.dma_semaphore, #tpu.memory_space<semaphore_mem>>)
      %dma_wait3A_103 = arith.constant 0 : i32
      %dma_wait3A_104 = tpu.memref_slice %arg6[%add3A_12, %dma_wait3A_103] : memref<10240x128xf32, #tpu.memory_space<vmem_shared>> -> memref<128x128xf32, #tpu.memory_space<vmem_shared>>
      %dma_wait3A_105 = arith.constant 0 : i32
      %dma_wait3A_106 = tpu.memref_slice %arg6[%add3A_12, %dma_wait3A_105] : memref<10240x128xf32, #tpu.memory_space<vmem_shared>> -> memref<128x128xf32, #tpu.memory_space<vmem_shared>>
      tpu.wait_dma2 semaphore(%run_scoped3A : memref<!tpu.dma_semaphore, #tpu.memory_space<semaphore_mem>>) src(%arg9 : memref<128x128xf32, #tpu.memory_space<vmem>>) dst(%dma_wait3A_106 : memref<128x128xf32, #tpu.memory_space<vmem_shared>>)
      tpu.yield
    }) : () -> ()
    %add3A_13 = arith.constant 512 : i32
    %add3A_14 = arith.addi %mul3A_2, %add3A_13 : i32
    "tpu.region"() ({
      %run_scoped3A = tpu.sem_alloc : memref<!tpu.dma_semaphore, #tpu.memory_space<semaphore_mem>>
      %dma_start3A_99 = arith.constant 0 : i32
      %dma_start3A_100 = tpu.memref_slice %arg6[%add3A_14, %dma_start3A_99] : memref<10240x128xf32, #tpu.memory_space<vmem_shared>> -> memref<128x128xf32, #tpu.memory_space<vmem_shared>>
      %dma_start3A_101 = arith.constant 0 : i32
      %dma_start3A_102 = tpu.memref_slice %arg6[%add3A_14, %dma_start3A_101] : memref<10240x128xf32, #tpu.memory_space<vmem_shared>> -> memref<128x128xf32, #tpu.memory_space<vmem_shared>>
      tpu.enqueue_dma source(%arg9 : memref<128x128xf32, #tpu.memory_space<vmem>>) target(%dma_start3A_102 : memref<128x128xf32, #tpu.memory_space<vmem_shared>>) target_semaphore(%run_scoped3A : memref<!tpu.dma_semaphore, #tpu.memory_space<semaphore_mem>>)
      %dma_wait3A_103 = arith.constant 0 : i32
      %dma_wait3A_104 = tpu.memref_slice %arg6[%add3A_14, %dma_wait3A_103] : memref<10240x128xf32, #tpu.memory_space<vmem_shared>> -> memref<128x128xf32, #tpu.memory_space<vmem_shared>>
      %dma_wait3A_105 = arith.constant 0 : i32
      %dma_wait3A_106 = tpu.memref_slice %arg6[%add3A_14, %dma_wait3A_105] : memref<10240x128xf32, #tpu.memory_space<vmem_shared>> -> memref<128x128xf32, #tpu.memory_space<vmem_shared>>
      tpu.wait_dma2 semaphore(%run_scoped3A : memref<!tpu.dma_semaphore, #tpu.memory_space<semaphore_mem>>) src(%arg9 : memref<128x128xf32, #tpu.memory_space<vmem>>) dst(%dma_wait3A_106 : memref<128x128xf32, #tpu.memory_space<vmem_shared>>)
      tpu.yield
    }) : () -> ()
    %barrier3A = arith.constant 0 : index
    tpu.barrier barrier_id(%barrier3A)
    %scan3A = arith.constant 0 : i32
    %scan3A_15 = arith.constant 0 : i32
    %scan3A_16 = arith.constant 40 : i32
    %scan3A_17 = arith.addi %scan3A_15, %scan3A_16 : i32
    %scan3A_18 = arith.constant 1 : i32
    scf.for %scan3A_99 = %scan3A_15 to %scan3A_17 step %scan3A_18  : i32 {
      "tpu.region"() ({
        %run_scoped3A = tpu.sem_alloc : memref<!tpu.dma_semaphore, #tpu.memory_space<semaphore_mem>>
        %dma_start3A_100 = arith.constant 0 : i32
        %dma_start3A_101 = tpu.memref_slice %arg7[%scan3A_99, %dma_start3A_100] : memref<40x128xi32, #tpu.memory_space<vmem>> -> memref<1x128xi32, #tpu.memory_space<vmem>>
        %dma_start3A_102 = tpu.memref_squeeze %dma_start3A_101 : memref<1x128xi32, #tpu.memory_space<vmem>> -> memref<128xi32, #tpu.memory_space<vmem>>
        %dma_start3A_103 = arith.constant 0 : i32
        %dma_start3A_104 = arith.constant 0 : i32
        %dma_start3A_105 = tpu.memref_slice %arg6[%dma_start3A_103, %dma_start3A_104] : memref<10240x128xf32, #tpu.memory_space<vmem_shared>> -> memref<10240x128xf32, #tpu.memory_space<vmem_shared>>
        tpu.enqueue_indirect_dma source(%arg8 : memref<128x128xf32, #tpu.memory_space<vmem>>) target(%dma_start3A_105 : memref<10240x128xf32, #tpu.memory_space<vmem_shared>>) offsets(%dma_start3A_102 : memref<128xi32, #tpu.memory_space<vmem>>) semaphore(%run_scoped3A : memref<!tpu.dma_semaphore, #tpu.memory_space<semaphore_mem>>) {add = true}
        %dma_wait3A_106 = arith.constant 0 : i32
        %dma_wait3A_107 = tpu.memref_slice %arg7[%scan3A_99, %dma_wait3A_106] : memref<40x128xi32, #tpu.memory_space<vmem>> -> memref<1x128xi32, #tpu.memory_space<vmem>>
        %dma_wait3A_108 = tpu.memref_squeeze %dma_wait3A_107 : memref<1x128xi32, #tpu.memory_space<vmem>> -> memref<128xi32, #tpu.memory_space<vmem>>
        %dma_wait3A_109 = arith.constant 0 : i32
        %dma_wait3A_110 = arith.constant 0 : i32
        %dma_wait3A_111 = tpu.memref_slice %arg6[%dma_wait3A_109, %dma_wait3A_110] : memref<10240x128xf32, #tpu.memory_space<vmem_shared>> -> memref<10240x128xf32, #tpu.memory_space<vmem_shared>>
        tpu.wait_indirect_dma semaphore(%run_scoped3A : memref<!tpu.dma_semaphore, #tpu.memory_space<semaphore_mem>>) src(%arg8 : memref<128x128xf32, #tpu.memory_space<vmem>>) dst(%dma_wait3A_111 : memref<10240x128xf32, #tpu.memory_space<vmem_shared>>)
        tpu.yield
      }) : () -> ()
    }
    %scan3A_19 = arith.constant 40 : i32
    %barrier3A_20 = arith.constant 0 : index
    tpu.barrier barrier_id(%barrier3A_20)
    %add3A_21 = arith.constant 0 : i32
    %add3A_22 = arith.addi %mul3A_2, %add3A_21 : i32
    "tpu.region"() ({
      %run_scoped3A = tpu.sem_alloc : memref<!tpu.dma_semaphore, #tpu.memory_space<semaphore_mem>>
      %dma_start3A_99 = arith.constant 0 : i32
      %dma_start3A_100 = tpu.memref_slice %arg6[%add3A_22, %dma_start3A_99] : memref<10240x128xf32, #tpu.memory_space<vmem_shared>> -> memref<128x128xf32, #tpu.memory_space<vmem_shared>>
      %dma_start3A_101 = arith.constant 0 : i32
      %dma_start3A_102 = tpu.memref_slice %arg6[%add3A_22, %dma_start3A_101] : memref<10240x128xf32, #tpu.memory_space<vmem_shared>> -> memref<128x128xf32, #tpu.memory_space<vmem_shared>>
      tpu.enqueue_dma source(%dma_start3A_102 : memref<128x128xf32, #tpu.memory_space<vmem_shared>>) target(%arg9 : memref<128x128xf32, #tpu.memory_space<vmem>>) target_semaphore(%run_scoped3A : memref<!tpu.dma_semaphore, #tpu.memory_space<semaphore_mem>>)
      %dma_wait3A_103 = arith.constant 0 : i32
      %dma_wait3A_104 = tpu.memref_slice %arg6[%add3A_22, %dma_wait3A_103] : memref<10240x128xf32, #tpu.memory_space<vmem_shared>> -> memref<128x128xf32, #tpu.memory_space<vmem_shared>>
      %dma_wait3A_105 = arith.constant 0 : i32
      %dma_wait3A_106 = tpu.memref_slice %arg6[%add3A_22, %dma_wait3A_105] : memref<10240x128xf32, #tpu.memory_space<vmem_shared>> -> memref<128x128xf32, #tpu.memory_space<vmem_shared>>
      tpu.wait_dma2 semaphore(%run_scoped3A : memref<!tpu.dma_semaphore, #tpu.memory_space<semaphore_mem>>) src(%dma_wait3A_106 : memref<128x128xf32, #tpu.memory_space<vmem_shared>>) dst(%arg9 : memref<128x128xf32, #tpu.memory_space<vmem>>)
      tpu.yield
    }) : () -> ()
    %dma_start3A = arith.constant 0 : i32
    %dma_start3A_23 = tpu.memref_slice %arg5[%arg0, %add3A_22, %dma_start3A] : memref<2x10240x128xf32, #tpu.memory_space<hbm>> -> memref<1x128x128xf32, #tpu.memory_space<hbm>>
    %dma_start3A_24 = tpu.memref_squeeze %dma_start3A_23 : memref<1x128x128xf32, #tpu.memory_space<hbm>> -> memref<128x128xf32, #tpu.memory_space<hbm>>
    %dma_start3A_25 = arith.constant 0 : i32
    %dma_start3A_26 = tpu.memref_slice %arg5[%arg0, %add3A_22, %dma_start3A_25] : memref<2x10240x128xf32, #tpu.memory_space<hbm>> -> memref<1x128x128xf32, #tpu.memory_space<hbm>>
    %dma_start3A_27 = tpu.memref_squeeze %dma_start3A_26 : memref<1x128x128xf32, #tpu.memory_space<hbm>> -> memref<128x128xf32, #tpu.memory_space<hbm>>
    tpu.enqueue_dma source(%arg9 : memref<128x128xf32, #tpu.memory_space<vmem>>) target(%dma_start3A_27 : memref<128x128xf32, #tpu.memory_space<hbm>>) target_semaphore(%arg10 : memref<!tpu.dma_semaphore, #tpu.memory_space<semaphore_mem>>)
    %add3A_28 = arith.constant 128 : i32
    %add3A_29 = arith.addi %mul3A_2, %add3A_28 : i32
    %add3A_30 = arith.constant 0 : i32
    %add3A_31 = arith.addi %mul3A_2, %add3A_30 : i32
    %dma_wait3A = arith.constant 0 : i32
    %dma_wait3A_32 = tpu.memref_slice %arg5[%arg0, %add3A_31, %dma_wait3A] : memref<2x10240x128xf32, #tpu.memory_space<hbm>> -> memref<1x128x128xf32, #tpu.memory_space<hbm>>
    %dma_wait3A_33 = tpu.memref_squeeze %dma_wait3A_32 : memref<1x128x128xf32, #tpu.memory_space<hbm>> -> memref<128x128xf32, #tpu.memory_space<hbm>>
    %dma_wait3A_34 = arith.constant 0 : i32
    %dma_wait3A_35 = tpu.memref_slice %arg5[%arg0, %add3A_31, %dma_wait3A_34] : memref<2x10240x128xf32, #tpu.memory_space<hbm>> -> memref<1x128x128xf32, #tpu.memory_space<hbm>>
    %dma_wait3A_36 = tpu.memref_squeeze %dma_wait3A_35 : memref<1x128x128xf32, #tpu.memory_space<hbm>> -> memref<128x128xf32, #tpu.memory_space<hbm>>
    tpu.wait_dma2 semaphore(%arg10 : memref<!tpu.dma_semaphore, #tpu.memory_space<semaphore_mem>>) src(%arg9 : memref<128x128xf32, #tpu.memory_space<vmem>>) dst(%dma_wait3A_36 : memref<128x128xf32, #tpu.memory_space<hbm>>)
    "tpu.region"() ({
      %run_scoped3A = tpu.sem_alloc : memref<!tpu.dma_semaphore, #tpu.memory_space<semaphore_mem>>
      %dma_start3A_99 = arith.constant 0 : i32
      %dma_start3A_100 = tpu.memref_slice %arg6[%add3A_29, %dma_start3A_99] : memref<10240x128xf32, #tpu.memory_space<vmem_shared>> -> memref<128x128xf32, #tpu.memory_space<vmem_shared>>
      %dma_start3A_101 = arith.constant 0 : i32
      %dma_start3A_102 = tpu.memref_slice %arg6[%add3A_29, %dma_start3A_101] : memref<10240x128xf32, #tpu.memory_space<vmem_shared>> -> memref<128x128xf32, #tpu.memory_space<vmem_shared>>
      tpu.enqueue_dma source(%dma_start3A_102 : memref<128x128xf32, #tpu.memory_space<vmem_shared>>) target(%arg9 : memref<128x128xf32, #tpu.memory_space<vmem>>) target_semaphore(%run_scoped3A : memref<!tpu.dma_semaphore, #tpu.memory_space<semaphore_mem>>)
      %dma_wait3A_103 = arith.constant 0 : i32
      %dma_wait3A_104 = tpu.memref_slice %arg6[%add3A_29, %dma_wait3A_103] : memref<10240x128xf32, #tpu.memory_space<vmem_shared>> -> memref<128x128xf32, #tpu.memory_space<vmem_shared>>
      %dma_wait3A_105 = arith.constant 0 : i32
      %dma_wait3A_106 = tpu.memref_slice %arg6[%add3A_29, %dma_wait3A_105] : memref<10240x128xf32, #tpu.memory_space<vmem_shared>> -> memref<128x128xf32, #tpu.memory_space<vmem_shared>>
      tpu.wait_dma2 semaphore(%run_scoped3A : memref<!tpu.dma_semaphore, #tpu.memory_space<semaphore_mem>>) src(%dma_wait3A_106 : memref<128x128xf32, #tpu.memory_space<vmem_shared>>) dst(%arg9 : memref<128x128xf32, #tpu.memory_space<vmem>>)
      tpu.yield
    }) : () -> ()
    %dma_start3A_37 = arith.constant 0 : i32
    %dma_start3A_38 = tpu.memref_slice %arg5[%arg0, %add3A_29, %dma_start3A_37] : memref<2x10240x128xf32, #tpu.memory_space<hbm>> -> memref<1x128x128xf32, #tpu.memory_space<hbm>>
    %dma_start3A_39 = tpu.memref_squeeze %dma_start3A_38 : memref<1x128x128xf32, #tpu.memory_space<hbm>> -> memref<128x128xf32, #tpu.memory_space<hbm>>
    %dma_start3A_40 = arith.constant 0 : i32
    %dma_start3A_41 = tpu.memref_slice %arg5[%arg0, %add3A_29, %dma_start3A_40] : memref<2x10240x128xf32, #tpu.memory_space<hbm>> -> memref<1x128x128xf32, #tpu.memory_space<hbm>>
    %dma_start3A_42 = tpu.memref_squeeze %dma_start3A_41 : memref<1x128x128xf32, #tpu.memory_space<hbm>> -> memref<128x128xf32, #tpu.memory_space<hbm>>
    tpu.enqueue_dma source(%arg9 : memref<128x128xf32, #tpu.memory_space<vmem>>) target(%dma_start3A_42 : memref<128x128xf32, #tpu.memory_space<hbm>>) target_semaphore(%arg10 : memref<!tpu.dma_semaphore, #tpu.memory_space<semaphore_mem>>)
    %add3A_43 = arith.constant 256 : i32
    %add3A_44 = arith.addi %mul3A_2, %add3A_43 : i32
    %add3A_45 = arith.constant 128 : i32
    %add3A_46 = arith.addi %mul3A_2, %add3A_45 : i32
    %dma_wait3A_47 = arith.constant 0 : i32
    %dma_wait3A_48 = tpu.memref_slice %arg5[%arg0, %add3A_46, %dma_wait3A_47] : memref<2x10240x128xf32, #tpu.memory_space<hbm>> -> memref<1x128x128xf32, #tpu.memory_space<hbm>>
    %dma_wait3A_49 = tpu.memref_squeeze %dma_wait3A_48 : memref<1x128x128xf32, #tpu.memory_space<hbm>> -> memref<128x128xf32, #tpu.memory_space<hbm>>
    %dma_wait3A_50 = arith.constant 0 : i32
    %dma_wait3A_51 = tpu.memref_slice %arg5[%arg0, %add3A_46, %dma_wait3A_50] : memref<2x10240x128xf32, #tpu.memory_space<hbm>> -> memref<1x128x128xf32, #tpu.memory_space<hbm>>
    %dma_wait3A_52 = tpu.memref_squeeze %dma_wait3A_51 : memref<1x128x128xf32, #tpu.memory_space<hbm>> -> memref<128x128xf32, #tpu.memory_space<hbm>>
    tpu.wait_dma2 semaphore(%arg10 : memref<!tpu.dma_semaphore, #tpu.memory_space<semaphore_mem>>) src(%arg9 : memref<128x128xf32, #tpu.memory_space<vmem>>) dst(%dma_wait3A_52 : memref<128x128xf32, #tpu.memory_space<hbm>>)
    "tpu.region"() ({
      %run_scoped3A = tpu.sem_alloc : memref<!tpu.dma_semaphore, #tpu.memory_space<semaphore_mem>>
      %dma_start3A_99 = arith.constant 0 : i32
      %dma_start3A_100 = tpu.memref_slice %arg6[%add3A_44, %dma_start3A_99] : memref<10240x128xf32, #tpu.memory_space<vmem_shared>> -> memref<128x128xf32, #tpu.memory_space<vmem_shared>>
      %dma_start3A_101 = arith.constant 0 : i32
      %dma_start3A_102 = tpu.memref_slice %arg6[%add3A_44, %dma_start3A_101] : memref<10240x128xf32, #tpu.memory_space<vmem_shared>> -> memref<128x128xf32, #tpu.memory_space<vmem_shared>>
      tpu.enqueue_dma source(%dma_start3A_102 : memref<128x128xf32, #tpu.memory_space<vmem_shared>>) target(%arg9 : memref<128x128xf32, #tpu.memory_space<vmem>>) target_semaphore(%run_scoped3A : memref<!tpu.dma_semaphore, #tpu.memory_space<semaphore_mem>>)
      %dma_wait3A_103 = arith.constant 0 : i32
      %dma_wait3A_104 = tpu.memref_slice %arg6[%add3A_44, %dma_wait3A_103] : memref<10240x128xf32, #tpu.memory_space<vmem_shared>> -> memref<128x128xf32, #tpu.memory_space<vmem_shared>>
      %dma_wait3A_105 = arith.constant 0 : i32
      %dma_wait3A_106 = tpu.memref_slice %arg6[%add3A_44, %dma_wait3A_105] : memref<10240x128xf32, #tpu.memory_space<vmem_shared>> -> memref<128x128xf32, #tpu.memory_space<vmem_shared>>
      tpu.wait_dma2 semaphore(%run_scoped3A : memref<!tpu.dma_semaphore, #tpu.memory_space<semaphore_mem>>) src(%dma_wait3A_106 : memref<128x128xf32, #tpu.memory_space<vmem_shared>>) dst(%arg9 : memref<128x128xf32, #tpu.memory_space<vmem>>)
      tpu.yield
    }) : () -> ()
    %dma_start3A_53 = arith.constant 0 : i32
    %dma_start3A_54 = tpu.memref_slice %arg5[%arg0, %add3A_44, %dma_start3A_53] : memref<2x10240x128xf32, #tpu.memory_space<hbm>> -> memref<1x128x128xf32, #tpu.memory_space<hbm>>
    %dma_start3A_55 = tpu.memref_squeeze %dma_start3A_54 : memref<1x128x128xf32, #tpu.memory_space<hbm>> -> memref<128x128xf32, #tpu.memory_space<hbm>>
    %dma_start3A_56 = arith.constant 0 : i32
    %dma_start3A_57 = tpu.memref_slice %arg5[%arg0, %add3A_44, %dma_start3A_56] : memref<2x10240x128xf32, #tpu.memory_space<hbm>> -> memref<1x128x128xf32, #tpu.memory_space<hbm>>
    %dma_start3A_58 = tpu.memref_squeeze %dma_start3A_57 : memref<1x128x128xf32, #tpu.memory_space<hbm>> -> memref<128x128xf32, #tpu.memory_space<hbm>>
    tpu.enqueue_dma source(%arg9 : memref<128x128xf32, #tpu.memory_space<vmem>>) target(%dma_start3A_58 : memref<128x128xf32, #tpu.memory_space<hbm>>) target_semaphore(%arg10 : memref<!tpu.dma_semaphore, #tpu.memory_space<semaphore_mem>>)
    %add3A_59 = arith.constant 384 : i32
    %add3A_60 = arith.addi %mul3A_2, %add3A_59 : i32
    %add3A_61 = arith.constant 256 : i32
    %add3A_62 = arith.addi %mul3A_2, %add3A_61 : i32
    %dma_wait3A_63 = arith.constant 0 : i32
    %dma_wait3A_64 = tpu.memref_slice %arg5[%arg0, %add3A_62, %dma_wait3A_63] : memref<2x10240x128xf32, #tpu.memory_space<hbm>> -> memref<1x128x128xf32, #tpu.memory_space<hbm>>
    %dma_wait3A_65 = tpu.memref_squeeze %dma_wait3A_64 : memref<1x128x128xf32, #tpu.memory_space<hbm>> -> memref<128x128xf32, #tpu.memory_space<hbm>>
    %dma_wait3A_66 = arith.constant 0 : i32
    %dma_wait3A_67 = tpu.memref_slice %arg5[%arg0, %add3A_62, %dma_wait3A_66] : memref<2x10240x128xf32, #tpu.memory_space<hbm>> -> memref<1x128x128xf32, #tpu.memory_space<hbm>>
    %dma_wait3A_68 = tpu.memref_squeeze %dma_wait3A_67 : memref<1x128x128xf32, #tpu.memory_space<hbm>> -> memref<128x128xf32, #tpu.memory_space<hbm>>
    tpu.wait_dma2 semaphore(%arg10 : memref<!tpu.dma_semaphore, #tpu.memory_space<semaphore_mem>>) src(%arg9 : memref<128x128xf32, #tpu.memory_space<vmem>>) dst(%dma_wait3A_68 : memref<128x128xf32, #tpu.memory_space<hbm>>)
    "tpu.region"() ({
      %run_scoped3A = tpu.sem_alloc : memref<!tpu.dma_semaphore, #tpu.memory_space<semaphore_mem>>
      %dma_start3A_99 = arith.constant 0 : i32
      %dma_start3A_100 = tpu.memref_slice %arg6[%add3A_60, %dma_start3A_99] : memref<10240x128xf32, #tpu.memory_space<vmem_shared>> -> memref<128x128xf32, #tpu.memory_space<vmem_shared>>
      %dma_start3A_101 = arith.constant 0 : i32
      %dma_start3A_102 = tpu.memref_slice %arg6[%add3A_60, %dma_start3A_101] : memref<10240x128xf32, #tpu.memory_space<vmem_shared>> -> memref<128x128xf32, #tpu.memory_space<vmem_shared>>
      tpu.enqueue_dma source(%dma_start3A_102 : memref<128x128xf32, #tpu.memory_space<vmem_shared>>) target(%arg9 : memref<128x128xf32, #tpu.memory_space<vmem>>) target_semaphore(%run_scoped3A : memref<!tpu.dma_semaphore, #tpu.memory_space<semaphore_mem>>)
      %dma_wait3A_103 = arith.constant 0 : i32
      %dma_wait3A_104 = tpu.memref_slice %arg6[%add3A_60, %dma_wait3A_103] : memref<10240x128xf32, #tpu.memory_space<vmem_shared>> -> memref<128x128xf32, #tpu.memory_space<vmem_shared>>
      %dma_wait3A_105 = arith.constant 0 : i32
      %dma_wait3A_106 = tpu.memref_slice %arg6[%add3A_60, %dma_wait3A_105] : memref<10240x128xf32, #tpu.memory_space<vmem_shared>> -> memref<128x128xf32, #tpu.memory_space<vmem_shared>>
      tpu.wait_dma2 semaphore(%run_scoped3A : memref<!tpu.dma_semaphore, #tpu.memory_space<semaphore_mem>>) src(%dma_wait3A_106 : memref<128x128xf32, #tpu.memory_space<vmem_shared>>) dst(%arg9 : memref<128x128xf32, #tpu.memory_space<vmem>>)
      tpu.yield
    }) : () -> ()
    %dma_start3A_69 = arith.constant 0 : i32
    %dma_start3A_70 = tpu.memref_slice %arg5[%arg0, %add3A_60, %dma_start3A_69] : memref<2x10240x128xf32, #tpu.memory_space<hbm>> -> memref<1x128x128xf32, #tpu.memory_space<hbm>>
    %dma_start3A_71 = tpu.memref_squeeze %dma_start3A_70 : memref<1x128x128xf32, #tpu.memory_space<hbm>> -> memref<128x128xf32, #tpu.memory_space<hbm>>
    %dma_start3A_72 = arith.constant 0 : i32
    %dma_start3A_73 = tpu.memref_slice %arg5[%arg0, %add3A_60, %dma_start3A_72] : memref<2x10240x128xf32, #tpu.memory_space<hbm>> -> memref<1x128x128xf32, #tpu.memory_space<hbm>>
    %dma_start3A_74 = tpu.memref_squeeze %dma_start3A_73 : memref<1x128x128xf32, #tpu.memory_space<hbm>> -> memref<128x128xf32, #tpu.memory_space<hbm>>
    tpu.enqueue_dma source(%arg9 : memref<128x128xf32, #tpu.memory_space<vmem>>) target(%dma_start3A_74 : memref<128x128xf32, #tpu.memory_space<hbm>>) target_semaphore(%arg10 : memref<!tpu.dma_semaphore, #tpu.memory_space<semaphore_mem>>)
    %add3A_75 = arith.constant 512 : i32
    %add3A_76 = arith.addi %mul3A_2, %add3A_75 : i32
    %add3A_77 = arith.constant 384 : i32
    %add3A_78 = arith.addi %mul3A_2, %add3A_77 : i32
    %dma_wait3A_79 = arith.constant 0 : i32
    %dma_wait3A_80 = tpu.memref_slice %arg5[%arg0, %add3A_78, %dma_wait3A_79] : memref<2x10240x128xf32, #tpu.memory_space<hbm>> -> memref<1x128x128xf32, #tpu.memory_space<hbm>>
    %dma_wait3A_81 = tpu.memref_squeeze %dma_wait3A_80 : memref<1x128x128xf32, #tpu.memory_space<hbm>> -> memref<128x128xf32, #tpu.memory_space<hbm>>
    %dma_wait3A_82 = arith.constant 0 : i32
    %dma_wait3A_83 = tpu.memref_slice %arg5[%arg0, %add3A_78, %dma_wait3A_82] : memref<2x10240x128xf32, #tpu.memory_space<hbm>> -> memref<1x128x128xf32, #tpu.memory_space<hbm>>
    %dma_wait3A_84 = tpu.memref_squeeze %dma_wait3A_83 : memref<1x128x128xf32, #tpu.memory_space<hbm>> -> memref<128x128xf32, #tpu.memory_space<hbm>>
    tpu.wait_dma2 semaphore(%arg10 : memref<!tpu.dma_semaphore, #tpu.memory_space<semaphore_mem>>) src(%arg9 : memref<128x128xf32, #tpu.memory_space<vmem>>) dst(%dma_wait3A_84 : memref<128x128xf32, #tpu.memory_space<hbm>>)
    "tpu.region"() ({
      %run_scoped3A = tpu.sem_alloc : memref<!tpu.dma_semaphore, #tpu.memory_space<semaphore_mem>>
      %dma_start3A_99 = arith.constant 0 : i32
      %dma_start3A_100 = tpu.memref_slice %arg6[%add3A_76, %dma_start3A_99] : memref<10240x128xf32, #tpu.memory_space<vmem_shared>> -> memref<128x128xf32, #tpu.memory_space<vmem_shared>>
      %dma_start3A_101 = arith.constant 0 : i32
      %dma_start3A_102 = tpu.memref_slice %arg6[%add3A_76, %dma_start3A_101] : memref<10240x128xf32, #tpu.memory_space<vmem_shared>> -> memref<128x128xf32, #tpu.memory_space<vmem_shared>>
      tpu.enqueue_dma source(%dma_start3A_102 : memref<128x128xf32, #tpu.memory_space<vmem_shared>>) target(%arg9 : memref<128x128xf32, #tpu.memory_space<vmem>>) target_semaphore(%run_scoped3A : memref<!tpu.dma_semaphore, #tpu.memory_space<semaphore_mem>>)
      %dma_wait3A_103 = arith.constant 0 : i32
      %dma_wait3A_104 = tpu.memref_slice %arg6[%add3A_76, %dma_wait3A_103] : memref<10240x128xf32, #tpu.memory_space<vmem_shared>> -> memref<128x128xf32, #tpu.memory_space<vmem_shared>>
      %dma_wait3A_105 = arith.constant 0 : i32
      %dma_wait3A_106 = tpu.memref_slice %arg6[%add3A_76, %dma_wait3A_105] : memref<10240x128xf32, #tpu.memory_space<vmem_shared>> -> memref<128x128xf32, #tpu.memory_space<vmem_shared>>
      tpu.wait_dma2 semaphore(%run_scoped3A : memref<!tpu.dma_semaphore, #tpu.memory_space<semaphore_mem>>) src(%dma_wait3A_106 : memref<128x128xf32, #tpu.memory_space<vmem_shared>>) dst(%arg9 : memref<128x128xf32, #tpu.memory_space<vmem>>)
      tpu.yield
    }) : () -> ()
    %dma_start3A_85 = arith.constant 0 : i32
    %dma_start3A_86 = tpu.memref_slice %arg5[%arg0, %add3A_76, %dma_start3A_85] : memref<2x10240x128xf32, #tpu.memory_space<hbm>> -> memref<1x128x128xf32, #tpu.memory_space<hbm>>
    %dma_start3A_87 = tpu.memref_squeeze %dma_start3A_86 : memref<1x128x128xf32, #tpu.memory_space<hbm>> -> memref<128x128xf32, #tpu.memory_space<hbm>>
    %dma_start3A_88 = arith.constant 0 : i32
    %dma_start3A_89 = tpu.memref_slice %arg5[%arg0, %add3A_76, %dma_start3A_88] : memref<2x10240x128xf32, #tpu.memory_space<hbm>> -> memref<1x128x128xf32, #tpu.memory_space<hbm>>
    %dma_start3A_90 = tpu.memref_squeeze %dma_start3A_89 : memref<1x128x128xf32, #tpu.memory_space<hbm>> -> memref<128x128xf32, #tpu.memory_space<hbm>>
    tpu.enqueue_dma source(%arg9 : memref<128x128xf32, #tpu.memory_space<vmem>>) target(%dma_start3A_90 : memref<128x128xf32, #tpu.memory_space<hbm>>) target_semaphore(%arg10 : memref<!tpu.dma_semaphore, #tpu.memory_space<semaphore_mem>>)
    %add3A_91 = arith.constant 512 : i32
    %add3A_92 = arith.addi %mul3A_2, %add3A_91 : i32
    %dma_wait3A_93 = arith.constant 0 : i32
    %dma_wait3A_94 = tpu.memref_slice %arg5[%arg0, %add3A_92, %dma_wait3A_93] : memref<2x10240x128xf32, #tpu.memory_space<hbm>> -> memref<1x128x128xf32, #tpu.memory_space<hbm>>
    %dma_wait3A_95 = tpu.memref_squeeze %dma_wait3A_94 : memref<1x128x128xf32, #tpu.memory_space<hbm>> -> memref<128x128xf32, #tpu.memory_space<hbm>>
    %dma_wait3A_96 = arith.constant 0 : i32
    %dma_wait3A_97 = tpu.memref_slice %arg5[%arg0, %add3A_92, %dma_wait3A_96] : memref<2x10240x128xf32, #tpu.memory_space<hbm>> -> memref<1x128x128xf32, #tpu.memory_space<hbm>>
    %dma_wait3A_98 = tpu.memref_squeeze %dma_wait3A_97 : memref<1x128x128xf32, #tpu.memory_space<hbm>> -> memref<128x128xf32, #tpu.memory_space<hbm>>
    tpu.wait_dma2 semaphore(%arg10 : memref<!tpu.dma_semaphore, #tpu.memory_space<semaphore_mem>>) src(%arg9 : memref<128x128xf32, #tpu.memory_space<vmem>>) dst(%dma_wait3A_98 : memref<128x128xf32, #tpu.memory_space<hbm>>)
    return
  }
}

#map = affine_map<(d0, d1) -> (0, 0)>
#map1 = affine_map<(d0, d1) -> (0, 0, 0)>
module attributes {stable_mosaic.version = 14 : i64} {
  func.func @k(%arg0: i32, %arg1: i32, %arg2: memref<10000x128xf32, #tpu.memory_space<hbm>>, %arg3: memref<1280x128xi32, #tpu.memory_space<hbm>>, %arg4: memref<1280x128xi32, #tpu.memory_space<hbm>>, %arg5: memref<128x128xf32, #tpu.memory_space<hbm>>, %arg6: memref<2x10240x128xf32, #tpu.memory_space<hbm>>, %arg7: memref<10240x128xf32, #tpu.memory_space<vmem_shared>>, %arg8: memref<40x128xi32, #tpu.memory_space<vmem>>, %arg9: memref<40x128xi32, #tpu.memory_space<vmem>>, %arg10: memref<128x128xf32, #tpu.memory_space<vmem>>, %arg11: memref<128x128xf32, #tpu.memory_space<vmem>>, %arg12: memref<!tpu.dma_semaphore, #tpu.memory_space<semaphore_mem>>, %arg13: memref<!tpu.dma_semaphore, #tpu.memory_space<semaphore_mem>>) attributes {dimension_semantics = [#tpu.dimension_semantics<core_parallel>, #tpu.dimension_semantics<subcore_parallel>], iteration_bounds = array<i64: 2, 16>, scalar_prefetch = 0 : i64, scratch_operands = 7 : i64, tpu.core_type = #tpu.core_type<sc_vector_subcore>, window_params = [{transform_indices = #map}, {transform_indices = #map}, {transform_indices = #map}, {transform_indices = #map}, {transform_indices = #map1}]} {
    %mul3A = arith.constant 2 : i32
    %mul3A_0 = arith.muli %arg1, %mul3A : i32
    %add3A = arith.addi %mul3A_0, %arg0 : i32
    %mul3A_1 = arith.constant 640 : i32
    %mul3A_2 = arith.muli %arg1, %mul3A_1 : i32
    %mul3A_3 = arith.constant 40 : i32
    %mul3A_4 = arith.muli %add3A, %mul3A_3 : i32
    "tpu.region"() ({
      %run_scoped3A = tpu.sem_alloc : memref<!tpu.dma_semaphore, #tpu.memory_space<semaphore_mem>>
      %dma_start3A_113 = arith.constant 0 : i32
      %dma_start3A_114 = tpu.memref_slice %arg3[%mul3A_4, %dma_start3A_113] : memref<1280x128xi32, #tpu.memory_space<hbm>> -> memref<40x128xi32, #tpu.memory_space<hbm>>
      %dma_start3A_115 = arith.constant 0 : i32
      %dma_start3A_116 = tpu.memref_slice %arg3[%mul3A_4, %dma_start3A_115] : memref<1280x128xi32, #tpu.memory_space<hbm>> -> memref<40x128xi32, #tpu.memory_space<hbm>>
      tpu.enqueue_dma source(%dma_start3A_116 : memref<40x128xi32, #tpu.memory_space<hbm>>) target(%arg8 : memref<40x128xi32, #tpu.memory_space<vmem>>) target_semaphore(%run_scoped3A : memref<!tpu.dma_semaphore, #tpu.memory_space<semaphore_mem>>)
      %dma_wait3A_117 = arith.constant 0 : i32
      %dma_wait3A_118 = tpu.memref_slice %arg3[%mul3A_4, %dma_wait3A_117] : memref<1280x128xi32, #tpu.memory_space<hbm>> -> memref<40x128xi32, #tpu.memory_space<hbm>>
      %dma_wait3A_119 = arith.constant 0 : i32
      %dma_wait3A_120 = tpu.memref_slice %arg3[%mul3A_4, %dma_wait3A_119] : memref<1280x128xi32, #tpu.memory_space<hbm>> -> memref<40x128xi32, #tpu.memory_space<hbm>>
      tpu.wait_dma2 semaphore(%run_scoped3A : memref<!tpu.dma_semaphore, #tpu.memory_space<semaphore_mem>>) src(%dma_wait3A_120 : memref<40x128xi32, #tpu.memory_space<hbm>>) dst(%arg8 : memref<40x128xi32, #tpu.memory_space<vmem>>)
      tpu.yield
    }) : () -> ()
    "tpu.region"() ({
      %run_scoped3A = tpu.sem_alloc : memref<!tpu.dma_semaphore, #tpu.memory_space<semaphore_mem>>
      %dma_start3A_113 = arith.constant 0 : i32
      %dma_start3A_114 = tpu.memref_slice %arg4[%mul3A_4, %dma_start3A_113] : memref<1280x128xi32, #tpu.memory_space<hbm>> -> memref<40x128xi32, #tpu.memory_space<hbm>>
      %dma_start3A_115 = arith.constant 0 : i32
      %dma_start3A_116 = tpu.memref_slice %arg4[%mul3A_4, %dma_start3A_115] : memref<1280x128xi32, #tpu.memory_space<hbm>> -> memref<40x128xi32, #tpu.memory_space<hbm>>
      tpu.enqueue_dma source(%dma_start3A_116 : memref<40x128xi32, #tpu.memory_space<hbm>>) target(%arg9 : memref<40x128xi32, #tpu.memory_space<vmem>>) target_semaphore(%run_scoped3A : memref<!tpu.dma_semaphore, #tpu.memory_space<semaphore_mem>>)
      %dma_wait3A_117 = arith.constant 0 : i32
      %dma_wait3A_118 = tpu.memref_slice %arg4[%mul3A_4, %dma_wait3A_117] : memref<1280x128xi32, #tpu.memory_space<hbm>> -> memref<40x128xi32, #tpu.memory_space<hbm>>
      %dma_wait3A_119 = arith.constant 0 : i32
      %dma_wait3A_120 = tpu.memref_slice %arg4[%mul3A_4, %dma_wait3A_119] : memref<1280x128xi32, #tpu.memory_space<hbm>> -> memref<40x128xi32, #tpu.memory_space<hbm>>
      tpu.wait_dma2 semaphore(%run_scoped3A : memref<!tpu.dma_semaphore, #tpu.memory_space<semaphore_mem>>) src(%dma_wait3A_120 : memref<40x128xi32, #tpu.memory_space<hbm>>) dst(%arg9 : memref<40x128xi32, #tpu.memory_space<vmem>>)
      tpu.yield
    }) : () -> ()
    "tpu.region"() ({
      %run_scoped3A = tpu.sem_alloc : memref<!tpu.dma_semaphore, #tpu.memory_space<semaphore_mem>>
      tpu.enqueue_dma source(%arg5 : memref<128x128xf32, #tpu.memory_space<hbm>>) target(%arg10 : memref<128x128xf32, #tpu.memory_space<vmem>>) target_semaphore(%run_scoped3A : memref<!tpu.dma_semaphore, #tpu.memory_space<semaphore_mem>>)
      tpu.wait_dma2 semaphore(%run_scoped3A : memref<!tpu.dma_semaphore, #tpu.memory_space<semaphore_mem>>) src(%arg5 : memref<128x128xf32, #tpu.memory_space<hbm>>) dst(%arg10 : memref<128x128xf32, #tpu.memory_space<vmem>>)
      tpu.yield
    }) : () -> ()
    %add3A_5 = arith.constant 0 : i32
    %add3A_6 = arith.addi %mul3A_2, %add3A_5 : i32
    "tpu.region"() ({
      %run_scoped3A = tpu.sem_alloc : memref<!tpu.dma_semaphore, #tpu.memory_space<semaphore_mem>>
      %dma_start3A_113 = arith.constant 0 : i32
      %dma_start3A_114 = tpu.memref_slice %arg7[%add3A_6, %dma_start3A_113] : memref<10240x128xf32, #tpu.memory_space<vmem_shared>> -> memref<128x128xf32, #tpu.memory_space<vmem_shared>>
      %dma_start3A_115 = arith.constant 0 : i32
      %dma_start3A_116 = tpu.memref_slice %arg7[%add3A_6, %dma_start3A_115] : memref<10240x128xf32, #tpu.memory_space<vmem_shared>> -> memref<128x128xf32, #tpu.memory_space<vmem_shared>>
      tpu.enqueue_dma source(%arg10 : memref<128x128xf32, #tpu.memory_space<vmem>>) target(%dma_start3A_116 : memref<128x128xf32, #tpu.memory_space<vmem_shared>>) target_semaphore(%run_scoped3A : memref<!tpu.dma_semaphore, #tpu.memory_space<semaphore_mem>>)
      %dma_wait3A_117 = arith.constant 0 : i32
      %dma_wait3A_118 = tpu.memref_slice %arg7[%add3A_6, %dma_wait3A_117] : memref<10240x128xf32, #tpu.memory_space<vmem_shared>> -> memref<128x128xf32, #tpu.memory_space<vmem_shared>>
      %dma_wait3A_119 = arith.constant 0 : i32
      %dma_wait3A_120 = tpu.memref_slice %arg7[%add3A_6, %dma_wait3A_119] : memref<10240x128xf32, #tpu.memory_space<vmem_shared>> -> memref<128x128xf32, #tpu.memory_space<vmem_shared>>
      tpu.wait_dma2 semaphore(%run_scoped3A : memref<!tpu.dma_semaphore, #tpu.memory_space<semaphore_mem>>) src(%arg10 : memref<128x128xf32, #tpu.memory_space<vmem>>) dst(%dma_wait3A_120 : memref<128x128xf32, #tpu.memory_space<vmem_shared>>)
      tpu.yield
    }) : () -> ()
    %add3A_7 = arith.constant 128 : i32
    %add3A_8 = arith.addi %mul3A_2, %add3A_7 : i32
    "tpu.region"() ({
      %run_scoped3A = tpu.sem_alloc : memref<!tpu.dma_semaphore, #tpu.memory_space<semaphore_mem>>
      %dma_start3A_113 = arith.constant 0 : i32
      %dma_start3A_114 = tpu.memref_slice %arg7[%add3A_8, %dma_start3A_113] : memref<10240x128xf32, #tpu.memory_space<vmem_shared>> -> memref<128x128xf32, #tpu.memory_space<vmem_shared>>
      %dma_start3A_115 = arith.constant 0 : i32
      %dma_start3A_116 = tpu.memref_slice %arg7[%add3A_8, %dma_start3A_115] : memref<10240x128xf32, #tpu.memory_space<vmem_shared>> -> memref<128x128xf32, #tpu.memory_space<vmem_shared>>
      tpu.enqueue_dma source(%arg10 : memref<128x128xf32, #tpu.memory_space<vmem>>) target(%dma_start3A_116 : memref<128x128xf32, #tpu.memory_space<vmem_shared>>) target_semaphore(%run_scoped3A : memref<!tpu.dma_semaphore, #tpu.memory_space<semaphore_mem>>)
      %dma_wait3A_117 = arith.constant 0 : i32
      %dma_wait3A_118 = tpu.memref_slice %arg7[%add3A_8, %dma_wait3A_117] : memref<10240x128xf32, #tpu.memory_space<vmem_shared>> -> memref<128x128xf32, #tpu.memory_space<vmem_shared>>
      %dma_wait3A_119 = arith.constant 0 : i32
      %dma_wait3A_120 = tpu.memref_slice %arg7[%add3A_8, %dma_wait3A_119] : memref<10240x128xf32, #tpu.memory_space<vmem_shared>> -> memref<128x128xf32, #tpu.memory_space<vmem_shared>>
      tpu.wait_dma2 semaphore(%run_scoped3A : memref<!tpu.dma_semaphore, #tpu.memory_space<semaphore_mem>>) src(%arg10 : memref<128x128xf32, #tpu.memory_space<vmem>>) dst(%dma_wait3A_120 : memref<128x128xf32, #tpu.memory_space<vmem_shared>>)
      tpu.yield
    }) : () -> ()
    %add3A_9 = arith.constant 256 : i32
    %add3A_10 = arith.addi %mul3A_2, %add3A_9 : i32
    "tpu.region"() ({
      %run_scoped3A = tpu.sem_alloc : memref<!tpu.dma_semaphore, #tpu.memory_space<semaphore_mem>>
      %dma_start3A_113 = arith.constant 0 : i32
      %dma_start3A_114 = tpu.memref_slice %arg7[%add3A_10, %dma_start3A_113] : memref<10240x128xf32, #tpu.memory_space<vmem_shared>> -> memref<128x128xf32, #tpu.memory_space<vmem_shared>>
      %dma_start3A_115 = arith.constant 0 : i32
      %dma_start3A_116 = tpu.memref_slice %arg7[%add3A_10, %dma_start3A_115] : memref<10240x128xf32, #tpu.memory_space<vmem_shared>> -> memref<128x128xf32, #tpu.memory_space<vmem_shared>>
      tpu.enqueue_dma source(%arg10 : memref<128x128xf32, #tpu.memory_space<vmem>>) target(%dma_start3A_116 : memref<128x128xf32, #tpu.memory_space<vmem_shared>>) target_semaphore(%run_scoped3A : memref<!tpu.dma_semaphore, #tpu.memory_space<semaphore_mem>>)
      %dma_wait3A_117 = arith.constant 0 : i32
      %dma_wait3A_118 = tpu.memref_slice %arg7[%add3A_10, %dma_wait3A_117] : memref<10240x128xf32, #tpu.memory_space<vmem_shared>> -> memref<128x128xf32, #tpu.memory_space<vmem_shared>>
      %dma_wait3A_119 = arith.constant 0 : i32
      %dma_wait3A_120 = tpu.memref_slice %arg7[%add3A_10, %dma_wait3A_119] : memref<10240x128xf32, #tpu.memory_space<vmem_shared>> -> memref<128x128xf32, #tpu.memory_space<vmem_shared>>
      tpu.wait_dma2 semaphore(%run_scoped3A : memref<!tpu.dma_semaphore, #tpu.memory_space<semaphore_mem>>) src(%arg10 : memref<128x128xf32, #tpu.memory_space<vmem>>) dst(%dma_wait3A_120 : memref<128x128xf32, #tpu.memory_space<vmem_shared>>)
      tpu.yield
    }) : () -> ()
    %add3A_11 = arith.constant 384 : i32
    %add3A_12 = arith.addi %mul3A_2, %add3A_11 : i32
    "tpu.region"() ({
      %run_scoped3A = tpu.sem_alloc : memref<!tpu.dma_semaphore, #tpu.memory_space<semaphore_mem>>
      %dma_start3A_113 = arith.constant 0 : i32
      %dma_start3A_114 = tpu.memref_slice %arg7[%add3A_12, %dma_start3A_113] : memref<10240x128xf32, #tpu.memory_space<vmem_shared>> -> memref<128x128xf32, #tpu.memory_space<vmem_shared>>
      %dma_start3A_115 = arith.constant 0 : i32
      %dma_start3A_116 = tpu.memref_slice %arg7[%add3A_12, %dma_start3A_115] : memref<10240x128xf32, #tpu.memory_space<vmem_shared>> -> memref<128x128xf32, #tpu.memory_space<vmem_shared>>
      tpu.enqueue_dma source(%arg10 : memref<128x128xf32, #tpu.memory_space<vmem>>) target(%dma_start3A_116 : memref<128x128xf32, #tpu.memory_space<vmem_shared>>) target_semaphore(%run_scoped3A : memref<!tpu.dma_semaphore, #tpu.memory_space<semaphore_mem>>)
      %dma_wait3A_117 = arith.constant 0 : i32
      %dma_wait3A_118 = tpu.memref_slice %arg7[%add3A_12, %dma_wait3A_117] : memref<10240x128xf32, #tpu.memory_space<vmem_shared>> -> memref<128x128xf32, #tpu.memory_space<vmem_shared>>
      %dma_wait3A_119 = arith.constant 0 : i32
      %dma_wait3A_120 = tpu.memref_slice %arg7[%add3A_12, %dma_wait3A_119] : memref<10240x128xf32, #tpu.memory_space<vmem_shared>> -> memref<128x128xf32, #tpu.memory_space<vmem_shared>>
      tpu.wait_dma2 semaphore(%run_scoped3A : memref<!tpu.dma_semaphore, #tpu.memory_space<semaphore_mem>>) src(%arg10 : memref<128x128xf32, #tpu.memory_space<vmem>>) dst(%dma_wait3A_120 : memref<128x128xf32, #tpu.memory_space<vmem_shared>>)
      tpu.yield
    }) : () -> ()
    %add3A_13 = arith.constant 512 : i32
    %add3A_14 = arith.addi %mul3A_2, %add3A_13 : i32
    "tpu.region"() ({
      %run_scoped3A = tpu.sem_alloc : memref<!tpu.dma_semaphore, #tpu.memory_space<semaphore_mem>>
      %dma_start3A_113 = arith.constant 0 : i32
      %dma_start3A_114 = tpu.memref_slice %arg7[%add3A_14, %dma_start3A_113] : memref<10240x128xf32, #tpu.memory_space<vmem_shared>> -> memref<128x128xf32, #tpu.memory_space<vmem_shared>>
      %dma_start3A_115 = arith.constant 0 : i32
      %dma_start3A_116 = tpu.memref_slice %arg7[%add3A_14, %dma_start3A_115] : memref<10240x128xf32, #tpu.memory_space<vmem_shared>> -> memref<128x128xf32, #tpu.memory_space<vmem_shared>>
      tpu.enqueue_dma source(%arg10 : memref<128x128xf32, #tpu.memory_space<vmem>>) target(%dma_start3A_116 : memref<128x128xf32, #tpu.memory_space<vmem_shared>>) target_semaphore(%run_scoped3A : memref<!tpu.dma_semaphore, #tpu.memory_space<semaphore_mem>>)
      %dma_wait3A_117 = arith.constant 0 : i32
      %dma_wait3A_118 = tpu.memref_slice %arg7[%add3A_14, %dma_wait3A_117] : memref<10240x128xf32, #tpu.memory_space<vmem_shared>> -> memref<128x128xf32, #tpu.memory_space<vmem_shared>>
      %dma_wait3A_119 = arith.constant 0 : i32
      %dma_wait3A_120 = tpu.memref_slice %arg7[%add3A_14, %dma_wait3A_119] : memref<10240x128xf32, #tpu.memory_space<vmem_shared>> -> memref<128x128xf32, #tpu.memory_space<vmem_shared>>
      tpu.wait_dma2 semaphore(%run_scoped3A : memref<!tpu.dma_semaphore, #tpu.memory_space<semaphore_mem>>) src(%arg10 : memref<128x128xf32, #tpu.memory_space<vmem>>) dst(%dma_wait3A_120 : memref<128x128xf32, #tpu.memory_space<vmem_shared>>)
      tpu.yield
    }) : () -> ()
    %dma_start3A = arith.constant 0 : i32
    %dma_start3A_15 = arith.constant 0 : i32
    %dma_start3A_16 = tpu.memref_slice %arg8[%dma_start3A, %dma_start3A_15] : memref<40x128xi32, #tpu.memory_space<vmem>> -> memref<1x128xi32, #tpu.memory_space<vmem>>
    %dma_start3A_17 = tpu.memref_squeeze %dma_start3A_16 : memref<1x128xi32, #tpu.memory_space<vmem>> -> memref<128xi32, #tpu.memory_space<vmem>>
    %dma_start3A_18 = arith.constant 0 : i32
    %dma_start3A_19 = arith.constant 0 : i32
    %dma_start3A_20 = tpu.memref_slice %arg2[%dma_start3A_18, %dma_start3A_19] : memref<10000x128xf32, #tpu.memory_space<hbm>> -> memref<10000x128xf32, #tpu.memory_space<hbm>>
    tpu.enqueue_indirect_dma source(%dma_start3A_20 : memref<10000x128xf32, #tpu.memory_space<hbm>>) target(%arg10 : memref<128x128xf32, #tpu.memory_space<vmem>>) offsets(%dma_start3A_17 : memref<128xi32, #tpu.memory_space<vmem>>) semaphore(%arg12 : memref<!tpu.dma_semaphore, #tpu.memory_space<semaphore_mem>>)
    %dma_start3A_21 = arith.constant 1 : i32
    %dma_start3A_22 = arith.constant 0 : i32
    %dma_start3A_23 = tpu.memref_slice %arg8[%dma_start3A_21, %dma_start3A_22] : memref<40x128xi32, #tpu.memory_space<vmem>> -> memref<1x128xi32, #tpu.memory_space<vmem>>
    %dma_start3A_24 = tpu.memref_squeeze %dma_start3A_23 : memref<1x128xi32, #tpu.memory_space<vmem>> -> memref<128xi32, #tpu.memory_space<vmem>>
    %dma_start3A_25 = arith.constant 0 : i32
    %dma_start3A_26 = arith.constant 0 : i32
    %dma_start3A_27 = tpu.memref_slice %arg2[%dma_start3A_25, %dma_start3A_26] : memref<10000x128xf32, #tpu.memory_space<hbm>> -> memref<10000x128xf32, #tpu.memory_space<hbm>>
    tpu.enqueue_indirect_dma source(%dma_start3A_27 : memref<10000x128xf32, #tpu.memory_space<hbm>>) target(%arg11 : memref<128x128xf32, #tpu.memory_space<vmem>>) offsets(%dma_start3A_24 : memref<128xi32, #tpu.memory_space<vmem>>) semaphore(%arg13 : memref<!tpu.dma_semaphore, #tpu.memory_space<semaphore_mem>>)
    %barrier3A = arith.constant 0 : index
    tpu.barrier barrier_id(%barrier3A)
    %scan3A = arith.constant 0 : i32
    %scan3A_28 = arith.constant 0 : i32
    %scan3A_29 = arith.constant 20 : i32
    %scan3A_30 = arith.addi %scan3A_28, %scan3A_29 : i32
    %scan3A_31 = arith.constant 1 : i32
    scf.for %scan3A_113 = %scan3A_28 to %scan3A_30 step %scan3A_31  : i32 {
      %mul3A_114 = arith.constant 2 : i32
      %mul3A_115 = arith.muli %scan3A_113, %mul3A_114 : i32
      %add3A_116 = arith.constant 0 : i32
      %add3A_117 = arith.addi %mul3A_115, %add3A_116 : i32
      %dma_wait3A_118 = arith.constant 0 : i32
      %dma_wait3A_119 = tpu.memref_slice %arg8[%add3A_117, %dma_wait3A_118] : memref<40x128xi32, #tpu.memory_space<vmem>> -> memref<1x128xi32, #tpu.memory_space<vmem>>
      %dma_wait3A_120 = tpu.memref_squeeze %dma_wait3A_119 : memref<1x128xi32, #tpu.memory_space<vmem>> -> memref<128xi32, #tpu.memory_space<vmem>>
      %dma_wait3A_121 = arith.constant 0 : i32
      %dma_wait3A_122 = arith.constant 0 : i32
      %dma_wait3A_123 = tpu.memref_slice %arg2[%dma_wait3A_121, %dma_wait3A_122] : memref<10000x128xf32, #tpu.memory_space<hbm>> -> memref<10000x128xf32, #tpu.memory_space<hbm>>
      tpu.wait_indirect_dma semaphore(%arg12 : memref<!tpu.dma_semaphore, #tpu.memory_space<semaphore_mem>>) src(%dma_wait3A_123 : memref<10000x128xf32, #tpu.memory_space<hbm>>) dst(%arg10 : memref<128x128xf32, #tpu.memory_space<vmem>>)
      "tpu.region"() ({
        %run_scoped3A = tpu.sem_alloc : memref<!tpu.dma_semaphore, #tpu.memory_space<semaphore_mem>>
        %dma_start3A_145 = arith.constant 0 : i32
        %dma_start3A_146 = tpu.memref_slice %arg9[%add3A_117, %dma_start3A_145] : memref<40x128xi32, #tpu.memory_space<vmem>> -> memref<1x128xi32, #tpu.memory_space<vmem>>
        %dma_start3A_147 = tpu.memref_squeeze %dma_start3A_146 : memref<1x128xi32, #tpu.memory_space<vmem>> -> memref<128xi32, #tpu.memory_space<vmem>>
        %dma_start3A_148 = arith.constant 0 : i32
        %dma_start3A_149 = arith.constant 0 : i32
        %dma_start3A_150 = tpu.memref_slice %arg7[%dma_start3A_148, %dma_start3A_149] : memref<10240x128xf32, #tpu.memory_space<vmem_shared>> -> memref<10240x128xf32, #tpu.memory_space<vmem_shared>>
        tpu.enqueue_indirect_dma source(%arg10 : memref<128x128xf32, #tpu.memory_space<vmem>>) target(%dma_start3A_150 : memref<10240x128xf32, #tpu.memory_space<vmem_shared>>) offsets(%dma_start3A_147 : memref<128xi32, #tpu.memory_space<vmem>>) semaphore(%run_scoped3A : memref<!tpu.dma_semaphore, #tpu.memory_space<semaphore_mem>>) {add = true}
        %dma_wait3A_151 = arith.constant 0 : i32
        %dma_wait3A_152 = tpu.memref_slice %arg9[%add3A_117, %dma_wait3A_151] : memref<40x128xi32, #tpu.memory_space<vmem>> -> memref<1x128xi32, #tpu.memory_space<vmem>>
        %dma_wait3A_153 = tpu.memref_squeeze %dma_wait3A_152 : memref<1x128xi32, #tpu.memory_space<vmem>> -> memref<128xi32, #tpu.memory_space<vmem>>
        %dma_wait3A_154 = arith.constant 0 : i32
        %dma_wait3A_155 = arith.constant 0 : i32
        %dma_wait3A_156 = tpu.memref_slice %arg7[%dma_wait3A_154, %dma_wait3A_155] : memref<10240x128xf32, #tpu.memory_space<vmem_shared>> -> memref<10240x128xf32, #tpu.memory_space<vmem_shared>>
        tpu.wait_indirect_dma semaphore(%run_scoped3A : memref<!tpu.dma_semaphore, #tpu.memory_space<semaphore_mem>>) src(%arg10 : memref<128x128xf32, #tpu.memory_space<vmem>>) dst(%dma_wait3A_156 : memref<10240x128xf32, #tpu.memory_space<vmem_shared>>)
        tpu.yield
      }) : () -> ()
      %add3A_124 = arith.constant 2 : i32
      %add3A_125 = arith.addi %add3A_117, %add3A_124 : i32
      %lt3A = arith.constant 40 : i32
      %lt3A_126 = arith.cmpi slt, %add3A_125, %lt3A : i32
      %convert_element_type3A = arith.extui %lt3A_126 : i1 to i32
      %cond3A = arith.constant 0 : i32
      %cond3A_127 = arith.cmpi ne, %convert_element_type3A, %cond3A : i32
      scf.if %cond3A_127 {
        %dma_start3A_145 = arith.constant 0 : i32
        %dma_start3A_146 = tpu.memref_slice %arg8[%add3A_125, %dma_start3A_145] : memref<40x128xi32, #tpu.memory_space<vmem>> -> memref<1x128xi32, #tpu.memory_space<vmem>>
        %dma_start3A_147 = tpu.memref_squeeze %dma_start3A_146 : memref<1x128xi32, #tpu.memory_space<vmem>> -> memref<128xi32, #tpu.memory_space<vmem>>
        %dma_start3A_148 = arith.constant 0 : i32
        %dma_start3A_149 = arith.constant 0 : i32
        %dma_start3A_150 = tpu.memref_slice %arg2[%dma_start3A_148, %dma_start3A_149] : memref<10000x128xf32, #tpu.memory_space<hbm>> -> memref<10000x128xf32, #tpu.memory_space<hbm>>
        tpu.enqueue_indirect_dma source(%dma_start3A_150 : memref<10000x128xf32, #tpu.memory_space<hbm>>) target(%arg10 : memref<128x128xf32, #tpu.memory_space<vmem>>) offsets(%dma_start3A_147 : memref<128xi32, #tpu.memory_space<vmem>>) semaphore(%arg12 : memref<!tpu.dma_semaphore, #tpu.memory_space<semaphore_mem>>)
      } else {
      }
      %mul3A_128 = arith.constant 2 : i32
      %mul3A_129 = arith.muli %scan3A_113, %mul3A_128 : i32
      %add3A_130 = arith.constant 1 : i32
      %add3A_131 = arith.addi %mul3A_129, %add3A_130 : i32
      %dma_wait3A_132 = arith.constant 0 : i32
      %dma_wait3A_133 = tpu.memref_slice %arg8[%add3A_131, %dma_wait3A_132] : memref<40x128xi32, #tpu.memory_space<vmem>> -> memref<1x128xi32, #tpu.memory_space<vmem>>
      %dma_wait3A_134 = tpu.memref_squeeze %dma_wait3A_133 : memref<1x128xi32, #tpu.memory_space<vmem>> -> memref<128xi32, #tpu.memory_space<vmem>>
      %dma_wait3A_135 = arith.constant 0 : i32
      %dma_wait3A_136 = arith.constant 0 : i32
      %dma_wait3A_137 = tpu.memref_slice %arg2[%dma_wait3A_135, %dma_wait3A_136] : memref<10000x128xf32, #tpu.memory_space<hbm>> -> memref<10000x128xf32, #tpu.memory_space<hbm>>
      tpu.wait_indirect_dma semaphore(%arg13 : memref<!tpu.dma_semaphore, #tpu.memory_space<semaphore_mem>>) src(%dma_wait3A_137 : memref<10000x128xf32, #tpu.memory_space<hbm>>) dst(%arg11 : memref<128x128xf32, #tpu.memory_space<vmem>>)
      "tpu.region"() ({
        %run_scoped3A = tpu.sem_alloc : memref<!tpu.dma_semaphore, #tpu.memory_space<semaphore_mem>>
        %dma_start3A_145 = arith.constant 0 : i32
        %dma_start3A_146 = tpu.memref_slice %arg9[%add3A_131, %dma_start3A_145] : memref<40x128xi32, #tpu.memory_space<vmem>> -> memref<1x128xi32, #tpu.memory_space<vmem>>
        %dma_start3A_147 = tpu.memref_squeeze %dma_start3A_146 : memref<1x128xi32, #tpu.memory_space<vmem>> -> memref<128xi32, #tpu.memory_space<vmem>>
        %dma_start3A_148 = arith.constant 0 : i32
        %dma_start3A_149 = arith.constant 0 : i32
        %dma_start3A_150 = tpu.memref_slice %arg7[%dma_start3A_148, %dma_start3A_149] : memref<10240x128xf32, #tpu.memory_space<vmem_shared>> -> memref<10240x128xf32, #tpu.memory_space<vmem_shared>>
        tpu.enqueue_indirect_dma source(%arg11 : memref<128x128xf32, #tpu.memory_space<vmem>>) target(%dma_start3A_150 : memref<10240x128xf32, #tpu.memory_space<vmem_shared>>) offsets(%dma_start3A_147 : memref<128xi32, #tpu.memory_space<vmem>>) semaphore(%run_scoped3A : memref<!tpu.dma_semaphore, #tpu.memory_space<semaphore_mem>>) {add = true}
        %dma_wait3A_151 = arith.constant 0 : i32
        %dma_wait3A_152 = tpu.memref_slice %arg9[%add3A_131, %dma_wait3A_151] : memref<40x128xi32, #tpu.memory_space<vmem>> -> memref<1x128xi32, #tpu.memory_space<vmem>>
        %dma_wait3A_153 = tpu.memref_squeeze %dma_wait3A_152 : memref<1x128xi32, #tpu.memory_space<vmem>> -> memref<128xi32, #tpu.memory_space<vmem>>
        %dma_wait3A_154 = arith.constant 0 : i32
        %dma_wait3A_155 = arith.constant 0 : i32
        %dma_wait3A_156 = tpu.memref_slice %arg7[%dma_wait3A_154, %dma_wait3A_155] : memref<10240x128xf32, #tpu.memory_space<vmem_shared>> -> memref<10240x128xf32, #tpu.memory_space<vmem_shared>>
        tpu.wait_indirect_dma semaphore(%run_scoped3A : memref<!tpu.dma_semaphore, #tpu.memory_space<semaphore_mem>>) src(%arg11 : memref<128x128xf32, #tpu.memory_space<vmem>>) dst(%dma_wait3A_156 : memref<10240x128xf32, #tpu.memory_space<vmem_shared>>)
        tpu.yield
      }) : () -> ()
      %add3A_138 = arith.constant 2 : i32
      %add3A_139 = arith.addi %add3A_131, %add3A_138 : i32
      %lt3A_140 = arith.constant 40 : i32
      %lt3A_141 = arith.cmpi slt, %add3A_139, %lt3A_140 : i32
      %convert_element_type3A_142 = arith.extui %lt3A_141 : i1 to i32
      %cond3A_143 = arith.constant 0 : i32
      %cond3A_144 = arith.cmpi ne, %convert_element_type3A_142, %cond3A_143 : i32
      scf.if %cond3A_144 {
        %dma_start3A_145 = arith.constant 0 : i32
        %dma_start3A_146 = tpu.memref_slice %arg8[%add3A_139, %dma_start3A_145] : memref<40x128xi32, #tpu.memory_space<vmem>> -> memref<1x128xi32, #tpu.memory_space<vmem>>
        %dma_start3A_147 = tpu.memref_squeeze %dma_start3A_146 : memref<1x128xi32, #tpu.memory_space<vmem>> -> memref<128xi32, #tpu.memory_space<vmem>>
        %dma_start3A_148 = arith.constant 0 : i32
        %dma_start3A_149 = arith.constant 0 : i32
        %dma_start3A_150 = tpu.memref_slice %arg2[%dma_start3A_148, %dma_start3A_149] : memref<10000x128xf32, #tpu.memory_space<hbm>> -> memref<10000x128xf32, #tpu.memory_space<hbm>>
        tpu.enqueue_indirect_dma source(%dma_start3A_150 : memref<10000x128xf32, #tpu.memory_space<hbm>>) target(%arg11 : memref<128x128xf32, #tpu.memory_space<vmem>>) offsets(%dma_start3A_147 : memref<128xi32, #tpu.memory_space<vmem>>) semaphore(%arg13 : memref<!tpu.dma_semaphore, #tpu.memory_space<semaphore_mem>>)
      } else {
      }
    }
    %scan3A_32 = arith.constant 20 : i32
    %barrier3A_33 = arith.constant 0 : index
    tpu.barrier barrier_id(%barrier3A_33)
    %add3A_34 = arith.constant 0 : i32
    %add3A_35 = arith.addi %mul3A_2, %add3A_34 : i32
    "tpu.region"() ({
      %run_scoped3A = tpu.sem_alloc : memref<!tpu.dma_semaphore, #tpu.memory_space<semaphore_mem>>
      %dma_start3A_113 = arith.constant 0 : i32
      %dma_start3A_114 = tpu.memref_slice %arg7[%add3A_35, %dma_start3A_113] : memref<10240x128xf32, #tpu.memory_space<vmem_shared>> -> memref<128x128xf32, #tpu.memory_space<vmem_shared>>
      %dma_start3A_115 = arith.constant 0 : i32
      %dma_start3A_116 = tpu.memref_slice %arg7[%add3A_35, %dma_start3A_115] : memref<10240x128xf32, #tpu.memory_space<vmem_shared>> -> memref<128x128xf32, #tpu.memory_space<vmem_shared>>
      tpu.enqueue_dma source(%dma_start3A_116 : memref<128x128xf32, #tpu.memory_space<vmem_shared>>) target(%arg10 : memref<128x128xf32, #tpu.memory_space<vmem>>) target_semaphore(%run_scoped3A : memref<!tpu.dma_semaphore, #tpu.memory_space<semaphore_mem>>)
      %dma_wait3A_117 = arith.constant 0 : i32
      %dma_wait3A_118 = tpu.memref_slice %arg7[%add3A_35, %dma_wait3A_117] : memref<10240x128xf32, #tpu.memory_space<vmem_shared>> -> memref<128x128xf32, #tpu.memory_space<vmem_shared>>
      %dma_wait3A_119 = arith.constant 0 : i32
      %dma_wait3A_120 = tpu.memref_slice %arg7[%add3A_35, %dma_wait3A_119] : memref<10240x128xf32, #tpu.memory_space<vmem_shared>> -> memref<128x128xf32, #tpu.memory_space<vmem_shared>>
      tpu.wait_dma2 semaphore(%run_scoped3A : memref<!tpu.dma_semaphore, #tpu.memory_space<semaphore_mem>>) src(%dma_wait3A_120 : memref<128x128xf32, #tpu.memory_space<vmem_shared>>) dst(%arg10 : memref<128x128xf32, #tpu.memory_space<vmem>>)
      tpu.yield
    }) : () -> ()
    %dma_start3A_36 = arith.constant 0 : i32
    %dma_start3A_37 = tpu.memref_slice %arg6[%arg0, %add3A_35, %dma_start3A_36] : memref<2x10240x128xf32, #tpu.memory_space<hbm>> -> memref<1x128x128xf32, #tpu.memory_space<hbm>>
    %dma_start3A_38 = tpu.memref_squeeze %dma_start3A_37 : memref<1x128x128xf32, #tpu.memory_space<hbm>> -> memref<128x128xf32, #tpu.memory_space<hbm>>
    %dma_start3A_39 = arith.constant 0 : i32
    %dma_start3A_40 = tpu.memref_slice %arg6[%arg0, %add3A_35, %dma_start3A_39] : memref<2x10240x128xf32, #tpu.memory_space<hbm>> -> memref<1x128x128xf32, #tpu.memory_space<hbm>>
    %dma_start3A_41 = tpu.memref_squeeze %dma_start3A_40 : memref<1x128x128xf32, #tpu.memory_space<hbm>> -> memref<128x128xf32, #tpu.memory_space<hbm>>
    tpu.enqueue_dma source(%arg10 : memref<128x128xf32, #tpu.memory_space<vmem>>) target(%dma_start3A_41 : memref<128x128xf32, #tpu.memory_space<hbm>>) target_semaphore(%arg12 : memref<!tpu.dma_semaphore, #tpu.memory_space<semaphore_mem>>)
    %add3A_42 = arith.constant 128 : i32
    %add3A_43 = arith.addi %mul3A_2, %add3A_42 : i32
    "tpu.region"() ({
      %run_scoped3A = tpu.sem_alloc : memref<!tpu.dma_semaphore, #tpu.memory_space<semaphore_mem>>
      %dma_start3A_113 = arith.constant 0 : i32
      %dma_start3A_114 = tpu.memref_slice %arg7[%add3A_43, %dma_start3A_113] : memref<10240x128xf32, #tpu.memory_space<vmem_shared>> -> memref<128x128xf32, #tpu.memory_space<vmem_shared>>
      %dma_start3A_115 = arith.constant 0 : i32
      %dma_start3A_116 = tpu.memref_slice %arg7[%add3A_43, %dma_start3A_115] : memref<10240x128xf32, #tpu.memory_space<vmem_shared>> -> memref<128x128xf32, #tpu.memory_space<vmem_shared>>
      tpu.enqueue_dma source(%dma_start3A_116 : memref<128x128xf32, #tpu.memory_space<vmem_shared>>) target(%arg11 : memref<128x128xf32, #tpu.memory_space<vmem>>) target_semaphore(%run_scoped3A : memref<!tpu.dma_semaphore, #tpu.memory_space<semaphore_mem>>)
      %dma_wait3A_117 = arith.constant 0 : i32
      %dma_wait3A_118 = tpu.memref_slice %arg7[%add3A_43, %dma_wait3A_117] : memref<10240x128xf32, #tpu.memory_space<vmem_shared>> -> memref<128x128xf32, #tpu.memory_space<vmem_shared>>
      %dma_wait3A_119 = arith.constant 0 : i32
      %dma_wait3A_120 = tpu.memref_slice %arg7[%add3A_43, %dma_wait3A_119] : memref<10240x128xf32, #tpu.memory_space<vmem_shared>> -> memref<128x128xf32, #tpu.memory_space<vmem_shared>>
      tpu.wait_dma2 semaphore(%run_scoped3A : memref<!tpu.dma_semaphore, #tpu.memory_space<semaphore_mem>>) src(%dma_wait3A_120 : memref<128x128xf32, #tpu.memory_space<vmem_shared>>) dst(%arg11 : memref<128x128xf32, #tpu.memory_space<vmem>>)
      tpu.yield
    }) : () -> ()
    %dma_start3A_44 = arith.constant 0 : i32
    %dma_start3A_45 = tpu.memref_slice %arg6[%arg0, %add3A_43, %dma_start3A_44] : memref<2x10240x128xf32, #tpu.memory_space<hbm>> -> memref<1x128x128xf32, #tpu.memory_space<hbm>>
    %dma_start3A_46 = tpu.memref_squeeze %dma_start3A_45 : memref<1x128x128xf32, #tpu.memory_space<hbm>> -> memref<128x128xf32, #tpu.memory_space<hbm>>
    %dma_start3A_47 = arith.constant 0 : i32
    %dma_start3A_48 = tpu.memref_slice %arg6[%arg0, %add3A_43, %dma_start3A_47] : memref<2x10240x128xf32, #tpu.memory_space<hbm>> -> memref<1x128x128xf32, #tpu.memory_space<hbm>>
    %dma_start3A_49 = tpu.memref_squeeze %dma_start3A_48 : memref<1x128x128xf32, #tpu.memory_space<hbm>> -> memref<128x128xf32, #tpu.memory_space<hbm>>
    tpu.enqueue_dma source(%arg11 : memref<128x128xf32, #tpu.memory_space<vmem>>) target(%dma_start3A_49 : memref<128x128xf32, #tpu.memory_space<hbm>>) target_semaphore(%arg13 : memref<!tpu.dma_semaphore, #tpu.memory_space<semaphore_mem>>)
    %add3A_50 = arith.constant 256 : i32
    %add3A_51 = arith.addi %mul3A_2, %add3A_50 : i32
    %add3A_52 = arith.constant 0 : i32
    %add3A_53 = arith.addi %mul3A_2, %add3A_52 : i32
    %dma_wait3A = arith.constant 0 : i32
    %dma_wait3A_54 = tpu.memref_slice %arg6[%arg0, %add3A_53, %dma_wait3A] : memref<2x10240x128xf32, #tpu.memory_space<hbm>> -> memref<1x128x128xf32, #tpu.memory_space<hbm>>
    %dma_wait3A_55 = tpu.memref_squeeze %dma_wait3A_54 : memref<1x128x128xf32, #tpu.memory_space<hbm>> -> memref<128x128xf32, #tpu.memory_space<hbm>>
    %dma_wait3A_56 = arith.constant 0 : i32
    %dma_wait3A_57 = tpu.memref_slice %arg6[%arg0, %add3A_53, %dma_wait3A_56] : memref<2x10240x128xf32, #tpu.memory_space<hbm>> -> memref<1x128x128xf32, #tpu.memory_space<hbm>>
    %dma_wait3A_58 = tpu.memref_squeeze %dma_wait3A_57 : memref<1x128x128xf32, #tpu.memory_space<hbm>> -> memref<128x128xf32, #tpu.memory_space<hbm>>
    tpu.wait_dma2 semaphore(%arg12 : memref<!tpu.dma_semaphore, #tpu.memory_space<semaphore_mem>>) src(%arg10 : memref<128x128xf32, #tpu.memory_space<vmem>>) dst(%dma_wait3A_58 : memref<128x128xf32, #tpu.memory_space<hbm>>)
    "tpu.region"() ({
      %run_scoped3A = tpu.sem_alloc : memref<!tpu.dma_semaphore, #tpu.memory_space<semaphore_mem>>
      %dma_start3A_113 = arith.constant 0 : i32
      %dma_start3A_114 = tpu.memref_slice %arg7[%add3A_51, %dma_start3A_113] : memref<10240x128xf32, #tpu.memory_space<vmem_shared>> -> memref<128x128xf32, #tpu.memory_space<vmem_shared>>
      %dma_start3A_115 = arith.constant 0 : i32
      %dma_start3A_116 = tpu.memref_slice %arg7[%add3A_51, %dma_start3A_115] : memref<10240x128xf32, #tpu.memory_space<vmem_shared>> -> memref<128x128xf32, #tpu.memory_space<vmem_shared>>
      tpu.enqueue_dma source(%dma_start3A_116 : memref<128x128xf32, #tpu.memory_space<vmem_shared>>) target(%arg10 : memref<128x128xf32, #tpu.memory_space<vmem>>) target_semaphore(%run_scoped3A : memref<!tpu.dma_semaphore, #tpu.memory_space<semaphore_mem>>)
      %dma_wait3A_117 = arith.constant 0 : i32
      %dma_wait3A_118 = tpu.memref_slice %arg7[%add3A_51, %dma_wait3A_117] : memref<10240x128xf32, #tpu.memory_space<vmem_shared>> -> memref<128x128xf32, #tpu.memory_space<vmem_shared>>
      %dma_wait3A_119 = arith.constant 0 : i32
      %dma_wait3A_120 = tpu.memref_slice %arg7[%add3A_51, %dma_wait3A_119] : memref<10240x128xf32, #tpu.memory_space<vmem_shared>> -> memref<128x128xf32, #tpu.memory_space<vmem_shared>>
      tpu.wait_dma2 semaphore(%run_scoped3A : memref<!tpu.dma_semaphore, #tpu.memory_space<semaphore_mem>>) src(%dma_wait3A_120 : memref<128x128xf32, #tpu.memory_space<vmem_shared>>) dst(%arg10 : memref<128x128xf32, #tpu.memory_space<vmem>>)
      tpu.yield
    }) : () -> ()
    %dma_start3A_59 = arith.constant 0 : i32
    %dma_start3A_60 = tpu.memref_slice %arg6[%arg0, %add3A_51, %dma_start3A_59] : memref<2x10240x128xf32, #tpu.memory_space<hbm>> -> memref<1x128x128xf32, #tpu.memory_space<hbm>>
    %dma_start3A_61 = tpu.memref_squeeze %dma_start3A_60 : memref<1x128x128xf32, #tpu.memory_space<hbm>> -> memref<128x128xf32, #tpu.memory_space<hbm>>
    %dma_start3A_62 = arith.constant 0 : i32
    %dma_start3A_63 = tpu.memref_slice %arg6[%arg0, %add3A_51, %dma_start3A_62] : memref<2x10240x128xf32, #tpu.memory_space<hbm>> -> memref<1x128x128xf32, #tpu.memory_space<hbm>>
    %dma_start3A_64 = tpu.memref_squeeze %dma_start3A_63 : memref<1x128x128xf32, #tpu.memory_space<hbm>> -> memref<128x128xf32, #tpu.memory_space<hbm>>
    tpu.enqueue_dma source(%arg10 : memref<128x128xf32, #tpu.memory_space<vmem>>) target(%dma_start3A_64 : memref<128x128xf32, #tpu.memory_space<hbm>>) target_semaphore(%arg12 : memref<!tpu.dma_semaphore, #tpu.memory_space<semaphore_mem>>)
    %add3A_65 = arith.constant 384 : i32
    %add3A_66 = arith.addi %mul3A_2, %add3A_65 : i32
    %add3A_67 = arith.constant 128 : i32
    %add3A_68 = arith.addi %mul3A_2, %add3A_67 : i32
    %dma_wait3A_69 = arith.constant 0 : i32
    %dma_wait3A_70 = tpu.memref_slice %arg6[%arg0, %add3A_68, %dma_wait3A_69] : memref<2x10240x128xf32, #tpu.memory_space<hbm>> -> memref<1x128x128xf32, #tpu.memory_space<hbm>>
    %dma_wait3A_71 = tpu.memref_squeeze %dma_wait3A_70 : memref<1x128x128xf32, #tpu.memory_space<hbm>> -> memref<128x128xf32, #tpu.memory_space<hbm>>
    %dma_wait3A_72 = arith.constant 0 : i32
    %dma_wait3A_73 = tpu.memref_slice %arg6[%arg0, %add3A_68, %dma_wait3A_72] : memref<2x10240x128xf32, #tpu.memory_space<hbm>> -> memref<1x128x128xf32, #tpu.memory_space<hbm>>
    %dma_wait3A_74 = tpu.memref_squeeze %dma_wait3A_73 : memref<1x128x128xf32, #tpu.memory_space<hbm>> -> memref<128x128xf32, #tpu.memory_space<hbm>>
    tpu.wait_dma2 semaphore(%arg13 : memref<!tpu.dma_semaphore, #tpu.memory_space<semaphore_mem>>) src(%arg11 : memref<128x128xf32, #tpu.memory_space<vmem>>) dst(%dma_wait3A_74 : memref<128x128xf32, #tpu.memory_space<hbm>>)
    "tpu.region"() ({
      %run_scoped3A = tpu.sem_alloc : memref<!tpu.dma_semaphore, #tpu.memory_space<semaphore_mem>>
      %dma_start3A_113 = arith.constant 0 : i32
      %dma_start3A_114 = tpu.memref_slice %arg7[%add3A_66, %dma_start3A_113] : memref<10240x128xf32, #tpu.memory_space<vmem_shared>> -> memref<128x128xf32, #tpu.memory_space<vmem_shared>>
      %dma_start3A_115 = arith.constant 0 : i32
      %dma_start3A_116 = tpu.memref_slice %arg7[%add3A_66, %dma_start3A_115] : memref<10240x128xf32, #tpu.memory_space<vmem_shared>> -> memref<128x128xf32, #tpu.memory_space<vmem_shared>>
      tpu.enqueue_dma source(%dma_start3A_116 : memref<128x128xf32, #tpu.memory_space<vmem_shared>>) target(%arg11 : memref<128x128xf32, #tpu.memory_space<vmem>>) target_semaphore(%run_scoped3A : memref<!tpu.dma_semaphore, #tpu.memory_space<semaphore_mem>>)
      %dma_wait3A_117 = arith.constant 0 : i32
      %dma_wait3A_118 = tpu.memref_slice %arg7[%add3A_66, %dma_wait3A_117] : memref<10240x128xf32, #tpu.memory_space<vmem_shared>> -> memref<128x128xf32, #tpu.memory_space<vmem_shared>>
      %dma_wait3A_119 = arith.constant 0 : i32
      %dma_wait3A_120 = tpu.memref_slice %arg7[%add3A_66, %dma_wait3A_119] : memref<10240x128xf32, #tpu.memory_space<vmem_shared>> -> memref<128x128xf32, #tpu.memory_space<vmem_shared>>
      tpu.wait_dma2 semaphore(%run_scoped3A : memref<!tpu.dma_semaphore, #tpu.memory_space<semaphore_mem>>) src(%dma_wait3A_120 : memref<128x128xf32, #tpu.memory_space<vmem_shared>>) dst(%arg11 : memref<128x128xf32, #tpu.memory_space<vmem>>)
      tpu.yield
    }) : () -> ()
    %dma_start3A_75 = arith.constant 0 : i32
    %dma_start3A_76 = tpu.memref_slice %arg6[%arg0, %add3A_66, %dma_start3A_75] : memref<2x10240x128xf32, #tpu.memory_space<hbm>> -> memref<1x128x128xf32, #tpu.memory_space<hbm>>
    %dma_start3A_77 = tpu.memref_squeeze %dma_start3A_76 : memref<1x128x128xf32, #tpu.memory_space<hbm>> -> memref<128x128xf32, #tpu.memory_space<hbm>>
    %dma_start3A_78 = arith.constant 0 : i32
    %dma_start3A_79 = tpu.memref_slice %arg6[%arg0, %add3A_66, %dma_start3A_78] : memref<2x10240x128xf32, #tpu.memory_space<hbm>> -> memref<1x128x128xf32, #tpu.memory_space<hbm>>
    %dma_start3A_80 = tpu.memref_squeeze %dma_start3A_79 : memref<1x128x128xf32, #tpu.memory_space<hbm>> -> memref<128x128xf32, #tpu.memory_space<hbm>>
    tpu.enqueue_dma source(%arg11 : memref<128x128xf32, #tpu.memory_space<vmem>>) target(%dma_start3A_80 : memref<128x128xf32, #tpu.memory_space<hbm>>) target_semaphore(%arg13 : memref<!tpu.dma_semaphore, #tpu.memory_space<semaphore_mem>>)
    %add3A_81 = arith.constant 512 : i32
    %add3A_82 = arith.addi %mul3A_2, %add3A_81 : i32
    %add3A_83 = arith.constant 256 : i32
    %add3A_84 = arith.addi %mul3A_2, %add3A_83 : i32
    %dma_wait3A_85 = arith.constant 0 : i32
    %dma_wait3A_86 = tpu.memref_slice %arg6[%arg0, %add3A_84, %dma_wait3A_85] : memref<2x10240x128xf32, #tpu.memory_space<hbm>> -> memref<1x128x128xf32, #tpu.memory_space<hbm>>
    %dma_wait3A_87 = tpu.memref_squeeze %dma_wait3A_86 : memref<1x128x128xf32, #tpu.memory_space<hbm>> -> memref<128x128xf32, #tpu.memory_space<hbm>>
    %dma_wait3A_88 = arith.constant 0 : i32
    %dma_wait3A_89 = tpu.memref_slice %arg6[%arg0, %add3A_84, %dma_wait3A_88] : memref<2x10240x128xf32, #tpu.memory_space<hbm>> -> memref<1x128x128xf32, #tpu.memory_space<hbm>>
    %dma_wait3A_90 = tpu.memref_squeeze %dma_wait3A_89 : memref<1x128x128xf32, #tpu.memory_space<hbm>> -> memref<128x128xf32, #tpu.memory_space<hbm>>
    tpu.wait_dma2 semaphore(%arg12 : memref<!tpu.dma_semaphore, #tpu.memory_space<semaphore_mem>>) src(%arg10 : memref<128x128xf32, #tpu.memory_space<vmem>>) dst(%dma_wait3A_90 : memref<128x128xf32, #tpu.memory_space<hbm>>)
    "tpu.region"() ({
      %run_scoped3A = tpu.sem_alloc : memref<!tpu.dma_semaphore, #tpu.memory_space<semaphore_mem>>
      %dma_start3A_113 = arith.constant 0 : i32
      %dma_start3A_114 = tpu.memref_slice %arg7[%add3A_82, %dma_start3A_113] : memref<10240x128xf32, #tpu.memory_space<vmem_shared>> -> memref<128x128xf32, #tpu.memory_space<vmem_shared>>
      %dma_start3A_115 = arith.constant 0 : i32
      %dma_start3A_116 = tpu.memref_slice %arg7[%add3A_82, %dma_start3A_115] : memref<10240x128xf32, #tpu.memory_space<vmem_shared>> -> memref<128x128xf32, #tpu.memory_space<vmem_shared>>
      tpu.enqueue_dma source(%dma_start3A_116 : memref<128x128xf32, #tpu.memory_space<vmem_shared>>) target(%arg10 : memref<128x128xf32, #tpu.memory_space<vmem>>) target_semaphore(%run_scoped3A : memref<!tpu.dma_semaphore, #tpu.memory_space<semaphore_mem>>)
      %dma_wait3A_117 = arith.constant 0 : i32
      %dma_wait3A_118 = tpu.memref_slice %arg7[%add3A_82, %dma_wait3A_117] : memref<10240x128xf32, #tpu.memory_space<vmem_shared>> -> memref<128x128xf32, #tpu.memory_space<vmem_shared>>
      %dma_wait3A_119 = arith.constant 0 : i32
      %dma_wait3A_120 = tpu.memref_slice %arg7[%add3A_82, %dma_wait3A_119] : memref<10240x128xf32, #tpu.memory_space<vmem_shared>> -> memref<128x128xf32, #tpu.memory_space<vmem_shared>>
      tpu.wait_dma2 semaphore(%run_scoped3A : memref<!tpu.dma_semaphore, #tpu.memory_space<semaphore_mem>>) src(%dma_wait3A_120 : memref<128x128xf32, #tpu.memory_space<vmem_shared>>) dst(%arg10 : memref<128x128xf32, #tpu.memory_space<vmem>>)
      tpu.yield
    }) : () -> ()
    %dma_start3A_91 = arith.constant 0 : i32
    %dma_start3A_92 = tpu.memref_slice %arg6[%arg0, %add3A_82, %dma_start3A_91] : memref<2x10240x128xf32, #tpu.memory_space<hbm>> -> memref<1x128x128xf32, #tpu.memory_space<hbm>>
    %dma_start3A_93 = tpu.memref_squeeze %dma_start3A_92 : memref<1x128x128xf32, #tpu.memory_space<hbm>> -> memref<128x128xf32, #tpu.memory_space<hbm>>
    %dma_start3A_94 = arith.constant 0 : i32
    %dma_start3A_95 = tpu.memref_slice %arg6[%arg0, %add3A_82, %dma_start3A_94] : memref<2x10240x128xf32, #tpu.memory_space<hbm>> -> memref<1x128x128xf32, #tpu.memory_space<hbm>>
    %dma_start3A_96 = tpu.memref_squeeze %dma_start3A_95 : memref<1x128x128xf32, #tpu.memory_space<hbm>> -> memref<128x128xf32, #tpu.memory_space<hbm>>
    tpu.enqueue_dma source(%arg10 : memref<128x128xf32, #tpu.memory_space<vmem>>) target(%dma_start3A_96 : memref<128x128xf32, #tpu.memory_space<hbm>>) target_semaphore(%arg12 : memref<!tpu.dma_semaphore, #tpu.memory_space<semaphore_mem>>)
    %add3A_97 = arith.constant 384 : i32
    %add3A_98 = arith.addi %mul3A_2, %add3A_97 : i32
    %dma_wait3A_99 = arith.constant 0 : i32
    %dma_wait3A_100 = tpu.memref_slice %arg6[%arg0, %add3A_98, %dma_wait3A_99] : memref<2x10240x128xf32, #tpu.memory_space<hbm>> -> memref<1x128x128xf32, #tpu.memory_space<hbm>>
    %dma_wait3A_101 = tpu.memref_squeeze %dma_wait3A_100 : memref<1x128x128xf32, #tpu.memory_space<hbm>> -> memref<128x128xf32, #tpu.memory_space<hbm>>
    %dma_wait3A_102 = arith.constant 0 : i32
    %dma_wait3A_103 = tpu.memref_slice %arg6[%arg0, %add3A_98, %dma_wait3A_102] : memref<2x10240x128xf32, #tpu.memory_space<hbm>> -> memref<1x128x128xf32, #tpu.memory_space<hbm>>
    %dma_wait3A_104 = tpu.memref_squeeze %dma_wait3A_103 : memref<1x128x128xf32, #tpu.memory_space<hbm>> -> memref<128x128xf32, #tpu.memory_space<hbm>>
    tpu.wait_dma2 semaphore(%arg13 : memref<!tpu.dma_semaphore, #tpu.memory_space<semaphore_mem>>) src(%arg11 : memref<128x128xf32, #tpu.memory_space<vmem>>) dst(%dma_wait3A_104 : memref<128x128xf32, #tpu.memory_space<hbm>>)
    %add3A_105 = arith.constant 512 : i32
    %add3A_106 = arith.addi %mul3A_2, %add3A_105 : i32
    %dma_wait3A_107 = arith.constant 0 : i32
    %dma_wait3A_108 = tpu.memref_slice %arg6[%arg0, %add3A_106, %dma_wait3A_107] : memref<2x10240x128xf32, #tpu.memory_space<hbm>> -> memref<1x128x128xf32, #tpu.memory_space<hbm>>
    %dma_wait3A_109 = tpu.memref_squeeze %dma_wait3A_108 : memref<1x128x128xf32, #tpu.memory_space<hbm>> -> memref<128x128xf32, #tpu.memory_space<hbm>>
    %dma_wait3A_110 = arith.constant 0 : i32
    %dma_wait3A_111 = tpu.memref_slice %arg6[%arg0, %add3A_106, %dma_wait3A_110] : memref<2x10240x128xf32, #tpu.memory_space<hbm>> -> memref<1x128x128xf32, #tpu.memory_space<hbm>>
    %dma_wait3A_112 = tpu.memref_squeeze %dma_wait3A_111 : memref<1x128x128xf32, #tpu.memory_space<hbm>> -> memref<128x128xf32, #tpu.memory_space<hbm>>
    tpu.wait_dma2 semaphore(%arg12 : memref<!tpu.dma_semaphore, #tpu.memory_space<semaphore_mem>>) src(%arg10 : memref<128x128xf32, #tpu.memory_space<vmem>>) dst(%dma_wait3A_112 : memref<128x128xf32, #tpu.memory_space<hbm>>)
    return
  }
}

#map = affine_map<(d0, d1) -> (0, 0)>
#map1 = affine_map<(d0, d1) -> (0, 0, 0)>
module attributes {stable_mosaic.version = 14 : i64} {
  func.func @k(%arg0: i32, %arg1: i32, %arg2: memref<10000x128xf32, #tpu.memory_space<hbm>>, %arg3: memref<1280x128xi32, #tpu.memory_space<hbm>>, %arg4: memref<1280x128xi32, #tpu.memory_space<hbm>>, %arg5: memref<128x128xf32, #tpu.memory_space<hbm>>, %arg6: memref<2x10240x128xf32, #tpu.memory_space<hbm>>, %arg7: memref<10240x128xf32, #tpu.memory_space<vmem_shared>>, %arg8: memref<40x128xi32, #tpu.memory_space<vmem>>, %arg9: memref<40x128xi32, #tpu.memory_space<vmem>>, %arg10: memref<128x128xf32, #tpu.memory_space<vmem>>, %arg11: memref<128x128xf32, #tpu.memory_space<vmem>>, %arg12: memref<!tpu.dma_semaphore, #tpu.memory_space<semaphore_mem>>, %arg13: memref<!tpu.dma_semaphore, #tpu.memory_space<semaphore_mem>>) attributes {dimension_semantics = [#tpu.dimension_semantics<core_parallel>, #tpu.dimension_semantics<subcore_parallel>], iteration_bounds = array<i64: 2, 16>, scalar_prefetch = 0 : i64, scratch_operands = 7 : i64, tpu.core_type = #tpu.core_type<sc_vector_subcore>, window_params = [{transform_indices = #map}, {transform_indices = #map}, {transform_indices = #map}, {transform_indices = #map}, {transform_indices = #map1}]} {
    %mul3A = arith.constant 2 : i32
    %mul3A_0 = arith.muli %arg1, %mul3A : i32
    %add3A = arith.addi %mul3A_0, %arg0 : i32
    %mul3A_1 = arith.constant 640 : i32
    %mul3A_2 = arith.muli %arg1, %mul3A_1 : i32
    %mul3A_3 = arith.constant 40 : i32
    %mul3A_4 = arith.muli %add3A, %mul3A_3 : i32
    "tpu.region"() ({
      %run_scoped3A = tpu.sem_alloc : memref<!tpu.dma_semaphore, #tpu.memory_space<semaphore_mem>>
      %dma_start3A_113 = arith.constant 0 : i32
      %dma_start3A_114 = tpu.memref_slice %arg3[%mul3A_4, %dma_start3A_113] : memref<1280x128xi32, #tpu.memory_space<hbm>> -> memref<40x128xi32, #tpu.memory_space<hbm>>
      %dma_start3A_115 = arith.constant 0 : i32
      %dma_start3A_116 = tpu.memref_slice %arg3[%mul3A_4, %dma_start3A_115] : memref<1280x128xi32, #tpu.memory_space<hbm>> -> memref<40x128xi32, #tpu.memory_space<hbm>>
      tpu.enqueue_dma source(%dma_start3A_116 : memref<40x128xi32, #tpu.memory_space<hbm>>) target(%arg8 : memref<40x128xi32, #tpu.memory_space<vmem>>) target_semaphore(%run_scoped3A : memref<!tpu.dma_semaphore, #tpu.memory_space<semaphore_mem>>)
      %dma_wait3A_117 = arith.constant 0 : i32
      %dma_wait3A_118 = tpu.memref_slice %arg3[%mul3A_4, %dma_wait3A_117] : memref<1280x128xi32, #tpu.memory_space<hbm>> -> memref<40x128xi32, #tpu.memory_space<hbm>>
      %dma_wait3A_119 = arith.constant 0 : i32
      %dma_wait3A_120 = tpu.memref_slice %arg3[%mul3A_4, %dma_wait3A_119] : memref<1280x128xi32, #tpu.memory_space<hbm>> -> memref<40x128xi32, #tpu.memory_space<hbm>>
      tpu.wait_dma2 semaphore(%run_scoped3A : memref<!tpu.dma_semaphore, #tpu.memory_space<semaphore_mem>>) src(%dma_wait3A_120 : memref<40x128xi32, #tpu.memory_space<hbm>>) dst(%arg8 : memref<40x128xi32, #tpu.memory_space<vmem>>)
      tpu.yield
    }) : () -> ()
    "tpu.region"() ({
      %run_scoped3A = tpu.sem_alloc : memref<!tpu.dma_semaphore, #tpu.memory_space<semaphore_mem>>
      %dma_start3A_113 = arith.constant 0 : i32
      %dma_start3A_114 = tpu.memref_slice %arg4[%mul3A_4, %dma_start3A_113] : memref<1280x128xi32, #tpu.memory_space<hbm>> -> memref<40x128xi32, #tpu.memory_space<hbm>>
      %dma_start3A_115 = arith.constant 0 : i32
      %dma_start3A_116 = tpu.memref_slice %arg4[%mul3A_4, %dma_start3A_115] : memref<1280x128xi32, #tpu.memory_space<hbm>> -> memref<40x128xi32, #tpu.memory_space<hbm>>
      tpu.enqueue_dma source(%dma_start3A_116 : memref<40x128xi32, #tpu.memory_space<hbm>>) target(%arg9 : memref<40x128xi32, #tpu.memory_space<vmem>>) target_semaphore(%run_scoped3A : memref<!tpu.dma_semaphore, #tpu.memory_space<semaphore_mem>>)
      %dma_wait3A_117 = arith.constant 0 : i32
      %dma_wait3A_118 = tpu.memref_slice %arg4[%mul3A_4, %dma_wait3A_117] : memref<1280x128xi32, #tpu.memory_space<hbm>> -> memref<40x128xi32, #tpu.memory_space<hbm>>
      %dma_wait3A_119 = arith.constant 0 : i32
      %dma_wait3A_120 = tpu.memref_slice %arg4[%mul3A_4, %dma_wait3A_119] : memref<1280x128xi32, #tpu.memory_space<hbm>> -> memref<40x128xi32, #tpu.memory_space<hbm>>
      tpu.wait_dma2 semaphore(%run_scoped3A : memref<!tpu.dma_semaphore, #tpu.memory_space<semaphore_mem>>) src(%dma_wait3A_120 : memref<40x128xi32, #tpu.memory_space<hbm>>) dst(%arg9 : memref<40x128xi32, #tpu.memory_space<vmem>>)
      tpu.yield
    }) : () -> ()
    "tpu.region"() ({
      %run_scoped3A = tpu.sem_alloc : memref<!tpu.dma_semaphore, #tpu.memory_space<semaphore_mem>>
      tpu.enqueue_dma source(%arg5 : memref<128x128xf32, #tpu.memory_space<hbm>>) target(%arg10 : memref<128x128xf32, #tpu.memory_space<vmem>>) target_semaphore(%run_scoped3A : memref<!tpu.dma_semaphore, #tpu.memory_space<semaphore_mem>>)
      tpu.wait_dma2 semaphore(%run_scoped3A : memref<!tpu.dma_semaphore, #tpu.memory_space<semaphore_mem>>) src(%arg5 : memref<128x128xf32, #tpu.memory_space<hbm>>) dst(%arg10 : memref<128x128xf32, #tpu.memory_space<vmem>>)
      tpu.yield
    }) : () -> ()
    %add3A_5 = arith.constant 0 : i32
    %add3A_6 = arith.addi %mul3A_2, %add3A_5 : i32
    "tpu.region"() ({
      %run_scoped3A = tpu.sem_alloc : memref<!tpu.dma_semaphore, #tpu.memory_space<semaphore_mem>>
      %dma_start3A_113 = arith.constant 0 : i32
      %dma_start3A_114 = tpu.memref_slice %arg7[%add3A_6, %dma_start3A_113] : memref<10240x128xf32, #tpu.memory_space<vmem_shared>> -> memref<128x128xf32, #tpu.memory_space<vmem_shared>>
      %dma_start3A_115 = arith.constant 0 : i32
      %dma_start3A_116 = tpu.memref_slice %arg7[%add3A_6, %dma_start3A_115] : memref<10240x128xf32, #tpu.memory_space<vmem_shared>> -> memref<128x128xf32, #tpu.memory_space<vmem_shared>>
      tpu.enqueue_dma source(%arg10 : memref<128x128xf32, #tpu.memory_space<vmem>>) target(%dma_start3A_116 : memref<128x128xf32, #tpu.memory_space<vmem_shared>>) target_semaphore(%run_scoped3A : memref<!tpu.dma_semaphore, #tpu.memory_space<semaphore_mem>>)
      %dma_wait3A_117 = arith.constant 0 : i32
      %dma_wait3A_118 = tpu.memref_slice %arg7[%add3A_6, %dma_wait3A_117] : memref<10240x128xf32, #tpu.memory_space<vmem_shared>> -> memref<128x128xf32, #tpu.memory_space<vmem_shared>>
      %dma_wait3A_119 = arith.constant 0 : i32
      %dma_wait3A_120 = tpu.memref_slice %arg7[%add3A_6, %dma_wait3A_119] : memref<10240x128xf32, #tpu.memory_space<vmem_shared>> -> memref<128x128xf32, #tpu.memory_space<vmem_shared>>
      tpu.wait_dma2 semaphore(%run_scoped3A : memref<!tpu.dma_semaphore, #tpu.memory_space<semaphore_mem>>) src(%arg10 : memref<128x128xf32, #tpu.memory_space<vmem>>) dst(%dma_wait3A_120 : memref<128x128xf32, #tpu.memory_space<vmem_shared>>)
      tpu.yield
    }) : () -> ()
    %add3A_7 = arith.constant 128 : i32
    %add3A_8 = arith.addi %mul3A_2, %add3A_7 : i32
    "tpu.region"() ({
      %run_scoped3A = tpu.sem_alloc : memref<!tpu.dma_semaphore, #tpu.memory_space<semaphore_mem>>
      %dma_start3A_113 = arith.constant 0 : i32
      %dma_start3A_114 = tpu.memref_slice %arg7[%add3A_8, %dma_start3A_113] : memref<10240x128xf32, #tpu.memory_space<vmem_shared>> -> memref<128x128xf32, #tpu.memory_space<vmem_shared>>
      %dma_start3A_115 = arith.constant 0 : i32
      %dma_start3A_116 = tpu.memref_slice %arg7[%add3A_8, %dma_start3A_115] : memref<10240x128xf32, #tpu.memory_space<vmem_shared>> -> memref<128x128xf32, #tpu.memory_space<vmem_shared>>
      tpu.enqueue_dma source(%arg10 : memref<128x128xf32, #tpu.memory_space<vmem>>) target(%dma_start3A_116 : memref<128x128xf32, #tpu.memory_space<vmem_shared>>) target_semaphore(%run_scoped3A : memref<!tpu.dma_semaphore, #tpu.memory_space<semaphore_mem>>)
      %dma_wait3A_117 = arith.constant 0 : i32
      %dma_wait3A_118 = tpu.memref_slice %arg7[%add3A_8, %dma_wait3A_117] : memref<10240x128xf32, #tpu.memory_space<vmem_shared>> -> memref<128x128xf32, #tpu.memory_space<vmem_shared>>
      %dma_wait3A_119 = arith.constant 0 : i32
      %dma_wait3A_120 = tpu.memref_slice %arg7[%add3A_8, %dma_wait3A_119] : memref<10240x128xf32, #tpu.memory_space<vmem_shared>> -> memref<128x128xf32, #tpu.memory_space<vmem_shared>>
      tpu.wait_dma2 semaphore(%run_scoped3A : memref<!tpu.dma_semaphore, #tpu.memory_space<semaphore_mem>>) src(%arg10 : memref<128x128xf32, #tpu.memory_space<vmem>>) dst(%dma_wait3A_120 : memref<128x128xf32, #tpu.memory_space<vmem_shared>>)
      tpu.yield
    }) : () -> ()
    %add3A_9 = arith.constant 256 : i32
    %add3A_10 = arith.addi %mul3A_2, %add3A_9 : i32
    "tpu.region"() ({
      %run_scoped3A = tpu.sem_alloc : memref<!tpu.dma_semaphore, #tpu.memory_space<semaphore_mem>>
      %dma_start3A_113 = arith.constant 0 : i32
      %dma_start3A_114 = tpu.memref_slice %arg7[%add3A_10, %dma_start3A_113] : memref<10240x128xf32, #tpu.memory_space<vmem_shared>> -> memref<128x128xf32, #tpu.memory_space<vmem_shared>>
      %dma_start3A_115 = arith.constant 0 : i32
      %dma_start3A_116 = tpu.memref_slice %arg7[%add3A_10, %dma_start3A_115] : memref<10240x128xf32, #tpu.memory_space<vmem_shared>> -> memref<128x128xf32, #tpu.memory_space<vmem_shared>>
      tpu.enqueue_dma source(%arg10 : memref<128x128xf32, #tpu.memory_space<vmem>>) target(%dma_start3A_116 : memref<128x128xf32, #tpu.memory_space<vmem_shared>>) target_semaphore(%run_scoped3A : memref<!tpu.dma_semaphore, #tpu.memory_space<semaphore_mem>>)
      %dma_wait3A_117 = arith.constant 0 : i32
      %dma_wait3A_118 = tpu.memref_slice %arg7[%add3A_10, %dma_wait3A_117] : memref<10240x128xf32, #tpu.memory_space<vmem_shared>> -> memref<128x128xf32, #tpu.memory_space<vmem_shared>>
      %dma_wait3A_119 = arith.constant 0 : i32
      %dma_wait3A_120 = tpu.memref_slice %arg7[%add3A_10, %dma_wait3A_119] : memref<10240x128xf32, #tpu.memory_space<vmem_shared>> -> memref<128x128xf32, #tpu.memory_space<vmem_shared>>
      tpu.wait_dma2 semaphore(%run_scoped3A : memref<!tpu.dma_semaphore, #tpu.memory_space<semaphore_mem>>) src(%arg10 : memref<128x128xf32, #tpu.memory_space<vmem>>) dst(%dma_wait3A_120 : memref<128x128xf32, #tpu.memory_space<vmem_shared>>)
      tpu.yield
    }) : () -> ()
    %add3A_11 = arith.constant 384 : i32
    %add3A_12 = arith.addi %mul3A_2, %add3A_11 : i32
    "tpu.region"() ({
      %run_scoped3A = tpu.sem_alloc : memref<!tpu.dma_semaphore, #tpu.memory_space<semaphore_mem>>
      %dma_start3A_113 = arith.constant 0 : i32
      %dma_start3A_114 = tpu.memref_slice %arg7[%add3A_12, %dma_start3A_113] : memref<10240x128xf32, #tpu.memory_space<vmem_shared>> -> memref<128x128xf32, #tpu.memory_space<vmem_shared>>
      %dma_start3A_115 = arith.constant 0 : i32
      %dma_start3A_116 = tpu.memref_slice %arg7[%add3A_12, %dma_start3A_115] : memref<10240x128xf32, #tpu.memory_space<vmem_shared>> -> memref<128x128xf32, #tpu.memory_space<vmem_shared>>
      tpu.enqueue_dma source(%arg10 : memref<128x128xf32, #tpu.memory_space<vmem>>) target(%dma_start3A_116 : memref<128x128xf32, #tpu.memory_space<vmem_shared>>) target_semaphore(%run_scoped3A : memref<!tpu.dma_semaphore, #tpu.memory_space<semaphore_mem>>)
      %dma_wait3A_117 = arith.constant 0 : i32
      %dma_wait3A_118 = tpu.memref_slice %arg7[%add3A_12, %dma_wait3A_117] : memref<10240x128xf32, #tpu.memory_space<vmem_shared>> -> memref<128x128xf32, #tpu.memory_space<vmem_shared>>
      %dma_wait3A_119 = arith.constant 0 : i32
      %dma_wait3A_120 = tpu.memref_slice %arg7[%add3A_12, %dma_wait3A_119] : memref<10240x128xf32, #tpu.memory_space<vmem_shared>> -> memref<128x128xf32, #tpu.memory_space<vmem_shared>>
      tpu.wait_dma2 semaphore(%run_scoped3A : memref<!tpu.dma_semaphore, #tpu.memory_space<semaphore_mem>>) src(%arg10 : memref<128x128xf32, #tpu.memory_space<vmem>>) dst(%dma_wait3A_120 : memref<128x128xf32, #tpu.memory_space<vmem_shared>>)
      tpu.yield
    }) : () -> ()
    %add3A_13 = arith.constant 512 : i32
    %add3A_14 = arith.addi %mul3A_2, %add3A_13 : i32
    "tpu.region"() ({
      %run_scoped3A = tpu.sem_alloc : memref<!tpu.dma_semaphore, #tpu.memory_space<semaphore_mem>>
      %dma_start3A_113 = arith.constant 0 : i32
      %dma_start3A_114 = tpu.memref_slice %arg7[%add3A_14, %dma_start3A_113] : memref<10240x128xf32, #tpu.memory_space<vmem_shared>> -> memref<128x128xf32, #tpu.memory_space<vmem_shared>>
      %dma_start3A_115 = arith.constant 0 : i32
      %dma_start3A_116 = tpu.memref_slice %arg7[%add3A_14, %dma_start3A_115] : memref<10240x128xf32, #tpu.memory_space<vmem_shared>> -> memref<128x128xf32, #tpu.memory_space<vmem_shared>>
      tpu.enqueue_dma source(%arg10 : memref<128x128xf32, #tpu.memory_space<vmem>>) target(%dma_start3A_116 : memref<128x128xf32, #tpu.memory_space<vmem_shared>>) target_semaphore(%run_scoped3A : memref<!tpu.dma_semaphore, #tpu.memory_space<semaphore_mem>>)
      %dma_wait3A_117 = arith.constant 0 : i32
      %dma_wait3A_118 = tpu.memref_slice %arg7[%add3A_14, %dma_wait3A_117] : memref<10240x128xf32, #tpu.memory_space<vmem_shared>> -> memref<128x128xf32, #tpu.memory_space<vmem_shared>>
      %dma_wait3A_119 = arith.constant 0 : i32
      %dma_wait3A_120 = tpu.memref_slice %arg7[%add3A_14, %dma_wait3A_119] : memref<10240x128xf32, #tpu.memory_space<vmem_shared>> -> memref<128x128xf32, #tpu.memory_space<vmem_shared>>
      tpu.wait_dma2 semaphore(%run_scoped3A : memref<!tpu.dma_semaphore, #tpu.memory_space<semaphore_mem>>) src(%arg10 : memref<128x128xf32, #tpu.memory_space<vmem>>) dst(%dma_wait3A_120 : memref<128x128xf32, #tpu.memory_space<vmem_shared>>)
      tpu.yield
    }) : () -> ()
    %dma_start3A = arith.constant 0 : i32
    %dma_start3A_15 = arith.constant 0 : i32
    %dma_start3A_16 = tpu.memref_slice %arg8[%dma_start3A, %dma_start3A_15] : memref<40x128xi32, #tpu.memory_space<vmem>> -> memref<1x128xi32, #tpu.memory_space<vmem>>
    %dma_start3A_17 = tpu.memref_squeeze %dma_start3A_16 : memref<1x128xi32, #tpu.memory_space<vmem>> -> memref<128xi32, #tpu.memory_space<vmem>>
    %dma_start3A_18 = arith.constant 0 : i32
    %dma_start3A_19 = arith.constant 0 : i32
    %dma_start3A_20 = tpu.memref_slice %arg2[%dma_start3A_18, %dma_start3A_19] : memref<10000x128xf32, #tpu.memory_space<hbm>> -> memref<10000x128xf32, #tpu.memory_space<hbm>>
    tpu.enqueue_indirect_dma source(%dma_start3A_20 : memref<10000x128xf32, #tpu.memory_space<hbm>>) target(%arg10 : memref<128x128xf32, #tpu.memory_space<vmem>>) offsets(%dma_start3A_17 : memref<128xi32, #tpu.memory_space<vmem>>) semaphore(%arg12 : memref<!tpu.dma_semaphore, #tpu.memory_space<semaphore_mem>>)
    %dma_start3A_21 = arith.constant 1 : i32
    %dma_start3A_22 = arith.constant 0 : i32
    %dma_start3A_23 = tpu.memref_slice %arg8[%dma_start3A_21, %dma_start3A_22] : memref<40x128xi32, #tpu.memory_space<vmem>> -> memref<1x128xi32, #tpu.memory_space<vmem>>
    %dma_start3A_24 = tpu.memref_squeeze %dma_start3A_23 : memref<1x128xi32, #tpu.memory_space<vmem>> -> memref<128xi32, #tpu.memory_space<vmem>>
    %dma_start3A_25 = arith.constant 0 : i32
    %dma_start3A_26 = arith.constant 0 : i32
    %dma_start3A_27 = tpu.memref_slice %arg2[%dma_start3A_25, %dma_start3A_26] : memref<10000x128xf32, #tpu.memory_space<hbm>> -> memref<10000x128xf32, #tpu.memory_space<hbm>>
    tpu.enqueue_indirect_dma source(%dma_start3A_27 : memref<10000x128xf32, #tpu.memory_space<hbm>>) target(%arg11 : memref<128x128xf32, #tpu.memory_space<vmem>>) offsets(%dma_start3A_24 : memref<128xi32, #tpu.memory_space<vmem>>) semaphore(%arg13 : memref<!tpu.dma_semaphore, #tpu.memory_space<semaphore_mem>>)
    %barrier3A = arith.constant 0 : index
    tpu.barrier barrier_id(%barrier3A)
    %scan3A = arith.constant 0 : i32
    %scan3A_28 = arith.constant 0 : i32
    %scan3A_29 = arith.constant 20 : i32
    %scan3A_30 = arith.addi %scan3A_28, %scan3A_29 : i32
    %scan3A_31 = arith.constant 1 : i32
    scf.for %scan3A_113 = %scan3A_28 to %scan3A_30 step %scan3A_31  : i32 {
      %mul3A_114 = arith.constant 2 : i32
      %mul3A_115 = arith.muli %scan3A_113, %mul3A_114 : i32
      %add3A_116 = arith.constant 0 : i32
      %add3A_117 = arith.addi %mul3A_115, %add3A_116 : i32
      %dma_wait3A_118 = arith.constant 0 : i32
      %dma_wait3A_119 = tpu.memref_slice %arg8[%add3A_117, %dma_wait3A_118] : memref<40x128xi32, #tpu.memory_space<vmem>> -> memref<1x128xi32, #tpu.memory_space<vmem>>
      %dma_wait3A_120 = tpu.memref_squeeze %dma_wait3A_119 : memref<1x128xi32, #tpu.memory_space<vmem>> -> memref<128xi32, #tpu.memory_space<vmem>>
      %dma_wait3A_121 = arith.constant 0 : i32
      %dma_wait3A_122 = arith.constant 0 : i32
      %dma_wait3A_123 = tpu.memref_slice %arg2[%dma_wait3A_121, %dma_wait3A_122] : memref<10000x128xf32, #tpu.memory_space<hbm>> -> memref<10000x128xf32, #tpu.memory_space<hbm>>
      tpu.wait_indirect_dma semaphore(%arg12 : memref<!tpu.dma_semaphore, #tpu.memory_space<semaphore_mem>>) src(%dma_wait3A_123 : memref<10000x128xf32, #tpu.memory_space<hbm>>) dst(%arg10 : memref<128x128xf32, #tpu.memory_space<vmem>>)
      "tpu.region"() ({
        %run_scoped3A = tpu.sem_alloc : memref<!tpu.dma_semaphore, #tpu.memory_space<semaphore_mem>>
        %dma_start3A_145 = arith.constant 0 : i32
        %dma_start3A_146 = tpu.memref_slice %arg9[%add3A_117, %dma_start3A_145] : memref<40x128xi32, #tpu.memory_space<vmem>> -> memref<1x128xi32, #tpu.memory_space<vmem>>
        %dma_start3A_147 = tpu.memref_squeeze %dma_start3A_146 : memref<1x128xi32, #tpu.memory_space<vmem>> -> memref<128xi32, #tpu.memory_space<vmem>>
        %dma_start3A_148 = arith.constant 0 : i32
        %dma_start3A_149 = arith.constant 0 : i32
        %dma_start3A_150 = tpu.memref_slice %arg7[%dma_start3A_148, %dma_start3A_149] : memref<10240x128xf32, #tpu.memory_space<vmem_shared>> -> memref<10240x128xf32, #tpu.memory_space<vmem_shared>>
        tpu.enqueue_indirect_dma source(%arg10 : memref<128x128xf32, #tpu.memory_space<vmem>>) target(%dma_start3A_150 : memref<10240x128xf32, #tpu.memory_space<vmem_shared>>) offsets(%dma_start3A_147 : memref<128xi32, #tpu.memory_space<vmem>>) semaphore(%run_scoped3A : memref<!tpu.dma_semaphore, #tpu.memory_space<semaphore_mem>>) {add = true}
        %dma_wait3A_151 = arith.constant 0 : i32
        %dma_wait3A_152 = tpu.memref_slice %arg9[%add3A_117, %dma_wait3A_151] : memref<40x128xi32, #tpu.memory_space<vmem>> -> memref<1x128xi32, #tpu.memory_space<vmem>>
        %dma_wait3A_153 = tpu.memref_squeeze %dma_wait3A_152 : memref<1x128xi32, #tpu.memory_space<vmem>> -> memref<128xi32, #tpu.memory_space<vmem>>
        %dma_wait3A_154 = arith.constant 0 : i32
        %dma_wait3A_155 = arith.constant 0 : i32
        %dma_wait3A_156 = tpu.memref_slice %arg7[%dma_wait3A_154, %dma_wait3A_155] : memref<10240x128xf32, #tpu.memory_space<vmem_shared>> -> memref<10240x128xf32, #tpu.memory_space<vmem_shared>>
        tpu.wait_indirect_dma semaphore(%run_scoped3A : memref<!tpu.dma_semaphore, #tpu.memory_space<semaphore_mem>>) src(%arg10 : memref<128x128xf32, #tpu.memory_space<vmem>>) dst(%dma_wait3A_156 : memref<10240x128xf32, #tpu.memory_space<vmem_shared>>)
        tpu.yield
      }) : () -> ()
      %add3A_124 = arith.constant 2 : i32
      %add3A_125 = arith.addi %add3A_117, %add3A_124 : i32
      %lt3A = arith.constant 40 : i32
      %lt3A_126 = arith.cmpi slt, %add3A_125, %lt3A : i32
      %convert_element_type3A = arith.extui %lt3A_126 : i1 to i32
      %cond3A = arith.constant 0 : i32
      %cond3A_127 = arith.cmpi ne, %convert_element_type3A, %cond3A : i32
      scf.if %cond3A_127 {
        %dma_start3A_145 = arith.constant 0 : i32
        %dma_start3A_146 = tpu.memref_slice %arg8[%add3A_125, %dma_start3A_145] : memref<40x128xi32, #tpu.memory_space<vmem>> -> memref<1x128xi32, #tpu.memory_space<vmem>>
        %dma_start3A_147 = tpu.memref_squeeze %dma_start3A_146 : memref<1x128xi32, #tpu.memory_space<vmem>> -> memref<128xi32, #tpu.memory_space<vmem>>
        %dma_start3A_148 = arith.constant 0 : i32
        %dma_start3A_149 = arith.constant 0 : i32
        %dma_start3A_150 = tpu.memref_slice %arg2[%dma_start3A_148, %dma_start3A_149] : memref<10000x128xf32, #tpu.memory_space<hbm>> -> memref<10000x128xf32, #tpu.memory_space<hbm>>
        tpu.enqueue_indirect_dma source(%dma_start3A_150 : memref<10000x128xf32, #tpu.memory_space<hbm>>) target(%arg10 : memref<128x128xf32, #tpu.memory_space<vmem>>) offsets(%dma_start3A_147 : memref<128xi32, #tpu.memory_space<vmem>>) semaphore(%arg12 : memref<!tpu.dma_semaphore, #tpu.memory_space<semaphore_mem>>)
      } else {
      }
      %mul3A_128 = arith.constant 2 : i32
      %mul3A_129 = arith.muli %scan3A_113, %mul3A_128 : i32
      %add3A_130 = arith.constant 1 : i32
      %add3A_131 = arith.addi %mul3A_129, %add3A_130 : i32
      %dma_wait3A_132 = arith.constant 0 : i32
      %dma_wait3A_133 = tpu.memref_slice %arg8[%add3A_131, %dma_wait3A_132] : memref<40x128xi32, #tpu.memory_space<vmem>> -> memref<1x128xi32, #tpu.memory_space<vmem>>
      %dma_wait3A_134 = tpu.memref_squeeze %dma_wait3A_133 : memref<1x128xi32, #tpu.memory_space<vmem>> -> memref<128xi32, #tpu.memory_space<vmem>>
      %dma_wait3A_135 = arith.constant 0 : i32
      %dma_wait3A_136 = arith.constant 0 : i32
      %dma_wait3A_137 = tpu.memref_slice %arg2[%dma_wait3A_135, %dma_wait3A_136] : memref<10000x128xf32, #tpu.memory_space<hbm>> -> memref<10000x128xf32, #tpu.memory_space<hbm>>
      tpu.wait_indirect_dma semaphore(%arg13 : memref<!tpu.dma_semaphore, #tpu.memory_space<semaphore_mem>>) src(%dma_wait3A_137 : memref<10000x128xf32, #tpu.memory_space<hbm>>) dst(%arg11 : memref<128x128xf32, #tpu.memory_space<vmem>>)
      "tpu.region"() ({
        %run_scoped3A = tpu.sem_alloc : memref<!tpu.dma_semaphore, #tpu.memory_space<semaphore_mem>>
        %dma_start3A_145 = arith.constant 0 : i32
        %dma_start3A_146 = tpu.memref_slice %arg9[%add3A_131, %dma_start3A_145] : memref<40x128xi32, #tpu.memory_space<vmem>> -> memref<1x128xi32, #tpu.memory_space<vmem>>
        %dma_start3A_147 = tpu.memref_squeeze %dma_start3A_146 : memref<1x128xi32, #tpu.memory_space<vmem>> -> memref<128xi32, #tpu.memory_space<vmem>>
        %dma_start3A_148 = arith.constant 0 : i32
        %dma_start3A_149 = arith.constant 0 : i32
        %dma_start3A_150 = tpu.memref_slice %arg7[%dma_start3A_148, %dma_start3A_149] : memref<10240x128xf32, #tpu.memory_space<vmem_shared>> -> memref<10240x128xf32, #tpu.memory_space<vmem_shared>>
        tpu.enqueue_indirect_dma source(%arg11 : memref<128x128xf32, #tpu.memory_space<vmem>>) target(%dma_start3A_150 : memref<10240x128xf32, #tpu.memory_space<vmem_shared>>) offsets(%dma_start3A_147 : memref<128xi32, #tpu.memory_space<vmem>>) semaphore(%run_scoped3A : memref<!tpu.dma_semaphore, #tpu.memory_space<semaphore_mem>>) {add = true}
        %dma_wait3A_151 = arith.constant 0 : i32
        %dma_wait3A_152 = tpu.memref_slice %arg9[%add3A_131, %dma_wait3A_151] : memref<40x128xi32, #tpu.memory_space<vmem>> -> memref<1x128xi32, #tpu.memory_space<vmem>>
        %dma_wait3A_153 = tpu.memref_squeeze %dma_wait3A_152 : memref<1x128xi32, #tpu.memory_space<vmem>> -> memref<128xi32, #tpu.memory_space<vmem>>
        %dma_wait3A_154 = arith.constant 0 : i32
        %dma_wait3A_155 = arith.constant 0 : i32
        %dma_wait3A_156 = tpu.memref_slice %arg7[%dma_wait3A_154, %dma_wait3A_155] : memref<10240x128xf32, #tpu.memory_space<vmem_shared>> -> memref<10240x128xf32, #tpu.memory_space<vmem_shared>>
        tpu.wait_indirect_dma semaphore(%run_scoped3A : memref<!tpu.dma_semaphore, #tpu.memory_space<semaphore_mem>>) src(%arg11 : memref<128x128xf32, #tpu.memory_space<vmem>>) dst(%dma_wait3A_156 : memref<10240x128xf32, #tpu.memory_space<vmem_shared>>)
        tpu.yield
      }) : () -> ()
      %add3A_138 = arith.constant 2 : i32
      %add3A_139 = arith.addi %add3A_131, %add3A_138 : i32
      %lt3A_140 = arith.constant 40 : i32
      %lt3A_141 = arith.cmpi slt, %add3A_139, %lt3A_140 : i32
      %convert_element_type3A_142 = arith.extui %lt3A_141 : i1 to i32
      %cond3A_143 = arith.constant 0 : i32
      %cond3A_144 = arith.cmpi ne, %convert_element_type3A_142, %cond3A_143 : i32
      scf.if %cond3A_144 {
        %dma_start3A_145 = arith.constant 0 : i32
        %dma_start3A_146 = tpu.memref_slice %arg8[%add3A_139, %dma_start3A_145] : memref<40x128xi32, #tpu.memory_space<vmem>> -> memref<1x128xi32, #tpu.memory_space<vmem>>
        %dma_start3A_147 = tpu.memref_squeeze %dma_start3A_146 : memref<1x128xi32, #tpu.memory_space<vmem>> -> memref<128xi32, #tpu.memory_space<vmem>>
        %dma_start3A_148 = arith.constant 0 : i32
        %dma_start3A_149 = arith.constant 0 : i32
        %dma_start3A_150 = tpu.memref_slice %arg2[%dma_start3A_148, %dma_start3A_149] : memref<10000x128xf32, #tpu.memory_space<hbm>> -> memref<10000x128xf32, #tpu.memory_space<hbm>>
        tpu.enqueue_indirect_dma source(%dma_start3A_150 : memref<10000x128xf32, #tpu.memory_space<hbm>>) target(%arg11 : memref<128x128xf32, #tpu.memory_space<vmem>>) offsets(%dma_start3A_147 : memref<128xi32, #tpu.memory_space<vmem>>) semaphore(%arg13 : memref<!tpu.dma_semaphore, #tpu.memory_space<semaphore_mem>>)
      } else {
      }
    }
    %scan3A_32 = arith.constant 20 : i32
    %barrier3A_33 = arith.constant 0 : index
    tpu.barrier barrier_id(%barrier3A_33)
    %add3A_34 = arith.constant 0 : i32
    %add3A_35 = arith.addi %mul3A_2, %add3A_34 : i32
    "tpu.region"() ({
      %run_scoped3A = tpu.sem_alloc : memref<!tpu.dma_semaphore, #tpu.memory_space<semaphore_mem>>
      %dma_start3A_113 = arith.constant 0 : i32
      %dma_start3A_114 = tpu.memref_slice %arg7[%add3A_35, %dma_start3A_113] : memref<10240x128xf32, #tpu.memory_space<vmem_shared>> -> memref<128x128xf32, #tpu.memory_space<vmem_shared>>
      %dma_start3A_115 = arith.constant 0 : i32
      %dma_start3A_116 = tpu.memref_slice %arg7[%add3A_35, %dma_start3A_115] : memref<10240x128xf32, #tpu.memory_space<vmem_shared>> -> memref<128x128xf32, #tpu.memory_space<vmem_shared>>
      tpu.enqueue_dma source(%dma_start3A_116 : memref<128x128xf32, #tpu.memory_space<vmem_shared>>) target(%arg10 : memref<128x128xf32, #tpu.memory_space<vmem>>) target_semaphore(%run_scoped3A : memref<!tpu.dma_semaphore, #tpu.memory_space<semaphore_mem>>)
      %dma_wait3A_117 = arith.constant 0 : i32
      %dma_wait3A_118 = tpu.memref_slice %arg7[%add3A_35, %dma_wait3A_117] : memref<10240x128xf32, #tpu.memory_space<vmem_shared>> -> memref<128x128xf32, #tpu.memory_space<vmem_shared>>
      %dma_wait3A_119 = arith.constant 0 : i32
      %dma_wait3A_120 = tpu.memref_slice %arg7[%add3A_35, %dma_wait3A_119] : memref<10240x128xf32, #tpu.memory_space<vmem_shared>> -> memref<128x128xf32, #tpu.memory_space<vmem_shared>>
      tpu.wait_dma2 semaphore(%run_scoped3A : memref<!tpu.dma_semaphore, #tpu.memory_space<semaphore_mem>>) src(%dma_wait3A_120 : memref<128x128xf32, #tpu.memory_space<vmem_shared>>) dst(%arg10 : memref<128x128xf32, #tpu.memory_space<vmem>>)
      tpu.yield
    }) : () -> ()
    %dma_start3A_36 = arith.constant 0 : i32
    %dma_start3A_37 = tpu.memref_slice %arg6[%arg0, %add3A_35, %dma_start3A_36] : memref<2x10240x128xf32, #tpu.memory_space<hbm>> -> memref<1x128x128xf32, #tpu.memory_space<hbm>>
    %dma_start3A_38 = tpu.memref_squeeze %dma_start3A_37 : memref<1x128x128xf32, #tpu.memory_space<hbm>> -> memref<128x128xf32, #tpu.memory_space<hbm>>
    %dma_start3A_39 = arith.constant 0 : i32
    %dma_start3A_40 = tpu.memref_slice %arg6[%arg0, %add3A_35, %dma_start3A_39] : memref<2x10240x128xf32, #tpu.memory_space<hbm>> -> memref<1x128x128xf32, #tpu.memory_space<hbm>>
    %dma_start3A_41 = tpu.memref_squeeze %dma_start3A_40 : memref<1x128x128xf32, #tpu.memory_space<hbm>> -> memref<128x128xf32, #tpu.memory_space<hbm>>
    tpu.enqueue_dma source(%arg10 : memref<128x128xf32, #tpu.memory_space<vmem>>) target(%dma_start3A_41 : memref<128x128xf32, #tpu.memory_space<hbm>>) target_semaphore(%arg12 : memref<!tpu.dma_semaphore, #tpu.memory_space<semaphore_mem>>)
    %add3A_42 = arith.constant 128 : i32
    %add3A_43 = arith.addi %mul3A_2, %add3A_42 : i32
    "tpu.region"() ({
      %run_scoped3A = tpu.sem_alloc : memref<!tpu.dma_semaphore, #tpu.memory_space<semaphore_mem>>
      %dma_start3A_113 = arith.constant 0 : i32
      %dma_start3A_114 = tpu.memref_slice %arg7[%add3A_43, %dma_start3A_113] : memref<10240x128xf32, #tpu.memory_space<vmem_shared>> -> memref<128x128xf32, #tpu.memory_space<vmem_shared>>
      %dma_start3A_115 = arith.constant 0 : i32
      %dma_start3A_116 = tpu.memref_slice %arg7[%add3A_43, %dma_start3A_115] : memref<10240x128xf32, #tpu.memory_space<vmem_shared>> -> memref<128x128xf32, #tpu.memory_space<vmem_shared>>
      tpu.enqueue_dma source(%dma_start3A_116 : memref<128x128xf32, #tpu.memory_space<vmem_shared>>) target(%arg11 : memref<128x128xf32, #tpu.memory_space<vmem>>) target_semaphore(%run_scoped3A : memref<!tpu.dma_semaphore, #tpu.memory_space<semaphore_mem>>)
      %dma_wait3A_117 = arith.constant 0 : i32
      %dma_wait3A_118 = tpu.memref_slice %arg7[%add3A_43, %dma_wait3A_117] : memref<10240x128xf32, #tpu.memory_space<vmem_shared>> -> memref<128x128xf32, #tpu.memory_space<vmem_shared>>
      %dma_wait3A_119 = arith.constant 0 : i32
      %dma_wait3A_120 = tpu.memref_slice %arg7[%add3A_43, %dma_wait3A_119] : memref<10240x128xf32, #tpu.memory_space<vmem_shared>> -> memref<128x128xf32, #tpu.memory_space<vmem_shared>>
      tpu.wait_dma2 semaphore(%run_scoped3A : memref<!tpu.dma_semaphore, #tpu.memory_space<semaphore_mem>>) src(%dma_wait3A_120 : memref<128x128xf32, #tpu.memory_space<vmem_shared>>) dst(%arg11 : memref<128x128xf32, #tpu.memory_space<vmem>>)
      tpu.yield
    }) : () -> ()
    %dma_start3A_44 = arith.constant 0 : i32
    %dma_start3A_45 = tpu.memref_slice %arg6[%arg0, %add3A_43, %dma_start3A_44] : memref<2x10240x128xf32, #tpu.memory_space<hbm>> -> memref<1x128x128xf32, #tpu.memory_space<hbm>>
    %dma_start3A_46 = tpu.memref_squeeze %dma_start3A_45 : memref<1x128x128xf32, #tpu.memory_space<hbm>> -> memref<128x128xf32, #tpu.memory_space<hbm>>
    %dma_start3A_47 = arith.constant 0 : i32
    %dma_start3A_48 = tpu.memref_slice %arg6[%arg0, %add3A_43, %dma_start3A_47] : memref<2x10240x128xf32, #tpu.memory_space<hbm>> -> memref<1x128x128xf32, #tpu.memory_space<hbm>>
    %dma_start3A_49 = tpu.memref_squeeze %dma_start3A_48 : memref<1x128x128xf32, #tpu.memory_space<hbm>> -> memref<128x128xf32, #tpu.memory_space<hbm>>
    tpu.enqueue_dma source(%arg11 : memref<128x128xf32, #tpu.memory_space<vmem>>) target(%dma_start3A_49 : memref<128x128xf32, #tpu.memory_space<hbm>>) target_semaphore(%arg13 : memref<!tpu.dma_semaphore, #tpu.memory_space<semaphore_mem>>)
    %add3A_50 = arith.constant 256 : i32
    %add3A_51 = arith.addi %mul3A_2, %add3A_50 : i32
    %add3A_52 = arith.constant 0 : i32
    %add3A_53 = arith.addi %mul3A_2, %add3A_52 : i32
    %dma_wait3A = arith.constant 0 : i32
    %dma_wait3A_54 = tpu.memref_slice %arg6[%arg0, %add3A_53, %dma_wait3A] : memref<2x10240x128xf32, #tpu.memory_space<hbm>> -> memref<1x128x128xf32, #tpu.memory_space<hbm>>
    %dma_wait3A_55 = tpu.memref_squeeze %dma_wait3A_54 : memref<1x128x128xf32, #tpu.memory_space<hbm>> -> memref<128x128xf32, #tpu.memory_space<hbm>>
    %dma_wait3A_56 = arith.constant 0 : i32
    %dma_wait3A_57 = tpu.memref_slice %arg6[%arg0, %add3A_53, %dma_wait3A_56] : memref<2x10240x128xf32, #tpu.memory_space<hbm>> -> memref<1x128x128xf32, #tpu.memory_space<hbm>>
    %dma_wait3A_58 = tpu.memref_squeeze %dma_wait3A_57 : memref<1x128x128xf32, #tpu.memory_space<hbm>> -> memref<128x128xf32, #tpu.memory_space<hbm>>
    tpu.wait_dma2 semaphore(%arg12 : memref<!tpu.dma_semaphore, #tpu.memory_space<semaphore_mem>>) src(%arg10 : memref<128x128xf32, #tpu.memory_space<vmem>>) dst(%dma_wait3A_58 : memref<128x128xf32, #tpu.memory_space<hbm>>)
    "tpu.region"() ({
      %run_scoped3A = tpu.sem_alloc : memref<!tpu.dma_semaphore, #tpu.memory_space<semaphore_mem>>
      %dma_start3A_113 = arith.constant 0 : i32
      %dma_start3A_114 = tpu.memref_slice %arg7[%add3A_51, %dma_start3A_113] : memref<10240x128xf32, #tpu.memory_space<vmem_shared>> -> memref<128x128xf32, #tpu.memory_space<vmem_shared>>
      %dma_start3A_115 = arith.constant 0 : i32
      %dma_start3A_116 = tpu.memref_slice %arg7[%add3A_51, %dma_start3A_115] : memref<10240x128xf32, #tpu.memory_space<vmem_shared>> -> memref<128x128xf32, #tpu.memory_space<vmem_shared>>
      tpu.enqueue_dma source(%dma_start3A_116 : memref<128x128xf32, #tpu.memory_space<vmem_shared>>) target(%arg10 : memref<128x128xf32, #tpu.memory_space<vmem>>) target_semaphore(%run_scoped3A : memref<!tpu.dma_semaphore, #tpu.memory_space<semaphore_mem>>)
      %dma_wait3A_117 = arith.constant 0 : i32
      %dma_wait3A_118 = tpu.memref_slice %arg7[%add3A_51, %dma_wait3A_117] : memref<10240x128xf32, #tpu.memory_space<vmem_shared>> -> memref<128x128xf32, #tpu.memory_space<vmem_shared>>
      %dma_wait3A_119 = arith.constant 0 : i32
      %dma_wait3A_120 = tpu.memref_slice %arg7[%add3A_51, %dma_wait3A_119] : memref<10240x128xf32, #tpu.memory_space<vmem_shared>> -> memref<128x128xf32, #tpu.memory_space<vmem_shared>>
      tpu.wait_dma2 semaphore(%run_scoped3A : memref<!tpu.dma_semaphore, #tpu.memory_space<semaphore_mem>>) src(%dma_wait3A_120 : memref<128x128xf32, #tpu.memory_space<vmem_shared>>) dst(%arg10 : memref<128x128xf32, #tpu.memory_space<vmem>>)
      tpu.yield
    }) : () -> ()
    %dma_start3A_59 = arith.constant 0 : i32
    %dma_start3A_60 = tpu.memref_slice %arg6[%arg0, %add3A_51, %dma_start3A_59] : memref<2x10240x128xf32, #tpu.memory_space<hbm>> -> memref<1x128x128xf32, #tpu.memory_space<hbm>>
    %dma_start3A_61 = tpu.memref_squeeze %dma_start3A_60 : memref<1x128x128xf32, #tpu.memory_space<hbm>> -> memref<128x128xf32, #tpu.memory_space<hbm>>
    %dma_start3A_62 = arith.constant 0 : i32
    %dma_start3A_63 = tpu.memref_slice %arg6[%arg0, %add3A_51, %dma_start3A_62] : memref<2x10240x128xf32, #tpu.memory_space<hbm>> -> memref<1x128x128xf32, #tpu.memory_space<hbm>>
    %dma_start3A_64 = tpu.memref_squeeze %dma_start3A_63 : memref<1x128x128xf32, #tpu.memory_space<hbm>> -> memref<128x128xf32, #tpu.memory_space<hbm>>
    tpu.enqueue_dma source(%arg10 : memref<128x128xf32, #tpu.memory_space<vmem>>) target(%dma_start3A_64 : memref<128x128xf32, #tpu.memory_space<hbm>>) target_semaphore(%arg12 : memref<!tpu.dma_semaphore, #tpu.memory_space<semaphore_mem>>)
    %add3A_65 = arith.constant 384 : i32
    %add3A_66 = arith.addi %mul3A_2, %add3A_65 : i32
    %add3A_67 = arith.constant 128 : i32
    %add3A_68 = arith.addi %mul3A_2, %add3A_67 : i32
    %dma_wait3A_69 = arith.constant 0 : i32
    %dma_wait3A_70 = tpu.memref_slice %arg6[%arg0, %add3A_68, %dma_wait3A_69] : memref<2x10240x128xf32, #tpu.memory_space<hbm>> -> memref<1x128x128xf32, #tpu.memory_space<hbm>>
    %dma_wait3A_71 = tpu.memref_squeeze %dma_wait3A_70 : memref<1x128x128xf32, #tpu.memory_space<hbm>> -> memref<128x128xf32, #tpu.memory_space<hbm>>
    %dma_wait3A_72 = arith.constant 0 : i32
    %dma_wait3A_73 = tpu.memref_slice %arg6[%arg0, %add3A_68, %dma_wait3A_72] : memref<2x10240x128xf32, #tpu.memory_space<hbm>> -> memref<1x128x128xf32, #tpu.memory_space<hbm>>
    %dma_wait3A_74 = tpu.memref_squeeze %dma_wait3A_73 : memref<1x128x128xf32, #tpu.memory_space<hbm>> -> memref<128x128xf32, #tpu.memory_space<hbm>>
    tpu.wait_dma2 semaphore(%arg13 : memref<!tpu.dma_semaphore, #tpu.memory_space<semaphore_mem>>) src(%arg11 : memref<128x128xf32, #tpu.memory_space<vmem>>) dst(%dma_wait3A_74 : memref<128x128xf32, #tpu.memory_space<hbm>>)
    "tpu.region"() ({
      %run_scoped3A = tpu.sem_alloc : memref<!tpu.dma_semaphore, #tpu.memory_space<semaphore_mem>>
      %dma_start3A_113 = arith.constant 0 : i32
      %dma_start3A_114 = tpu.memref_slice %arg7[%add3A_66, %dma_start3A_113] : memref<10240x128xf32, #tpu.memory_space<vmem_shared>> -> memref<128x128xf32, #tpu.memory_space<vmem_shared>>
      %dma_start3A_115 = arith.constant 0 : i32
      %dma_start3A_116 = tpu.memref_slice %arg7[%add3A_66, %dma_start3A_115] : memref<10240x128xf32, #tpu.memory_space<vmem_shared>> -> memref<128x128xf32, #tpu.memory_space<vmem_shared>>
      tpu.enqueue_dma source(%dma_start3A_116 : memref<128x128xf32, #tpu.memory_space<vmem_shared>>) target(%arg11 : memref<128x128xf32, #tpu.memory_space<vmem>>) target_semaphore(%run_scoped3A : memref<!tpu.dma_semaphore, #tpu.memory_space<semaphore_mem>>)
      %dma_wait3A_117 = arith.constant 0 : i32
      %dma_wait3A_118 = tpu.memref_slice %arg7[%add3A_66, %dma_wait3A_117] : memref<10240x128xf32, #tpu.memory_space<vmem_shared>> -> memref<128x128xf32, #tpu.memory_space<vmem_shared>>
      %dma_wait3A_119 = arith.constant 0 : i32
      %dma_wait3A_120 = tpu.memref_slice %arg7[%add3A_66, %dma_wait3A_119] : memref<10240x128xf32, #tpu.memory_space<vmem_shared>> -> memref<128x128xf32, #tpu.memory_space<vmem_shared>>
      tpu.wait_dma2 semaphore(%run_scoped3A : memref<!tpu.dma_semaphore, #tpu.memory_space<semaphore_mem>>) src(%dma_wait3A_120 : memref<128x128xf32, #tpu.memory_space<vmem_shared>>) dst(%arg11 : memref<128x128xf32, #tpu.memory_space<vmem>>)
      tpu.yield
    }) : () -> ()
    %dma_start3A_75 = arith.constant 0 : i32
    %dma_start3A_76 = tpu.memref_slice %arg6[%arg0, %add3A_66, %dma_start3A_75] : memref<2x10240x128xf32, #tpu.memory_space<hbm>> -> memref<1x128x128xf32, #tpu.memory_space<hbm>>
    %dma_start3A_77 = tpu.memref_squeeze %dma_start3A_76 : memref<1x128x128xf32, #tpu.memory_space<hbm>> -> memref<128x128xf32, #tpu.memory_space<hbm>>
    %dma_start3A_78 = arith.constant 0 : i32
    %dma_start3A_79 = tpu.memref_slice %arg6[%arg0, %add3A_66, %dma_start3A_78] : memref<2x10240x128xf32, #tpu.memory_space<hbm>> -> memref<1x128x128xf32, #tpu.memory_space<hbm>>
    %dma_start3A_80 = tpu.memref_squeeze %dma_start3A_79 : memref<1x128x128xf32, #tpu.memory_space<hbm>> -> memref<128x128xf32, #tpu.memory_space<hbm>>
    tpu.enqueue_dma source(%arg11 : memref<128x128xf32, #tpu.memory_space<vmem>>) target(%dma_start3A_80 : memref<128x128xf32, #tpu.memory_space<hbm>>) target_semaphore(%arg13 : memref<!tpu.dma_semaphore, #tpu.memory_space<semaphore_mem>>)
    %add3A_81 = arith.constant 512 : i32
    %add3A_82 = arith.addi %mul3A_2, %add3A_81 : i32
    %add3A_83 = arith.constant 256 : i32
    %add3A_84 = arith.addi %mul3A_2, %add3A_83 : i32
    %dma_wait3A_85 = arith.constant 0 : i32
    %dma_wait3A_86 = tpu.memref_slice %arg6[%arg0, %add3A_84, %dma_wait3A_85] : memref<2x10240x128xf32, #tpu.memory_space<hbm>> -> memref<1x128x128xf32, #tpu.memory_space<hbm>>
    %dma_wait3A_87 = tpu.memref_squeeze %dma_wait3A_86 : memref<1x128x128xf32, #tpu.memory_space<hbm>> -> memref<128x128xf32, #tpu.memory_space<hbm>>
    %dma_wait3A_88 = arith.constant 0 : i32
    %dma_wait3A_89 = tpu.memref_slice %arg6[%arg0, %add3A_84, %dma_wait3A_88] : memref<2x10240x128xf32, #tpu.memory_space<hbm>> -> memref<1x128x128xf32, #tpu.memory_space<hbm>>
    %dma_wait3A_90 = tpu.memref_squeeze %dma_wait3A_89 : memref<1x128x128xf32, #tpu.memory_space<hbm>> -> memref<128x128xf32, #tpu.memory_space<hbm>>
    tpu.wait_dma2 semaphore(%arg12 : memref<!tpu.dma_semaphore, #tpu.memory_space<semaphore_mem>>) src(%arg10 : memref<128x128xf32, #tpu.memory_space<vmem>>) dst(%dma_wait3A_90 : memref<128x128xf32, #tpu.memory_space<hbm>>)
    "tpu.region"() ({
      %run_scoped3A = tpu.sem_alloc : memref<!tpu.dma_semaphore, #tpu.memory_space<semaphore_mem>>
      %dma_start3A_113 = arith.constant 0 : i32
      %dma_start3A_114 = tpu.memref_slice %arg7[%add3A_82, %dma_start3A_113] : memref<10240x128xf32, #tpu.memory_space<vmem_shared>> -> memref<128x128xf32, #tpu.memory_space<vmem_shared>>
      %dma_start3A_115 = arith.constant 0 : i32
      %dma_start3A_116 = tpu.memref_slice %arg7[%add3A_82, %dma_start3A_115] : memref<10240x128xf32, #tpu.memory_space<vmem_shared>> -> memref<128x128xf32, #tpu.memory_space<vmem_shared>>
      tpu.enqueue_dma source(%dma_start3A_116 : memref<128x128xf32, #tpu.memory_space<vmem_shared>>) target(%arg10 : memref<128x128xf32, #tpu.memory_space<vmem>>) target_semaphore(%run_scoped3A : memref<!tpu.dma_semaphore, #tpu.memory_space<semaphore_mem>>)
      %dma_wait3A_117 = arith.constant 0 : i32
      %dma_wait3A_118 = tpu.memref_slice %arg7[%add3A_82, %dma_wait3A_117] : memref<10240x128xf32, #tpu.memory_space<vmem_shared>> -> memref<128x128xf32, #tpu.memory_space<vmem_shared>>
      %dma_wait3A_119 = arith.constant 0 : i32
      %dma_wait3A_120 = tpu.memref_slice %arg7[%add3A_82, %dma_wait3A_119] : memref<10240x128xf32, #tpu.memory_space<vmem_shared>> -> memref<128x128xf32, #tpu.memory_space<vmem_shared>>
      tpu.wait_dma2 semaphore(%run_scoped3A : memref<!tpu.dma_semaphore, #tpu.memory_space<semaphore_mem>>) src(%dma_wait3A_120 : memref<128x128xf32, #tpu.memory_space<vmem_shared>>) dst(%arg10 : memref<128x128xf32, #tpu.memory_space<vmem>>)
      tpu.yield
    }) : () -> ()
    %dma_start3A_91 = arith.constant 0 : i32
    %dma_start3A_92 = tpu.memref_slice %arg6[%arg0, %add3A_82, %dma_start3A_91] : memref<2x10240x128xf32, #tpu.memory_space<hbm>> -> memref<1x128x128xf32, #tpu.memory_space<hbm>>
    %dma_start3A_93 = tpu.memref_squeeze %dma_start3A_92 : memref<1x128x128xf32, #tpu.memory_space<hbm>> -> memref<128x128xf32, #tpu.memory_space<hbm>>
    %dma_start3A_94 = arith.constant 0 : i32
    %dma_start3A_95 = tpu.memref_slice %arg6[%arg0, %add3A_82, %dma_start3A_94] : memref<2x10240x128xf32, #tpu.memory_space<hbm>> -> memref<1x128x128xf32, #tpu.memory_space<hbm>>
    %dma_start3A_96 = tpu.memref_squeeze %dma_start3A_95 : memref<1x128x128xf32, #tpu.memory_space<hbm>> -> memref<128x128xf32, #tpu.memory_space<hbm>>
    tpu.enqueue_dma source(%arg10 : memref<128x128xf32, #tpu.memory_space<vmem>>) target(%dma_start3A_96 : memref<128x128xf32, #tpu.memory_space<hbm>>) target_semaphore(%arg12 : memref<!tpu.dma_semaphore, #tpu.memory_space<semaphore_mem>>)
    %add3A_97 = arith.constant 384 : i32
    %add3A_98 = arith.addi %mul3A_2, %add3A_97 : i32
    %dma_wait3A_99 = arith.constant 0 : i32
    %dma_wait3A_100 = tpu.memref_slice %arg6[%arg0, %add3A_98, %dma_wait3A_99] : memref<2x10240x128xf32, #tpu.memory_space<hbm>> -> memref<1x128x128xf32, #tpu.memory_space<hbm>>
    %dma_wait3A_101 = tpu.memref_squeeze %dma_wait3A_100 : memref<1x128x128xf32, #tpu.memory_space<hbm>> -> memref<128x128xf32, #tpu.memory_space<hbm>>
    %dma_wait3A_102 = arith.constant 0 : i32
    %dma_wait3A_103 = tpu.memref_slice %arg6[%arg0, %add3A_98, %dma_wait3A_102] : memref<2x10240x128xf32, #tpu.memory_space<hbm>> -> memref<1x128x128xf32, #tpu.memory_space<hbm>>
    %dma_wait3A_104 = tpu.memref_squeeze %dma_wait3A_103 : memref<1x128x128xf32, #tpu.memory_space<hbm>> -> memref<128x128xf32, #tpu.memory_space<hbm>>
    tpu.wait_dma2 semaphore(%arg13 : memref<!tpu.dma_semaphore, #tpu.memory_space<semaphore_mem>>) src(%arg11 : memref<128x128xf32, #tpu.memory_space<vmem>>) dst(%dma_wait3A_104 : memref<128x128xf32, #tpu.memory_space<hbm>>)
    %add3A_105 = arith.constant 512 : i32
    %add3A_106 = arith.addi %mul3A_2, %add3A_105 : i32
    %dma_wait3A_107 = arith.constant 0 : i32
    %dma_wait3A_108 = tpu.memref_slice %arg6[%arg0, %add3A_106, %dma_wait3A_107] : memref<2x10240x128xf32, #tpu.memory_space<hbm>> -> memref<1x128x128xf32, #tpu.memory_space<hbm>>
    %dma_wait3A_109 = tpu.memref_squeeze %dma_wait3A_108 : memref<1x128x128xf32, #tpu.memory_space<hbm>> -> memref<128x128xf32, #tpu.memory_space<hbm>>
    %dma_wait3A_110 = arith.constant 0 : i32
    %dma_wait3A_111 = tpu.memref_slice %arg6[%arg0, %add3A_106, %dma_wait3A_110] : memref<2x10240x128xf32, #tpu.memory_space<hbm>> -> memref<1x128x128xf32, #tpu.memory_space<hbm>>
    %dma_wait3A_112 = tpu.memref_squeeze %dma_wait3A_111 : memref<1x128x128xf32, #tpu.memory_space<hbm>> -> memref<128x128xf32, #tpu.memory_space<hbm>>
    tpu.wait_dma2 semaphore(%arg12 : memref<!tpu.dma_semaphore, #tpu.memory_space<semaphore_mem>>) src(%arg10 : memref<128x128xf32, #tpu.memory_space<vmem>>) dst(%dma_wait3A_112 : memref<128x128xf32, #tpu.memory_space<hbm>>)
    return
  }
}

module attributes {stable_mosaic.version = 14 : i64} {
  func.func @_combine_body(%arg0: i32, %arg1: memref<2x400x128xf32, #tpu.memory_space<vmem>>, %arg2: memref<2x400x128xf32, #tpu.memory_space<vmem>>, %arg3: memref<400x128xf32, #tpu.memory_space<vmem>>, %arg4: memref<128x128xf32, #tpu.memory_space<vmem>>, %arg5: memref<1x128xf32, #tpu.memory_space<vmem>>, %arg6: memref<128x128xf32, #tpu.memory_space<vmem>>, %arg7: memref<1x128xf32, #tpu.memory_space<vmem>>, %arg8: memref<1x128xf32, #tpu.memory_space<vmem>>, %arg9: memref<400x128xf32, #tpu.memory_space<vmem>>) attributes {dimension_semantics = [#tpu.dimension_semantics<arbitrary>], iteration_bounds = array<i64: 25>, scalar_prefetch = 0 : i64, scratch_operands = 0 : i64, tpu.core_type = #tpu.core_type<tc>, window_params = [{transform_indices = @transform_0, window_bounds = array<i64: 2, 400, 128>}, {transform_indices = @transform_1, window_bounds = array<i64: 2, 400, 128>}, {transform_indices = @transform_2, window_bounds = array<i64: 400, 128>}, {pipeline_mode = #tpu.pipeline_mode<synchronous>, transform_indices = @transform_3, window_bounds = array<i64: 128, 128>}, {pipeline_mode = #tpu.pipeline_mode<synchronous>, transform_indices = @transform_4, window_bounds = array<i64: 1, 128>}, {pipeline_mode = #tpu.pipeline_mode<synchronous>, transform_indices = @transform_5, window_bounds = array<i64: 128, 128>}, {pipeline_mode = #tpu.pipeline_mode<synchronous>, transform_indices = @transform_6, window_bounds = array<i64: 1, 128>}, {pipeline_mode = #tpu.pipeline_mode<synchronous>, transform_indices = @transform_7, window_bounds = array<i64: 1, 128>}, {transform_indices = @transform_8, window_bounds = array<i64: 400, 128>}]} {
    %get3A = arith.constant 0 : index
    %get3A_0 = arith.constant 0 : index
    %get3A_1 = arith.constant 0 : index
    %get3A_2 = vector.load %arg1[%get3A, %get3A_0, %get3A_1] : memref<2x400x128xf32, #tpu.memory_space<vmem>>, vector<1x400x128xf32>
    %get3A_3 = vector.shape_cast %get3A_2 : vector<1x400x128xf32> to vector<400x128xf32>
    %get3A_4 = arith.constant 1 : index
    %get3A_5 = arith.constant 0 : index
    %get3A_6 = arith.constant 0 : index
    %get3A_7 = vector.load %arg1[%get3A_4, %get3A_5, %get3A_6] : memref<2x400x128xf32, #tpu.memory_space<vmem>>, vector<1x400x128xf32>
    %get3A_8 = vector.shape_cast %get3A_7 : vector<1x400x128xf32> to vector<400x128xf32>
    %add3A = arith.addf %get3A_3, %get3A_8 : vector<400x128xf32>
    %get3A_9 = arith.constant 0 : index
    %get3A_10 = arith.constant 0 : index
    %get3A_11 = arith.constant 0 : index
    %get3A_12 = vector.load %arg2[%get3A_9, %get3A_10, %get3A_11] : memref<2x400x128xf32, #tpu.memory_space<vmem>>, vector<1x400x128xf32>
    %get3A_13 = vector.shape_cast %get3A_12 : vector<1x400x128xf32> to vector<400x128xf32>
    %slice3A = vector.extract_strided_slice %get3A_13 {offsets = [0, 0], sizes = [400, 1], strides = [1, 1]} : vector<400x128xf32> to vector<400x1xf32>
    %get3A_14 = arith.constant 1 : index
    %get3A_15 = arith.constant 0 : index
    %get3A_16 = arith.constant 0 : index
    %get3A_17 = vector.load %arg2[%get3A_14, %get3A_15, %get3A_16] : memref<2x400x128xf32, #tpu.memory_space<vmem>>, vector<1x400x128xf32>
    %get3A_18 = vector.shape_cast %get3A_17 : vector<1x400x128xf32> to vector<400x128xf32>
    %slice3A_19 = vector.extract_strided_slice %get3A_18 {offsets = [0, 0], sizes = [400, 1], strides = [1, 1]} : vector<400x128xf32> to vector<400x1xf32>
    %add3A_20 = arith.addf %slice3A, %slice3A_19 : vector<400x1xf32>
    %max3A = arith.constant 1.000000e+00 : f32
    %max3A_21 = vector.broadcast %max3A : f32 to vector<400x1xf32>
    %max3A_22 = arith.maximumf %add3A_20, %max3A_21 : vector<400x1xf32>
    %div3A = vector.broadcast %max3A_22 : vector<400x1xf32> to vector<400x128xf32>
    %div3A_23 = arith.divf %add3A, %div3A : vector<400x128xf32>
    %get3A_24 = arith.constant 0 : index
    %get3A_25 = arith.constant 0 : index
    %get3A_26 = vector.load %arg3[%get3A_24, %get3A_25] : memref<400x128xf32, #tpu.memory_space<vmem>>, vector<400x128xf32>
    %get3A_27 = arith.constant 0 : index
    %get3A_28 = arith.constant 0 : index
    %get3A_29 = vector.load %arg4[%get3A_27, %get3A_28] : memref<128x128xf32, #tpu.memory_space<vmem>>, vector<128x128xf32>
    %dot_general3A = arith.constant dense<0.000000e+00> : vector<400x128xf32>
    %dot_general3A_30 = tpu.matmul %div3A_23, %get3A_29, %dot_general3A {dimension_numbers = #tpu.dot_dimension_numbers<[1], [0], [0], [1], [0, 0, 1, 1], [], []>, transpose_lhs_hint = false} : vector<400x128xf32>, vector<128x128xf32>, vector<400x128xf32> -> vector<400x128xf32>
    %get3A_31 = arith.constant 0 : index
    %get3A_32 = arith.constant 0 : index
    %get3A_33 = vector.load %arg5[%get3A_31, %get3A_32] : memref<1x128xf32, #tpu.memory_space<vmem>>, vector<1x128xf32>
    %add3A_34 = vector.broadcast %get3A_33 : vector<1x128xf32> to vector<400x128xf32>
    %add3A_35 = arith.addf %dot_general3A_30, %add3A_34 : vector<400x128xf32>
    %get3A_36 = arith.constant 0 : index
    %get3A_37 = arith.constant 0 : index
    %get3A_38 = vector.load %arg6[%get3A_36, %get3A_37] : memref<128x128xf32, #tpu.memory_space<vmem>>, vector<128x128xf32>
    %dot_general3A_39 = arith.constant dense<0.000000e+00> : vector<400x128xf32>
    %dot_general3A_40 = tpu.matmul %get3A_26, %get3A_38, %dot_general3A_39 {dimension_numbers = #tpu.dot_dimension_numbers<[1], [0], [0], [1], [0, 0, 1, 1], [], []>, transpose_lhs_hint = false} : vector<400x128xf32>, vector<128x128xf32>, vector<400x128xf32> -> vector<400x128xf32>
    %add3A_41 = arith.addf %add3A_35, %dot_general3A_40 : vector<400x128xf32>
    %get3A_42 = arith.constant 0 : index
    %get3A_43 = arith.constant 0 : index
    %get3A_44 = vector.load %arg7[%get3A_42, %get3A_43] : memref<1x128xf32, #tpu.memory_space<vmem>>, vector<1x128xf32>
    %get3A_45 = arith.constant 0 : index
    %get3A_46 = arith.constant 0 : index
    %get3A_47 = vector.load %arg8[%get3A_45, %get3A_46] : memref<1x128xf32, #tpu.memory_space<vmem>>, vector<1x128xf32>
    %reduce_sum3A = arith.constant dense<0.000000e+00> : vector<400xf32>
    %reduce_sum3A_48 = vector.multi_reduction <add>, %add3A_41, %reduce_sum3A [1] : vector<400x128xf32> to vector<400xf32>
    %broadcast_in_dim3A = vector.shape_cast %reduce_sum3A_48 : vector<400xf32> to vector<400x1xf32>
    %div3A_49 = arith.constant 1.280000e+02 : f32
    %div3A_50 = vector.broadcast %div3A_49 : f32 to vector<400x1xf32>
    %div3A_51 = arith.divf %broadcast_in_dim3A, %div3A_50 : vector<400x1xf32>
    %sub3A = vector.broadcast %div3A_51 : vector<400x1xf32> to vector<400x128xf32>
    %sub3A_52 = arith.subf %add3A_41, %sub3A : vector<400x128xf32>
    %integer_pow3A = arith.mulf %sub3A_52, %sub3A_52 : vector<400x128xf32>
    %reduce_sum3A_53 = arith.constant dense<0.000000e+00> : vector<400xf32>
    %reduce_sum3A_54 = vector.multi_reduction <add>, %integer_pow3A, %reduce_sum3A_53 [1] : vector<400x128xf32> to vector<400xf32>
    %broadcast_in_dim3A_55 = vector.shape_cast %reduce_sum3A_54 : vector<400xf32> to vector<400x1xf32>
    %div3A_56 = arith.constant 1.280000e+02 : f32
    %div3A_57 = vector.broadcast %div3A_56 : f32 to vector<400x1xf32>
    %div3A_58 = arith.divf %broadcast_in_dim3A_55, %div3A_57 : vector<400x1xf32>
    %sub3A_59 = vector.broadcast %div3A_51 : vector<400x1xf32> to vector<400x128xf32>
    %sub3A_60 = arith.subf %add3A_41, %sub3A_59 : vector<400x128xf32>
    %add3A_61 = arith.constant 9.99999974E-6 : f32
    %add3A_62 = vector.broadcast %add3A_61 : f32 to vector<400x1xf32>
    %add3A_63 = arith.addf %div3A_58, %add3A_62 : vector<400x1xf32>
    %rsqrt3A = math.rsqrt %add3A_63 : vector<400x1xf32>
    %mul3A = vector.broadcast %rsqrt3A : vector<400x1xf32> to vector<400x128xf32>
    %mul3A_64 = arith.mulf %sub3A_60, %mul3A : vector<400x128xf32>
    %mul3A_65 = vector.broadcast %get3A_44 : vector<1x128xf32> to vector<400x128xf32>
    %mul3A_66 = arith.mulf %mul3A_64, %mul3A_65 : vector<400x128xf32>
    %add3A_67 = vector.broadcast %get3A_47 : vector<1x128xf32> to vector<400x128xf32>
    %add3A_68 = arith.addf %mul3A_66, %add3A_67 : vector<400x128xf32>
    %max3A_69 = arith.constant 0.000000e+00 : f32
    %max3A_70 = vector.broadcast %max3A_69 : f32 to vector<400x128xf32>
    %max3A_71 = arith.maximumf %add3A_68, %max3A_70 : vector<400x128xf32>
    %add3A_72 = arith.addf %get3A_26, %max3A_71 : vector<400x128xf32>
    %swap3A = arith.constant 0 : index
    %swap3A_73 = arith.constant 0 : index
    %swap3A_74 = vector.load %arg9[%swap3A, %swap3A_73] : memref<400x128xf32, #tpu.memory_space<vmem>>, vector<400x128xf32>
    tpu.vector_store %arg9[%swap3A, %swap3A_73], %add3A_72 {strides = array<i32>} : memref<400x128xf32, #tpu.memory_space<vmem>>, vector<400x128xf32>,
    return
  }
  func.func @transform_0(%arg0: i32) -> (i32, i32, i32) {
    %c0_i32 = arith.constant 0 : i32
    %c0_i32_0 = arith.constant 0 : i32
    %c0_i32_1 = arith.constant 0 : i32
    return %c0_i32, %arg0, %c0_i32_0 : i32, i32, i32
  }
  func.func @transform_1(%arg0: i32) -> (i32, i32, i32) {
    %c0_i32 = arith.constant 0 : i32
    %c0_i32_0 = arith.constant 0 : i32
    %c0_i32_1 = arith.constant 0 : i32
    return %c0_i32, %arg0, %c0_i32_0 : i32, i32, i32
  }
  func.func @transform_2(%arg0: i32) -> (i32, i32) {
    %c0_i32 = arith.constant 0 : i32
    %c0_i32_0 = arith.constant 0 : i32
    return %arg0, %c0_i32 : i32, i32
  }
  func.func @transform_3(%arg0: i32) -> (i32, i32) {
    %c0_i32 = arith.constant 0 : i32
    %c0_i32_0 = arith.constant 0 : i32
    %c0_i32_1 = arith.constant 0 : i32
    return %c0_i32, %c0_i32_0 : i32, i32
  }
  func.func @transform_4(%arg0: i32) -> (i32, i32) {
    %c0_i32 = arith.constant 0 : i32
    %c0_i32_0 = arith.constant 0 : i32
    %c0_i32_1 = arith.constant 0 : i32
    return %c0_i32, %c0_i32_0 : i32, i32
  }
  func.func @transform_5(%arg0: i32) -> (i32, i32) {
    %c0_i32 = arith.constant 0 : i32
    %c0_i32_0 = arith.constant 0 : i32
    %c0_i32_1 = arith.constant 0 : i32
    return %c0_i32, %c0_i32_0 : i32, i32
  }
  func.func @transform_6(%arg0: i32) -> (i32, i32) {
    %c0_i32 = arith.constant 0 : i32
    %c0_i32_0 = arith.constant 0 : i32
    %c0_i32_1 = arith.constant 0 : i32
    return %c0_i32, %c0_i32_0 : i32, i32
  }
  func.func @transform_7(%arg0: i32) -> (i32, i32) {
    %c0_i32 = arith.constant 0 : i32
    %c0_i32_0 = arith.constant 0 : i32
    %c0_i32_1 = arith.constant 0 : i32
    return %c0_i32, %c0_i32_0 : i32, i32
  }
  func.func @transform_8(%arg0: i32) -> (i32, i32) {
    %c0_i32 = arith.constant 0 : i32
    %c0_i32_0 = arith.constant 0 : i32
    return %arg0, %c0_i32 : i32, i32
  }
}

module attributes {stable_mosaic.version = 14 : i64} {
  func.func @_proj_body(%arg0: i32, %arg1: memref<400x1024xf32, #tpu.memory_space<vmem>>, %arg2: memref<1024x128xf32, #tpu.memory_space<vmem>>, %arg3: memref<1x128xf32, #tpu.memory_space<vmem>>, %arg4: memref<1x128xf32, #tpu.memory_space<vmem>>, %arg5: memref<1x128xf32, #tpu.memory_space<vmem>>, %arg6: memref<400x128xf32, #tpu.memory_space<vmem>>) attributes {dimension_semantics = [#tpu.dimension_semantics<arbitrary>], iteration_bounds = array<i64: 25>, scalar_prefetch = 0 : i64, scratch_operands = 0 : i64, tpu.core_type = #tpu.core_type<tc>, window_params = [{transform_indices = @transform_0, window_bounds = array<i64: 400, 1024>}, {pipeline_mode = #tpu.pipeline_mode<synchronous>, transform_indices = @transform_1, window_bounds = array<i64: 1024, 128>}, {pipeline_mode = #tpu.pipeline_mode<synchronous>, transform_indices = @transform_2, window_bounds = array<i64: 1, 128>}, {pipeline_mode = #tpu.pipeline_mode<synchronous>, transform_indices = @transform_3, window_bounds = array<i64: 1, 128>}, {pipeline_mode = #tpu.pipeline_mode<synchronous>, transform_indices = @transform_4, window_bounds = array<i64: 1, 128>}, {transform_indices = @transform_5, window_bounds = array<i64: 400, 128>}]} {
    %get3A = arith.constant 0 : index
    %get3A_0 = arith.constant 0 : index
    %get3A_1 = vector.load %arg1[%get3A, %get3A_0] : memref<400x1024xf32, #tpu.memory_space<vmem>>, vector<400x1024xf32>
    %get3A_2 = arith.constant 0 : index
    %get3A_3 = arith.constant 0 : index
    %get3A_4 = vector.load %arg2[%get3A_2, %get3A_3] : memref<1024x128xf32, #tpu.memory_space<vmem>>, vector<1024x128xf32>
    %dot_general3A = arith.constant dense<0.000000e+00> : vector<400x128xf32>
    %dot_general3A_5 = tpu.matmul %get3A_1, %get3A_4, %dot_general3A {dimension_numbers = #tpu.dot_dimension_numbers<[1], [0], [0], [1], [0, 0, 1, 1], [], []>, transpose_lhs_hint = false} : vector<400x1024xf32>, vector<1024x128xf32>, vector<400x128xf32> -> vector<400x128xf32>
    %get3A_6 = arith.constant 0 : index
    %get3A_7 = arith.constant 0 : index
    %get3A_8 = vector.load %arg3[%get3A_6, %get3A_7] : memref<1x128xf32, #tpu.memory_space<vmem>>, vector<1x128xf32>
    %add3A = vector.broadcast %get3A_8 : vector<1x128xf32> to vector<400x128xf32>
    %add3A_9 = arith.addf %dot_general3A_5, %add3A : vector<400x128xf32>
    %get3A_10 = arith.constant 0 : index
    %get3A_11 = arith.constant 0 : index
    %get3A_12 = vector.load %arg4[%get3A_10, %get3A_11] : memref<1x128xf32, #tpu.memory_space<vmem>>, vector<1x128xf32>
    %get3A_13 = arith.constant 0 : index
    %get3A_14 = arith.constant 0 : index
    %get3A_15 = vector.load %arg5[%get3A_13, %get3A_14] : memref<1x128xf32, #tpu.memory_space<vmem>>, vector<1x128xf32>
    %reduce_sum3A = arith.constant dense<0.000000e+00> : vector<400xf32>
    %reduce_sum3A_16 = vector.multi_reduction <add>, %add3A_9, %reduce_sum3A [1] : vector<400x128xf32> to vector<400xf32>
    %broadcast_in_dim3A = vector.shape_cast %reduce_sum3A_16 : vector<400xf32> to vector<400x1xf32>
    %div3A = arith.constant 1.280000e+02 : f32
    %div3A_17 = vector.broadcast %div3A : f32 to vector<400x1xf32>
    %div3A_18 = arith.divf %broadcast_in_dim3A, %div3A_17 : vector<400x1xf32>
    %sub3A = vector.broadcast %div3A_18 : vector<400x1xf32> to vector<400x128xf32>
    %sub3A_19 = arith.subf %add3A_9, %sub3A : vector<400x128xf32>
    %integer_pow3A = arith.mulf %sub3A_19, %sub3A_19 : vector<400x128xf32>
    %reduce_sum3A_20 = arith.constant dense<0.000000e+00> : vector<400xf32>
    %reduce_sum3A_21 = vector.multi_reduction <add>, %integer_pow3A, %reduce_sum3A_20 [1] : vector<400x128xf32> to vector<400xf32>
    %broadcast_in_dim3A_22 = vector.shape_cast %reduce_sum3A_21 : vector<400xf32> to vector<400x1xf32>
    %div3A_23 = arith.constant 1.280000e+02 : f32
    %div3A_24 = vector.broadcast %div3A_23 : f32 to vector<400x1xf32>
    %div3A_25 = arith.divf %broadcast_in_dim3A_22, %div3A_24 : vector<400x1xf32>
    %sub3A_26 = vector.broadcast %div3A_18 : vector<400x1xf32> to vector<400x128xf32>
    %sub3A_27 = arith.subf %add3A_9, %sub3A_26 : vector<400x128xf32>
    %add3A_28 = arith.constant 9.99999974E-6 : f32
    %add3A_29 = vector.broadcast %add3A_28 : f32 to vector<400x1xf32>
    %add3A_30 = arith.addf %div3A_25, %add3A_29 : vector<400x1xf32>
    %rsqrt3A = math.rsqrt %add3A_30 : vector<400x1xf32>
    %mul3A = vector.broadcast %rsqrt3A : vector<400x1xf32> to vector<400x128xf32>
    %mul3A_31 = arith.mulf %sub3A_27, %mul3A : vector<400x128xf32>
    %mul3A_32 = vector.broadcast %get3A_12 : vector<1x128xf32> to vector<400x128xf32>
    %mul3A_33 = arith.mulf %mul3A_31, %mul3A_32 : vector<400x128xf32>
    %add3A_34 = vector.broadcast %get3A_15 : vector<1x128xf32> to vector<400x128xf32>
    %add3A_35 = arith.addf %mul3A_33, %add3A_34 : vector<400x128xf32>
    %max3A = arith.constant 0.000000e+00 : f32
    %max3A_36 = vector.broadcast %max3A : f32 to vector<400x128xf32>
    %max3A_37 = arith.maximumf %add3A_35, %max3A_36 : vector<400x128xf32>
    %swap3A = arith.constant 0 : index
    %swap3A_38 = arith.constant 0 : index
    %swap3A_39 = vector.load %arg6[%swap3A, %swap3A_38] : memref<400x128xf32, #tpu.memory_space<vmem>>, vector<400x128xf32>
    tpu.vector_store %arg6[%swap3A, %swap3A_38], %max3A_37 {strides = array<i32>} : memref<400x128xf32, #tpu.memory_space<vmem>>, vector<400x128xf32>,
    return
  }
  func.func @transform_0(%arg0: i32) -> (i32, i32) {
    %c0_i32 = arith.constant 0 : i32
    %c0_i32_0 = arith.constant 0 : i32
    return %arg0, %c0_i32 : i32, i32
  }
  func.func @transform_1(%arg0: i32) -> (i32, i32) {
    %c0_i32 = arith.constant 0 : i32
    %c0_i32_0 = arith.constant 0 : i32
    %c0_i32_1 = arith.constant 0 : i32
    return %c0_i32, %c0_i32_0 : i32, i32
  }
  func.func @transform_2(%arg0: i32) -> (i32, i32) {
    %c0_i32 = arith.constant 0 : i32
    %c0_i32_0 = arith.constant 0 : i32
    %c0_i32_1 = arith.constant 0 : i32
    return %c0_i32, %c0_i32_0 : i32, i32
  }
  func.func @transform_3(%arg0: i32) -> (i32, i32) {
    %c0_i32 = arith.constant 0 : i32
    %c0_i32_0 = arith.constant 0 : i32
    %c0_i32_1 = arith.constant 0 : i32
    return %c0_i32, %c0_i32_0 : i32, i32
  }
  func.func @transform_4(%arg0: i32) -> (i32, i32) {
    %c0_i32 = arith.constant 0 : i32
    %c0_i32_0 = arith.constant 0 : i32
    %c0_i32_1 = arith.constant 0 : i32
    return %c0_i32, %c0_i32_0 : i32, i32
  }
  func.func @transform_5(%arg0: i32) -> (i32, i32) {
    %c0_i32 = arith.constant 0 : i32
    %c0_i32_0 = arith.constant 0 : i32
    return %arg0, %c0_i32 : i32, i32
  }
}

module attributes {stable_mosaic.version = 14 : i64} {
  func.func @_final_body(%arg0: i32, %arg1: memref<2x400x128xf32, #tpu.memory_space<vmem>>, %arg2: memref<2x400x128xf32, #tpu.memory_space<vmem>>, %arg3: memref<400x128xf32, #tpu.memory_space<vmem>>, %arg4: memref<128x128xf32, #tpu.memory_space<vmem>>, %arg5: memref<1x128xf32, #tpu.memory_space<vmem>>, %arg6: memref<128x128xf32, #tpu.memory_space<vmem>>, %arg7: memref<1x128xf32, #tpu.memory_space<vmem>>, %arg8: memref<1x128xf32, #tpu.memory_space<vmem>>, %arg9: memref<256x128xf32, #tpu.memory_space<vmem>>, %arg10: memref<1x128xf32, #tpu.memory_space<vmem>>, %arg11: memref<1x128xf32, #tpu.memory_space<vmem>>, %arg12: memref<1x128xf32, #tpu.memory_space<vmem>>, %arg13: memref<128x128xf32, #tpu.memory_space<vmem>>, %arg14: memref<1x128xf32, #tpu.memory_space<vmem>>, %arg15: memref<1x128xf32, #tpu.memory_space<vmem>>, %arg16: memref<8x128xf32, #tpu.memory_space<vmem>>, %arg17: memref<8x128xf32, #tpu.memory_space<vmem>>) attributes {dimension_semantics = [#tpu.dimension_semantics<arbitrary>], iteration_bounds = array<i64: 25>, scalar_prefetch = 0 : i64, scratch_operands = 2 : i64, tpu.core_type = #tpu.core_type<tc>, window_params = [{transform_indices = @transform_0, window_bounds = array<i64: 2, 400, 128>}, {transform_indices = @transform_1, window_bounds = array<i64: 2, 400, 128>}, {transform_indices = @transform_2, window_bounds = array<i64: 400, 128>}, {pipeline_mode = #tpu.pipeline_mode<synchronous>, transform_indices = @transform_3, window_bounds = array<i64: 128, 128>}, {pipeline_mode = #tpu.pipeline_mode<synchronous>, transform_indices = @transform_4, window_bounds = array<i64: 1, 128>}, {pipeline_mode = #tpu.pipeline_mode<synchronous>, transform_indices = @transform_5, window_bounds = array<i64: 128, 128>}, {pipeline_mode = #tpu.pipeline_mode<synchronous>, transform_indices = @transform_6, window_bounds = array<i64: 1, 128>}, {pipeline_mode = #tpu.pipeline_mode<synchronous>, transform_indices = @transform_7, window_bounds = array<i64: 1, 128>}, {pipeline_mode = #tpu.pipeline_mode<synchronous>, transform_indices = @transform_8, window_bounds = array<i64: 256, 128>}, {pipeline_mode = #tpu.pipeline_mode<synchronous>, transform_indices = @transform_9, window_bounds = array<i64: 1, 128>}, {pipeline_mode = #tpu.pipeline_mode<synchronous>, transform_indices = @transform_10, window_bounds = array<i64: 1, 128>}, {pipeline_mode = #tpu.pipeline_mode<synchronous>, transform_indices = @transform_11, window_bounds = array<i64: 1, 128>}, {pipeline_mode = #tpu.pipeline_mode<synchronous>, transform_indices = @transform_12, window_bounds = array<i64: 128, 128>}, {pipeline_mode = #tpu.pipeline_mode<synchronous>, transform_indices = @transform_13, window_bounds = array<i64: 1, 128>}, {pipeline_mode = #tpu.pipeline_mode<synchronous>, transform_indices = @transform_14, window_bounds = array<i64: 1, 128>}]} {
    %get3A = arith.constant 0 : index
    %get3A_0 = arith.constant 0 : index
    %get3A_1 = arith.constant 0 : index
    %get3A_2 = vector.load %arg1[%get3A, %get3A_0, %get3A_1] : memref<2x400x128xf32, #tpu.memory_space<vmem>>, vector<1x400x128xf32>
    %get3A_3 = vector.shape_cast %get3A_2 : vector<1x400x128xf32> to vector<400x128xf32>
    %get3A_4 = arith.constant 1 : index
    %get3A_5 = arith.constant 0 : index
    %get3A_6 = arith.constant 0 : index
    %get3A_7 = vector.load %arg1[%get3A_4, %get3A_5, %get3A_6] : memref<2x400x128xf32, #tpu.memory_space<vmem>>, vector<1x400x128xf32>
    %get3A_8 = vector.shape_cast %get3A_7 : vector<1x400x128xf32> to vector<400x128xf32>
    %add3A = arith.addf %get3A_3, %get3A_8 : vector<400x128xf32>
    %get3A_9 = arith.constant 0 : index
    %get3A_10 = arith.constant 0 : index
    %get3A_11 = arith.constant 0 : index
    %get3A_12 = vector.load %arg2[%get3A_9, %get3A_10, %get3A_11] : memref<2x400x128xf32, #tpu.memory_space<vmem>>, vector<1x400x128xf32>
    %get3A_13 = vector.shape_cast %get3A_12 : vector<1x400x128xf32> to vector<400x128xf32>
    %slice3A = vector.extract_strided_slice %get3A_13 {offsets = [0, 0], sizes = [400, 1], strides = [1, 1]} : vector<400x128xf32> to vector<400x1xf32>
    %get3A_14 = arith.constant 1 : index
    %get3A_15 = arith.constant 0 : index
    %get3A_16 = arith.constant 0 : index
    %get3A_17 = vector.load %arg2[%get3A_14, %get3A_15, %get3A_16] : memref<2x400x128xf32, #tpu.memory_space<vmem>>, vector<1x400x128xf32>
    %get3A_18 = vector.shape_cast %get3A_17 : vector<1x400x128xf32> to vector<400x128xf32>
    %slice3A_19 = vector.extract_strided_slice %get3A_18 {offsets = [0, 0], sizes = [400, 1], strides = [1, 1]} : vector<400x128xf32> to vector<400x1xf32>
    %add3A_20 = arith.addf %slice3A, %slice3A_19 : vector<400x1xf32>
    %max3A = arith.constant 1.000000e+00 : f32
    %max3A_21 = vector.broadcast %max3A : f32 to vector<400x1xf32>
    %max3A_22 = arith.maximumf %add3A_20, %max3A_21 : vector<400x1xf32>
    %div3A = vector.broadcast %max3A_22 : vector<400x1xf32> to vector<400x128xf32>
    %div3A_23 = arith.divf %add3A, %div3A : vector<400x128xf32>
    %get3A_24 = arith.constant 0 : index
    %get3A_25 = arith.constant 0 : index
    %get3A_26 = vector.load %arg3[%get3A_24, %get3A_25] : memref<400x128xf32, #tpu.memory_space<vmem>>, vector<400x128xf32>
    %get3A_27 = arith.constant 0 : index
    %get3A_28 = arith.constant 0 : index
    %get3A_29 = vector.load %arg4[%get3A_27, %get3A_28] : memref<128x128xf32, #tpu.memory_space<vmem>>, vector<128x128xf32>
    %dot_general3A = arith.constant dense<0.000000e+00> : vector<400x128xf32>
    %dot_general3A_30 = tpu.matmul %div3A_23, %get3A_29, %dot_general3A {dimension_numbers = #tpu.dot_dimension_numbers<[1], [0], [0], [1], [0, 0, 1, 1], [], []>, transpose_lhs_hint = false} : vector<400x128xf32>, vector<128x128xf32>, vector<400x128xf32> -> vector<400x128xf32>
    %get3A_31 = arith.constant 0 : index
    %get3A_32 = arith.constant 0 : index
    %get3A_33 = vector.load %arg5[%get3A_31, %get3A_32] : memref<1x128xf32, #tpu.memory_space<vmem>>, vector<1x128xf32>
    %add3A_34 = vector.broadcast %get3A_33 : vector<1x128xf32> to vector<400x128xf32>
    %add3A_35 = arith.addf %dot_general3A_30, %add3A_34 : vector<400x128xf32>
    %get3A_36 = arith.constant 0 : index
    %get3A_37 = arith.constant 0 : index
    %get3A_38 = vector.load %arg6[%get3A_36, %get3A_37] : memref<128x128xf32, #tpu.memory_space<vmem>>, vector<128x128xf32>
    %dot_general3A_39 = arith.constant dense<0.000000e+00> : vector<400x128xf32>
    %dot_general3A_40 = tpu.matmul %get3A_26, %get3A_38, %dot_general3A_39 {dimension_numbers = #tpu.dot_dimension_numbers<[1], [0], [0], [1], [0, 0, 1, 1], [], []>, transpose_lhs_hint = false} : vector<400x128xf32>, vector<128x128xf32>, vector<400x128xf32> -> vector<400x128xf32>
    %add3A_41 = arith.addf %add3A_35, %dot_general3A_40 : vector<400x128xf32>
    %get3A_42 = arith.constant 0 : index
    %get3A_43 = arith.constant 0 : index
    %get3A_44 = vector.load %arg7[%get3A_42, %get3A_43] : memref<1x128xf32, #tpu.memory_space<vmem>>, vector<1x128xf32>
    %get3A_45 = arith.constant 0 : index
    %get3A_46 = arith.constant 0 : index
    %get3A_47 = vector.load %arg8[%get3A_45, %get3A_46] : memref<1x128xf32, #tpu.memory_space<vmem>>, vector<1x128xf32>
    %reduce_sum3A = arith.constant dense<0.000000e+00> : vector<400xf32>
    %reduce_sum3A_48 = vector.multi_reduction <add>, %add3A_41, %reduce_sum3A [1] : vector<400x128xf32> to vector<400xf32>
    %broadcast_in_dim3A = vector.shape_cast %reduce_sum3A_48 : vector<400xf32> to vector<400x1xf32>
    %div3A_49 = arith.constant 1.280000e+02 : f32
    %div3A_50 = vector.broadcast %div3A_49 : f32 to vector<400x1xf32>
    %div3A_51 = arith.divf %broadcast_in_dim3A, %div3A_50 : vector<400x1xf32>
    %sub3A = vector.broadcast %div3A_51 : vector<400x1xf32> to vector<400x128xf32>
    %sub3A_52 = arith.subf %add3A_41, %sub3A : vector<400x128xf32>
    %integer_pow3A = arith.mulf %sub3A_52, %sub3A_52 : vector<400x128xf32>
    %reduce_sum3A_53 = arith.constant dense<0.000000e+00> : vector<400xf32>
    %reduce_sum3A_54 = vector.multi_reduction <add>, %integer_pow3A, %reduce_sum3A_53 [1] : vector<400x128xf32> to vector<400xf32>
    %broadcast_in_dim3A_55 = vector.shape_cast %reduce_sum3A_54 : vector<400xf32> to vector<400x1xf32>
    %div3A_56 = arith.constant 1.280000e+02 : f32
    %div3A_57 = vector.broadcast %div3A_56 : f32 to vector<400x1xf32>
    %div3A_58 = arith.divf %broadcast_in_dim3A_55, %div3A_57 : vector<400x1xf32>
    %sub3A_59 = vector.broadcast %div3A_51 : vector<400x1xf32> to vector<400x128xf32>
    %sub3A_60 = arith.subf %add3A_41, %sub3A_59 : vector<400x128xf32>
    %add3A_61 = arith.constant 9.99999974E-6 : f32
    %add3A_62 = vector.broadcast %add3A_61 : f32 to vector<400x1xf32>
    %add3A_63 = arith.addf %div3A_58, %add3A_62 : vector<400x1xf32>
    %rsqrt3A = math.rsqrt %add3A_63 : vector<400x1xf32>
    %mul3A = vector.broadcast %rsqrt3A : vector<400x1xf32> to vector<400x128xf32>
    %mul3A_64 = arith.mulf %sub3A_60, %mul3A : vector<400x128xf32>
    %mul3A_65 = vector.broadcast %get3A_44 : vector<1x128xf32> to vector<400x128xf32>
    %mul3A_66 = arith.mulf %mul3A_64, %mul3A_65 : vector<400x128xf32>
    %add3A_67 = vector.broadcast %get3A_47 : vector<1x128xf32> to vector<400x128xf32>
    %add3A_68 = arith.addf %mul3A_66, %add3A_67 : vector<400x128xf32>
    %max3A_69 = arith.constant 0.000000e+00 : f32
    %max3A_70 = vector.broadcast %max3A_69 : f32 to vector<400x128xf32>
    %max3A_71 = arith.maximumf %add3A_68, %max3A_70 : vector<400x128xf32>
    %add3A_72 = arith.addf %get3A_26, %max3A_71 : vector<400x128xf32>
    %reshape3A = vector.shape_cast %add3A_72 : vector<400x128xf32> to vector<50x8x128xf32>
    %reduce_sum3A_73 = arith.constant dense<0.000000e+00> : vector<8x128xf32>
    %reduce_sum3A_74 = vector.multi_reduction <add>, %reshape3A, %reduce_sum3A_73 [0] : vector<50x8x128xf32> to vector<8x128xf32>
    %reduce_max3A = arith.constant dense<0xFF800000> : vector<8x128xf32>
    %reduce_max3A_75 = vector.multi_reduction <maximumf>, %reshape3A, %reduce_max3A [0] : vector<50x8x128xf32> to vector<8x128xf32>
    %eq3A = arith.constant 0 : i32
    %eq3A_76 = arith.cmpi eq, %arg0, %eq3A : i32
    %convert_element_type3A = arith.extui %eq3A_76 : i1 to i32
    %cond3A = arith.constant 0 : i32
    %cond3A_77 = arith.cmpi ne, %convert_element_type3A, %cond3A : i32
    scf.if %cond3A_77 {
      %swap3A = arith.constant 0 : index
      %swap3A_87 = arith.constant 0 : index
      %swap3A_88 = vector.load %arg16[%swap3A, %swap3A_87] : memref<8x128xf32, #tpu.memory_space<vmem>>, vector<8x128xf32>
      tpu.vector_store %arg16[%swap3A, %swap3A_87], %reduce_sum3A_74 {strides = array<i32>} : memref<8x128xf32, #tpu.memory_space<vmem>>, vector<8x128xf32>,
      %swap3A_89 = arith.constant 0 : index
      %swap3A_90 = arith.constant 0 : index
      %swap3A_91 = vector.load %arg17[%swap3A_89, %swap3A_90] : memref<8x128xf32, #tpu.memory_space<vmem>>, vector<8x128xf32>
      tpu.vector_store %arg17[%swap3A_89, %swap3A_90], %reduce_max3A_75 {strides = array<i32>} : memref<8x128xf32, #tpu.memory_space<vmem>>, vector<8x128xf32>,
    } else {
    }
    %gt3A = arith.constant 0 : i32
    %gt3A_78 = arith.cmpi sgt, %arg0, %gt3A : i32
    %convert_element_type3A_79 = arith.extui %gt3A_78 : i1 to i32
    %cond3A_80 = arith.constant 0 : i32
    %cond3A_81 = arith.cmpi ne, %convert_element_type3A_79, %cond3A_80 : i32
    scf.if %cond3A_81 {
      %get3A_87 = arith.constant 0 : index
      %get3A_88 = arith.constant 0 : index
      %get3A_89 = vector.load %arg16[%get3A_87, %get3A_88] : memref<8x128xf32, #tpu.memory_space<vmem>>, vector<8x128xf32>
      %add3A_90 = arith.addf %get3A_89, %reduce_sum3A_74 : vector<8x128xf32>
      %swap3A = arith.constant 0 : index
      %swap3A_91 = arith.constant 0 : index
      %swap3A_92 = vector.load %arg16[%swap3A, %swap3A_91] : memref<8x128xf32, #tpu.memory_space<vmem>>, vector<8x128xf32>
      tpu.vector_store %arg16[%swap3A, %swap3A_91], %add3A_90 {strides = array<i32>} : memref<8x128xf32, #tpu.memory_space<vmem>>, vector<8x128xf32>,
      %get3A_93 = arith.constant 0 : index
      %get3A_94 = arith.constant 0 : index
      %get3A_95 = vector.load %arg17[%get3A_93, %get3A_94] : memref<8x128xf32, #tpu.memory_space<vmem>>, vector<8x128xf32>
      %max3A_96 = arith.maximumf %get3A_95, %reduce_max3A_75 : vector<8x128xf32>
      %swap3A_97 = arith.constant 0 : index
      %swap3A_98 = arith.constant 0 : index
      %swap3A_99 = vector.load %arg17[%swap3A_97, %swap3A_98] : memref<8x128xf32, #tpu.memory_space<vmem>>, vector<8x128xf32>
      tpu.vector_store %arg17[%swap3A_97, %swap3A_98], %max3A_96 {strides = array<i32>} : memref<8x128xf32, #tpu.memory_space<vmem>>, vector<8x128xf32>,
    } else {
    }
    %eq3A_82 = arith.constant 24 : i32
    %eq3A_83 = arith.cmpi eq, %arg0, %eq3A_82 : i32
    %convert_element_type3A_84 = arith.extui %eq3A_83 : i1 to i32
    %cond3A_85 = arith.constant 0 : i32
    %cond3A_86 = arith.cmpi ne, %convert_element_type3A_84, %cond3A_85 : i32
    scf.if %cond3A_86 {
      %get3A_87 = arith.constant 0 : index
      %get3A_88 = arith.constant 0 : index
      %get3A_89 = vector.load %arg16[%get3A_87, %get3A_88] : memref<8x128xf32, #tpu.memory_space<vmem>>, vector<8x128xf32>
      %reduce_sum3A_90 = arith.constant dense<0.000000e+00> : vector<128xf32>
      %reduce_sum3A_91 = vector.multi_reduction <add>, %get3A_89, %reduce_sum3A_90 [0] : vector<8x128xf32> to vector<128xf32>
      %broadcast_in_dim3A_92 = vector.shape_cast %reduce_sum3A_91 : vector<128xf32> to vector<1x128xf32>
      %div3A_93 = arith.constant 1.000000e+04 : f32
      %div3A_94 = vector.broadcast %div3A_93 : f32 to vector<1x128xf32>
      %div3A_95 = arith.divf %broadcast_in_dim3A_92, %div3A_94 : vector<1x128xf32>
      %get3A_96 = arith.constant 0 : index
      %get3A_97 = arith.constant 0 : index
      %get3A_98 = vector.load %arg17[%get3A_96, %get3A_97] : memref<8x128xf32, #tpu.memory_space<vmem>>, vector<8x128xf32>
      %reduce_max3A_99 = arith.constant dense<0xFF800000> : vector<128xf32>
      %reduce_max3A_100 = vector.multi_reduction <maximumf>, %get3A_98, %reduce_max3A_99 [0] : vector<8x128xf32> to vector<128xf32>
      %broadcast_in_dim3A_101 = vector.shape_cast %reduce_max3A_100 : vector<128xf32> to vector<1x128xf32>
      %concatenate3A = tpu.concatenate %div3A_95, %broadcast_in_dim3A_101 in 1 : vector<1x128xf32>, vector<1x128xf32> -> vector<1x256xf32>
      %broadcast_in_dim3A_102 = vector.shape_cast %concatenate3A : vector<1x256xf32> to vector<1x256xf32>
      %broadcast_in_dim3A_103 = vector.broadcast %broadcast_in_dim3A_102 : vector<1x256xf32> to vector<8x256xf32>
      %get3A_104 = arith.constant 0 : index
      %get3A_105 = arith.constant 0 : index
      %get3A_106 = vector.load %arg9[%get3A_104, %get3A_105] : memref<256x128xf32, #tpu.memory_space<vmem>>, vector<256x128xf32>
      %dot_general3A_107 = arith.constant dense<0.000000e+00> : vector<8x128xf32>
      %dot_general3A_108 = tpu.matmul %broadcast_in_dim3A_103, %get3A_106, %dot_general3A_107 {dimension_numbers = #tpu.dot_dimension_numbers<[1], [0], [0], [1], [0, 0, 1, 1], [], []>, transpose_lhs_hint = false} : vector<8x256xf32>, vector<256x128xf32>, vector<8x128xf32> -> vector<8x128xf32>
      %get3A_109 = arith.constant 0 : index
      %get3A_110 = arith.constant 0 : index
      %get3A_111 = vector.load %arg10[%get3A_109, %get3A_110] : memref<1x128xf32, #tpu.memory_space<vmem>>, vector<1x128xf32>
      %add3A_112 = vector.broadcast %get3A_111 : vector<1x128xf32> to vector<8x128xf32>
      %add3A_113 = arith.addf %dot_general3A_108, %add3A_112 : vector<8x128xf32>
      %get3A_114 = arith.constant 0 : index
      %get3A_115 = arith.constant 0 : index
      %get3A_116 = vector.load %arg11[%get3A_114, %get3A_115] : memref<1x128xf32, #tpu.memory_space<vmem>>, vector<1x128xf32>
      %get3A_117 = arith.constant 0 : index
      %get3A_118 = arith.constant 0 : index
      %get3A_119 = vector.load %arg12[%get3A_117, %get3A_118] : memref<1x128xf32, #tpu.memory_space<vmem>>, vector<1x128xf32>
      %reduce_sum3A_120 = arith.constant dense<0.000000e+00> : vector<8xf32>
      %reduce_sum3A_121 = vector.multi_reduction <add>, %add3A_113, %reduce_sum3A_120 [1] : vector<8x128xf32> to vector<8xf32>
      %broadcast_in_dim3A_122 = vector.shape_cast %reduce_sum3A_121 : vector<8xf32> to vector<8x1xf32>
      %div3A_123 = arith.constant 1.280000e+02 : f32
      %div3A_124 = vector.broadcast %div3A_123 : f32 to vector<8x1xf32>
      %div3A_125 = arith.divf %broadcast_in_dim3A_122, %div3A_124 : vector<8x1xf32>
      %sub3A_126 = vector.broadcast %div3A_125 : vector<8x1xf32> to vector<8x128xf32>
      %sub3A_127 = arith.subf %add3A_113, %sub3A_126 : vector<8x128xf32>
      %integer_pow3A_128 = arith.mulf %sub3A_127, %sub3A_127 : vector<8x128xf32>
      %reduce_sum3A_129 = arith.constant dense<0.000000e+00> : vector<8xf32>
      %reduce_sum3A_130 = vector.multi_reduction <add>, %integer_pow3A_128, %reduce_sum3A_129 [1] : vector<8x128xf32> to vector<8xf32>
      %broadcast_in_dim3A_131 = vector.shape_cast %reduce_sum3A_130 : vector<8xf32> to vector<8x1xf32>
      %div3A_132 = arith.constant 1.280000e+02 : f32
      %div3A_133 = vector.broadcast %div3A_132 : f32 to vector<8x1xf32>
      %div3A_134 = arith.divf %broadcast_in_dim3A_131, %div3A_133 : vector<8x1xf32>
      %sub3A_135 = vector.broadcast %div3A_125 : vector<8x1xf32> to vector<8x128xf32>
      %sub3A_136 = arith.subf %add3A_113, %sub3A_135 : vector<8x128xf32>
      %add3A_137 = arith.constant 9.99999974E-6 : f32
      %add3A_138 = vector.broadcast %add3A_137 : f32 to vector<8x1xf32>
      %add3A_139 = arith.addf %div3A_134, %add3A_138 : vector<8x1xf32>
      %rsqrt3A_140 = math.rsqrt %add3A_139 : vector<8x1xf32>
      %mul3A_141 = vector.broadcast %rsqrt3A_140 : vector<8x1xf32> to vector<8x128xf32>
      %mul3A_142 = arith.mulf %sub3A_136, %mul3A_141 : vector<8x128xf32>
      %mul3A_143 = vector.broadcast %get3A_116 : vector<1x128xf32> to vector<8x128xf32>
      %mul3A_144 = arith.mulf %mul3A_142, %mul3A_143 : vector<8x128xf32>
      %add3A_145 = vector.broadcast %get3A_119 : vector<1x128xf32> to vector<8x128xf32>
      %add3A_146 = arith.addf %mul3A_144, %add3A_145 : vector<8x128xf32>
      %max3A_147 = arith.constant 0.000000e+00 : f32
      %max3A_148 = vector.broadcast %max3A_147 : f32 to vector<8x128xf32>
      %max3A_149 = arith.maximumf %add3A_146, %max3A_148 : vector<8x128xf32>
      %get3A_150 = arith.constant 0 : index
      %get3A_151 = arith.constant 0 : index
      %get3A_152 = vector.load %arg13[%get3A_150, %get3A_151] : memref<128x128xf32, #tpu.memory_space<vmem>>, vector<128x128xf32>
      %dot_general3A_153 = arith.constant dense<0.000000e+00> : vector<8x128xf32>
      %dot_general3A_154 = tpu.matmul %max3A_149, %get3A_152, %dot_general3A_153 {dimension_numbers = #tpu.dot_dimension_numbers<[1], [0], [0], [1], [0, 0, 1, 1], [], []>, transpose_lhs_hint = false} : vector<8x128xf32>, vector<128x128xf32>, vector<8x128xf32> -> vector<8x128xf32>
      %get3A_155 = arith.constant 0 : index
      %get3A_156 = arith.constant 0 : index
      %get3A_157 = vector.load %arg14[%get3A_155, %get3A_156] : memref<1x128xf32, #tpu.memory_space<vmem>>, vector<1x128xf32>
      %add3A_158 = vector.broadcast %get3A_157 : vector<1x128xf32> to vector<8x128xf32>
      %add3A_159 = arith.addf %dot_general3A_154, %add3A_158 : vector<8x128xf32>
      %slice3A_160 = vector.extract_strided_slice %add3A_159 {offsets = [0, 0], sizes = [1, 128], strides = [1, 1]} : vector<8x128xf32> to vector<1x128xf32>
      %swap3A = arith.constant 0 : index
      %swap3A_161 = arith.constant 0 : index
      %swap3A_162 = vector.load %arg15[%swap3A, %swap3A_161] : memref<1x128xf32, #tpu.memory_space<vmem>>, vector<1x128xf32>
      tpu.vector_store %arg15[%swap3A, %swap3A_161], %slice3A_160 {strides = array<i32>} : memref<1x128xf32, #tpu.memory_space<vmem>>, vector<1x128xf32>,
    } else {
    }
    return
  }
  func.func @transform_0(%arg0: i32) -> (i32, i32, i32) {
    %c0_i32 = arith.constant 0 : i32
    %c0_i32_0 = arith.constant 0 : i32
    %c0_i32_1 = arith.constant 0 : i32
    return %c0_i32, %arg0, %c0_i32_0 : i32, i32, i32
  }
  func.func @transform_1(%arg0: i32) -> (i32, i32, i32) {
    %c0_i32 = arith.constant 0 : i32
    %c0_i32_0 = arith.constant 0 : i32
    %c0_i32_1 = arith.constant 0 : i32
    return %c0_i32, %arg0, %c0_i32_0 : i32, i32, i32
  }
  func.func @transform_2(%arg0: i32) -> (i32, i32) {
    %c0_i32 = arith.constant 0 : i32
    %c0_i32_0 = arith.constant 0 : i32
    return %arg0, %c0_i32 : i32, i32
  }
  func.func @transform_3(%arg0: i32) -> (i32, i32) {
    %c0_i32 = arith.constant 0 : i32
    %c0_i32_0 = arith.constant 0 : i32
    %c0_i32_1 = arith.constant 0 : i32
    return %c0_i32, %c0_i32_0 : i32, i32
  }
  func.func @transform_4(%arg0: i32) -> (i32, i32) {
    %c0_i32 = arith.constant 0 : i32
    %c0_i32_0 = arith.constant 0 : i32
    %c0_i32_1 = arith.constant 0 : i32
    return %c0_i32, %c0_i32_0 : i32, i32
  }
  func.func @transform_5(%arg0: i32) -> (i32, i32) {
    %c0_i32 = arith.constant 0 : i32
    %c0_i32_0 = arith.constant 0 : i32
    %c0_i32_1 = arith.constant 0 : i32
    return %c0_i32, %c0_i32_0 : i32, i32
  }
  func.func @transform_6(%arg0: i32) -> (i32, i32) {
    %c0_i32 = arith.constant 0 : i32
    %c0_i32_0 = arith.constant 0 : i32
    %c0_i32_1 = arith.constant 0 : i32
    return %c0_i32, %c0_i32_0 : i32, i32
  }
  func.func @transform_7(%arg0: i32) -> (i32, i32) {
    %c0_i32 = arith.constant 0 : i32
    %c0_i32_0 = arith.constant 0 : i32
    %c0_i32_1 = arith.constant 0 : i32
    return %c0_i32, %c0_i32_0 : i32, i32
  }
  func.func @transform_8(%arg0: i32) -> (i32, i32) {
    %c0_i32 = arith.constant 0 : i32
    %c0_i32_0 = arith.constant 0 : i32
    %c0_i32_1 = arith.constant 0 : i32
    return %c0_i32, %c0_i32_0 : i32, i32
  }
  func.func @transform_9(%arg0: i32) -> (i32, i32) {
    %c0_i32 = arith.constant 0 : i32
    %c0_i32_0 = arith.constant 0 : i32
    %c0_i32_1 = arith.constant 0 : i32
    return %c0_i32, %c0_i32_0 : i32, i32
  }
  func.func @transform_10(%arg0: i32) -> (i32, i32) {
    %c0_i32 = arith.constant 0 : i32
    %c0_i32_0 = arith.constant 0 : i32
    %c0_i32_1 = arith.constant 0 : i32
    return %c0_i32, %c0_i32_0 : i32, i32
  }
  func.func @transform_11(%arg0: i32) -> (i32, i32) {
    %c0_i32 = arith.constant 0 : i32
    %c0_i32_0 = arith.constant 0 : i32
    %c0_i32_1 = arith.constant 0 : i32
    return %c0_i32, %c0_i32_0 : i32, i32
  }
  func.func @transform_12(%arg0: i32) -> (i32, i32) {
    %c0_i32 = arith.constant 0 : i32
    %c0_i32_0 = arith.constant 0 : i32
    %c0_i32_1 = arith.constant 0 : i32
    return %c0_i32, %c0_i32_0 : i32, i32
  }
  func.func @transform_13(%arg0: i32) -> (i32, i32) {
    %c0_i32 = arith.constant 0 : i32
    %c0_i32_0 = arith.constant 0 : i32
    %c0_i32_1 = arith.constant 0 : i32
    return %c0_i32, %c0_i32_0 : i32, i32
  }
  func.func @transform_14(%arg0: i32) -> (i32, i32) {
    %c0_i32 = arith.constant 0 : i32
    %c0_i32_0 = arith.constant 0 : i32
    %c0_i32_1 = arith.constant 0 : i32
    return %c0_i32, %c0_i32_0 : i32, i32
  }
}

</mosaic_0001>

<sc_bundles>
// kernel: kernel.11.cloned.1.call-start
scs
__scs_entry_jumppad:
0x0: {  	(pc) =	sbr.rel $0x88, $3  }
0x1: {  	(tag) =	ssettag $0x0;
	lr =	simm.s32 $0x1  }
0x2: {  	[smem:$0x3F8B] =	sst lr;
	_ =	strace $0xD0000000  }
0x3: {  	_ = 	snop  }
0x4: {  	_ = 	snop  }
0x5: {  	_ = 	snop  }
0x6: {  	_ = 	snop  }
0x7: {  	_ = 	snop  }
__scs_overlays_trampoline_lowered:
0x8: {  	[smem:$0x3F9A] =	sst s0  }
0x9: {  	[smem:$0x3F9B] =	sst s1  }
0xa: {  	[smem:$0x3F9C] =	sst s2  }
0xb: {  	[smem:$0x3F9D] =	sst s3  }
0xc: {  	[smem:$0x3F9E] =	sst s4  }
0xd: {  	[smem:$0x3F9F] =	sst s5  }
0xe: {  	[smem:$0x3FA0] =	sst s6  }
0xf: {  	[smem:$0x3FA1] =	sst s7  }
0x10: {  	[smem:$0x3FA2] =	sst s8  }
0x11: {  	[smem:$0x3FA3] =	sst s9;
	s0 =	simm.s32 @!p0 $0x0  }
0x12: {  	s1 =	sld [smem:$0x3F89];
	s0 =	simm.s32 @p0 $0x1  }
0x13: {  	[smem:$0x3FA4] =	sst s0;
	s0 =	simm.s32 @!p1 $0x0  }
0x14: {  	s2 =	sld [smem:$0x3F88];
	s0 =	simm.s32 @p1 $0x1  }
0x15: {  	[smem:$0x3FA5] =	sst s0;
	s0 =	simm.s32 @!p2 $0x0  }
0x16: {  	s3 =	sld [smem:$0x3FDB];
	s0 =	simm.s32 @p2 $0x1  }
0x17: {  	s4 =	simm.s32 $0x1BF5;
	[smem:$0x3FA7] =	sst s0  }
0x18: {  	s0 =	sld [smem:$0x3F8A];
	_ =	swait.ge [sflag:s4], $0x0  }
0x19: {  	s7 =	sld [smem:$0x3F8B]  }
0x1a: {  	s8 =	sadd.s32 $0xFFFFE003, lr  }
0x1b: {  	s9 =	sadd.s32 $0xFFFFFEF7, lr;
	s5 =	simm.s32 $0xFFFFFFFF;
	p2 =	slt.u32 s8, $0xFFFFF086  }
0x1c: {  	p1 =	slt.u32 s9, $0xF7A;
	s5 =	simm.s32 @!p2 $0x0  }
0x1d: {  	s5 =	simm.s32 @p1 $0x1;
	p0 =	seq.s32 s7, s2  }
0x1e: {  	s7 =	smul.u32 @!p0 $0xF7A, s2;
	p2 =	seq.s32 @!p0 s5, $0x0  }
0x1f: {  	s9 =	smul.u32 $0xF7A, s1;
	s8 =	simm.s32 @!p0 $0x1BF5;
	p2 =	por !p2, p0  }
0x20: {  	[sflag:s8] =	ssyncset.s32 @!p0 $0xFFFFF086;
	s6 =	sadd.s32 @!p0 s3, s7;
	s7 =	simm.s32 @!p0 $0x108  }
0x21: {  	s3 =	sadd.s32 s3, s9;
	s6 =	sadd.s32 @!p0 $0x88, s6;
	s7 =	simm.s32 @p2 $0x1082  }
0x22: {  	[simem:s7], [sflag:s8] =	dma.local @!p0 [hbm:s6], $0xF7A  }
0x23: {  	s9 =	sor.u32 $0xD0000000, s2;
	s6 =	simm.s32 $0x108;
	_ =	swait.ge @!p0 [sflag:s8], $0x0  }
0x24: {  	s3 =	sadd.s32 $0x88, s3;
	s6 =	simm.s32 @!p1 $0x1082;
	[sflag:s4] =	ssyncset.s32 $0xFFFFF086  }
0x25: {  	[simem:s6], [sflag:s4] =	dma.local [hbm:s3], $0xF7A  }
0x26: {  	[smem:$0x3F8B] =	sst s1;
	(tag) =	ssettag s2;
	_ =	strace s9  }
0x27: {  	s1 =	sld [smem:$0x3F9B]  }
0x28: {  	s2 =	sld [smem:$0x3F9C]  }
0x29: {  	s4 =	sld [smem:$0x3F9E]  }
0x2a: {  	p0 =	seq.s32 s5, $0x0;
	s5 =	sld [smem:$0x3F9F]  }
0x2b: {  	s6 =	sld [smem:$0x3FA0]  }
0x2c: {  	s7 =	sld [smem:$0x3FA1]  }
0x2d: {  	s3 =	simm.s32 $0x108;
	s8 =	sld [smem:$0x3FA2]  }
0x2e: {  	s3 =	simm.s32 @!p0 $0x1082;
	s9 =	sld [smem:$0x3FA3]  }
0x2f: {  	lr =	sadd.s32 s0, s3;
	s0 =	sld [smem:$0x3F9A]  }
0x30: {  	s3 =	sld [smem:$0x3F9D]  }
0x31: {  	[smem:$0x3FA6] =	sst s10  }
0x32: {  	s10 =	sld [smem:$0x3FA4];
	_ =	sdelay $0x3  }
0x33: {  	p0 =	seq.s32 s10, $0x1;
	s10 =	sld [smem:$0x3FA6];
	_ =	sdelay $0x3  }
0x34: {  	[smem:$0x3FA6] =	sst s10  }
0x35: {  	s10 =	sld [smem:$0x3FA5];
	_ =	sdelay $0x3  }
0x36: {  	p1 =	seq.s32 s10, $0x1;
	s10 =	sld [smem:$0x3FA6];
	_ =	sdelay $0x3  }
0x37: {  	[smem:$0x3FA6] =	sst s10  }
0x38: {  	s10 =	sld [smem:$0x3FA7]  }
0x39: {  	_ = 	snop;
	(pc) =	sbr.ind lr, $3  }
0x3a: {  	_ = 	snop  }
0x3b: {  	_ = 	snop  }
0x3c: {  	p2 =	seq.s32 s10, $0x1;
	s10 =	sld [smem:$0x3FA6]  }
0x3d: {  	_ =	shalt  }
0x3e: {  	_ =	shalt  }
0x3f: {  	_ =	shalt  }
0x40: {  	_ =	shalt  }
0x41: {  	_ =	shalt  }
0x42: {  	_ =	shalt  }
0x43: {  	_ =	shalt  }
0x44: {  	_ =	shalt  }
0x45: {  	_ =	shalt  }
0x46: {  	_ =	shalt  }
0x47: {  	_ =	shalt  }
0x48: {  	_ =	shalt  }
0x49: {  	_ =	shalt  }
0x4a: {  	_ =	shalt  }
0x4b: {  	_ =	shalt  }
0x4c: {  	_ =	shalt  }
0x4d: {  	_ =	shalt  }
0x4e: {  	_ =	shalt  }
0x4f: {  	_ =	shalt  }
0x50: {  	_ =	shalt  }
0x51: {  	_ =	shalt  }
0x52: {  	_ =	shalt  }
0x53: {  	_ =	shalt  }
0x54: {  	_ =	shalt  }
0x55: {  	_ =	shalt  }
0x56: {  	_ =	shalt  }
0x57: {  	_ =	shalt  }
0x58: {  	_ =	shalt  }
0x59: {  	_ =	shalt  }
0x5a: {  	_ =	shalt  }
0x5b: {  	_ =	shalt  }
0x5c: {  	_ =	shalt  }
0x5d: {  	_ =	shalt  }
0x5e: {  	_ =	shalt  }
0x5f: {  	_ =	shalt  }
0x60: {  	_ =	shalt  }
0x61: {  	_ =	shalt  }
0x62: {  	_ =	shalt  }
0x63: {  	_ =	shalt  }
0x64: {  	_ =	shalt  }
0x65: {  	_ =	shalt  }
0x66: {  	_ =	shalt  }
0x67: {  	_ =	shalt  }
0x68: {  	_ =	shalt  }
0x69: {  	_ =	shalt  }
0x6a: {  	_ =	shalt  }
0x6b: {  	_ =	shalt  }
0x6c: {  	_ =	shalt  }
0x6d: {  	_ =	shalt  }
0x6e: {  	_ =	shalt  }
0x6f: {  	_ =	shalt  }
0x70: {  	_ =	shalt  }
0x71: {  	_ =	shalt  }
0x72: {  	_ =	shalt  }
0x73: {  	_ =	shalt  }
0x74: {  	_ =	shalt  }
0x75: {  	_ =	shalt  }
0x76: {  	_ =	shalt  }
0x77: {  	_ =	shalt  }
0x78: {  	_ =	shalt  }
0x79: {  	_ =	shalt  }
0x7a: {  	_ =	shalt  }
0x7b: {  	_ =	shalt  }
0x7c: {  	_ =	shalt  }
0x7d: {  	_ =	shalt  }
0x7e: {  	_ =	shalt  }
0x7f: {  	_ =	shalt  }
0x80: {  	_ =	shalt  }
0x81: {  	_ =	shalt  }
0x82: {  	_ =	shalt  }
0x83: {  	_ =	shalt  }
0x84: {  	_ =	shalt  }
0x85: {  	_ =	shalt  }
0x86: {  	_ =	shalt  }
0x87: {  	_ =	shalt  }
.Lfunc_end0:
.L_simem_size_0:
called_computation.1_lowered:
.L_overlay_start_0:
0x88: {  	s2 =	sld [smem:$0x3FD9]  }
0x89: {  	s3 =	sld [smem:$0x3FFE];
	_ =	sdelay $0x1  }
0x8a: {  	s1 =	srdreg.scid  }
0x8b: {  	s0 =	sand.u32 $0x1, s1  }
0x8c: {  	s16 =	sshll.u32 s0, $0xA;
	s2 =	sadd.s32 s3, s2  }
0x8d: {  	s2 =	sadd.s32 s2, s16  }
0x8e: {  	[smem:$0x3FB2] =	sst s2  }
0x8f: {  	_ = 	snop  }
0x90: {  	(tm) =	ssettm $0x1  }
0x91: {  	s17 =	sld [smem:$0x3FFB];
	_ =	sdelay $0x3  }
0x92: {  	_ =	strace s17  }
0x93: {  	s2 =	sld [smem:$0x3FFC];
	_ =	sdelay $0x3  }
0x94: {  	_ =	strace s2  }
0x95: {  	s2 =	sld [smem:$0x3FFD];
	_ =	sdelay $0x3  }
0x96: {  	_ =	strace s2  }
0x97: {  	_ =	strace $0x8FFFFFFF  }
0x98: {  	s18 =	sld [smem:$0x3FDB];
	_ =	sdelay $0x1  }
0x99: {  	s19 =	simm.s32 $_scs_section_size  }
0x9a: {  	s4 =	simm.s32 $_size__tile_overlayer_lowered;
	s5 =	simm.s32 $_tile_overlayer_lowered  }
0x9b: {  	s22 =	simm.s32 $0x1BFF;
	s21 =	sshll.u32 s5, $0x1;
	s2 =	sadd.s32 s19, s18  }
0x9c: {  	s6 =	simm.s32 $0x0;
	s20 =	sshll.u32 s4, $0x1;
	s4 =	sadd.s32 s21, s2  }
0x9d: {  	[timem:s6], [sflag:s22] =	dma.local [hbm:s4], s20  }
0x9e: {  	_ =	swait.ge [sflag:s22], s20  }
0x9f: {  	s3 =	ssub.s32 $0x0, s20;
	[sflag:s22] =	ssyncset.done $0x0  }
0xa0: {  	[sflag:s22] =	ssyncadd.s32 s3;
	_ =	sdelay $0x1  }
0xa1: {  	s23 =	simm.s32 $0x1B8B  }
0xa2: {  	_ =	swait.ge [sflag:s23], $0x1  }
0xa3: {  	[sflag:s23] =	ssyncset.done $0x0  }
0xa4: {  	s25 =	simm.s32 $0x1B8E;
	s24 =	sld [smem:$0x3FFE];
	[sflag:s23] =	ssyncadd.s32 $0xFFFFFFFF  }
0xa5: {  	s26 =	simm.s32 $execute0_lowered;
	[smem:$0x3FD2] =	sst s25  }
0xa6: {  	s4 =	sshll.u32 s26, $0x1;
	_ =	strace $0x80000046;
	[dreg:$0x1] =	wrdreg $0xFFFFFFFF  }
0xa7: {  	s28 =	simm.s32 $_size_execute0_lowered;
	s2 =	sadd.s32 s2, s4;
	[dreg:$0x0] =	wrdreg $0x0  }
0xa8: {  	s4 =	sshll.u32 s28, $0x1;
	[dreg:$0x2] =	wrdreg s2  }
0xa9: {  	[dreg:$0x3] =	wrdreg s4  }
0xaa: {  	[dreg:$0x4] =	wrdreg $0xC0  }
0xab: {  	_ =	task [dreg:s6], $0x5FFFF  }
0xac: {  	[dreg:$0x1] =	wrdreg $0xFFFFFFFF  }
0xad: {  	[dreg:$0x0] =	wrdreg $0x60  }
0xae: {  	[dreg:$0x2] =	wrdreg s24  }
0xaf: {  	[dreg:$0x3] =	wrdreg $0x0  }
0xb0: {  	[dreg:$0x4] =	wrdreg $0xA  }
0xb1: {  	_ =	task.clear_ibuf [dreg:s6], $0x5FFFF;
	_ =	strace $0x90000046  }
0xb2: {  	s29 =	simm.s32 $0xA;
	_ =	strace $0x80000048  }
0xb3: {  	_ =	swait.ge [sflag:s29], $0x1  }
0xb4: {  	[sflag:s29] =	ssyncadd.s32 $0xFFFFFFFF  }
0xb5: {  	_ =	strace $0x90000048  }
0xb6: {  	_ =	sfence  }
0xb7: {  	s30 =	sld [smem:$0x0];
	_ =	sdelay $0x2  }
0xb8: {  	s31 =	sshll.u32 s1, $0xD;
	s1 =	sshrl.u32 s1, $0x2  }
0xb9: {  	s3 =	sand.u32 $0x4000, s31;
	s1 =	sadd.s32 s1, s30  }
0xba: {  	s0 =	sor.u32 s3, s0;
	s1 =	sshll.u32 s1, $0x11  }
0xbb: {  	s0 =	sor.u32 s1, s0  }
0xbc: {  	s0 =	sadd.s32 $0x8F2B, s0  }
0xbd: {  	[sflag:s0] =	ssyncadd.remote.s32 $0x1  }
0xbe: {  	_ =	sfence.sel $0xFFFF  }
0xbf: {  	[dreg:$0x0] =	wrdreg $0xFFFFFFFF;
	(pc) =	sbr.abs _section_cstart, $3  }
0xc0: {  	[dreg:$0x1] =	wrdreg $0xFFFFFFFF  }
0xc1: {  	_ =	task.clear_ibuf [dreg:s6], $0x2FFFF;
	_ =	strace $0x9FFFFFFF  }
0xc2: {  	(tm) =	ssettm $0x7FFFFFFF  }
0xc3: {  	_ =	shalt  }
tec
execute0_lowered:
.L_overlay_start_1:
0x0: {  	(tag) =	ssettag $0x1  }
0x1: {  	s0 =	srdreg.scid  }
0x2: {  	s10 =	stileid.u32;
	s1 =	rddreg [dreg:$0x0]  }
0x3: {  	s2 =	rddreg [dreg:$0x1];
	s20 =	simm.s32 $0x3;
	s22 =	simm.s32 $0x16800  }
0x4: {  	s23 =	simm.s32 $0x80;
	s24 =	simm.s32 $0x14080;
	s25 =	simm.s32 $0x1A800  }
0x5: {  	s26 =	simm.s32 $0x1;
	s28 =	simm.s32 $0x2;
	s29 =	simm.s32 $0x16700  }
0x6: {  	s0 =	sand.u32 $0x1, s0;
	s3 =	sshll.u32 s10, $0x1;
	s8 =	smul.u32 $0x50000, s10  }
0x7: {  	s30 =	simm.s32 $0x16780;
	s12 =	smul.u32 $0x14000, s10;
	s4 =	sor.u32 s0, s3  }
0x8: {  	s3 =	simm.s32 $0x0;
	s6 =	ssub.s32 $0x2, s0;
	s0 =	smul.u32 $0x140000, s0  }
0x9: {  	s31 =	simm.s32 $0x0;
	s5 =	smul.u32 $0x280, s4;
	[smem:$0x7FF] =	sst s3  }
0xa: {  	s4 =	sadd.s32 $0xDA00, s1;
	s9 =	sshrl.u32 s6, $0x1;
	s8 =	sshrl.u32 s8, $0x2  }
0xb: {  	s13 =	sadd.s32 $0x4000, s12;
	s15 =	sadd.s32 $0x8000, s12;
	s16 =	sadd.s32 $0xC000, s12  }
0xc: {  	s17 =	sadd.s32 $0x10000, s12;
	_ =	strace $0x80000047;
	s18 =	ssub.s32 s6, s9  }
0xd: {  	s8 =	sadd.s32 s8, s2;
	s9 =	sadd.s32 s13, s2;
	s10 =	sadd.s32 s15, s2  }
0xe: {  	s11 =	sadd.s32 s16, s2;
	s14 =	sadd.s32 s12, s0;
	s13 =	sadd.s32 s0, s13  }
0xf: {  	s12 =	sadd.s32 s17, s2;
	s15 =	sadd.s32 s0, s15;
	s16 =	sadd.s32 s0, s16  }
0x10: {  	s0 =	sadd.s32 s0, s17;
	s7 =	sadd.s32 s5, s1;
	s5 =	sadd.s32 $0x34C00, s1  }
0x11: {  	s1 =	sadd.s32 $0x35400, s1;
	s14 =	sshrl.u32 s14, $0x3;
	s19 =	sshrl.u32 s13, $0x3  }
0x12: {  	s15 =	sshrl.u32 s15, $0x3;
	s16 =	sshrl.u32 s16, $0x3;
	s0 =	sshrl.u32 s0, $0x3  }
0x13: {  	s18 =	smax.u32 s18, $0x1;
	s6 =	sadd.s32 $0x8A00, s7;
	s7 =	sadd.s32 $0x3A00, s7  }
0x14: {  	s13 =	sadd.s32 s1, s14;
	s14 =	sadd.s32 s1, s19;
	s15 =	sadd.s32 s1, s15  }
0x15: {  	s16 =	sadd.s32 s1, s16;
	s17 =	sadd.s32 s1, s0;
	s19 =	simm.s32 $0x14000  }
.LBB2_1:
0x16: {  	[tilespmem:s19], [sflag:$0x3] =	stream.linear.gather [hbm4b:s6+s3], $0x1400, $0x38;
	[tilespmem:$0x1E800] =	vst v63  }
0x17: {  	_ =	swait.ge [sflag:s20], $0x1400  }
0x18: {  	[sflag:s20] =	ssyncset.done $0x0  }
0x19: {  	s0 =	simm.s32 $0x15400;
	[sflag:s20] =	ssyncadd.s32 $0xFFFFEC00  }
0x1a: {  	[tilespmem:s0], [sflag:$0x3] =	stream.linear.gather [hbm4b:s7+s3], $0x1400, $0x38;
	[tilespmem:$0x1E800] =	vst v63  }
0x1b: {  	_ =	swait.ge [sflag:s20], $0x1400  }
0x1c: {  	[sflag:s20] =	ssyncset.done $0x0  }
0x1d: {  	[sflag:s20] =	ssyncadd.s32 $0xFFFFEC00  }
0x1e: {  	[tilespmem:s22], [sflag:$0x3] =	stream.linear.gather [hbm4b:s5+s3], $0x4000, $0x38;
	[tilespmem:$0x1E800] =	vst v63  }
0x1f: {  	_ =	swait.ge [sflag:s20], $0x4000  }
0x20: {  	[sflag:s20] =	ssyncset.done $0x0  }
0x21: {  	[sflag:s20] =	ssyncadd.s32 $0xFFFFC000  }
0x22: {  	[spmem:s8] =	stream.linear.scatter [tilespmem:s22], [sflag:$0x3], $0x4000, $0x38;
	[tilespmem:$0x1E800] =	vst v63  }
0x23: {  	_ =	swait.ge [sflag:s20], $0x4000  }
0x24: {  	[sflag:s20] =	ssyncset.done $0x0  }
0x25: {  	[sflag:s20] =	ssyncadd.s32 $0xFFFFC000  }
0x26: {  	[spmem:s9] =	stream.linear.scatter [tilespmem:s22], [sflag:$0x3], $0x4000, $0x38;
	[tilespmem:$0x1E800] =	vst v63  }
0x27: {  	_ =	swait.ge [sflag:s20], $0x4000  }
0x28: {  	[sflag:s20] =	ssyncset.done $0x0  }
0x29: {  	[sflag:s20] =	ssyncadd.s32 $0xFFFFC000  }
0x2a: {  	[spmem:s10] =	stream.linear.scatter [tilespmem:s22], [sflag:$0x3], $0x4000, $0x38;
	[tilespmem:$0x1E800] =	vst v63  }
0x2b: {  	_ =	swait.ge [sflag:s20], $0x4000  }
0x2c: {  	[sflag:s20] =	ssyncset.done $0x0  }
0x2d: {  	[sflag:s20] =	ssyncadd.s32 $0xFFFFC000  }
0x2e: {  	[spmem:s11] =	stream.linear.scatter [tilespmem:s22], [sflag:$0x3], $0x4000, $0x38;
	[tilespmem:$0x1E800] =	vst v63  }
0x2f: {  	_ =	swait.ge [sflag:s20], $0x4000  }
0x30: {  	[sflag:s20] =	ssyncset.done $0x0  }
0x31: {  	[sflag:s20] =	ssyncadd.s32 $0xFFFFC000  }
0x32: {  	[spmem:s12] =	stream.linear.scatter [tilespmem:s22], [sflag:$0x3], $0x4000, $0x38;
	[tilespmem:$0x1E800] =	vst v63  }
0x33: {  	_ =	swait.ge [sflag:s20], $0x4000  }
0x34: {  	[sflag:s20] =	ssyncset.done $0x0  }
0x35: {  	[sflag:s20] =	ssyncadd.s32 $0xFFFFC000  }
0x36: {  	[tilespmem:s22], [sflag:$0x1] =	stream.indirect.gather [hbm4b:s4+s23], $0x80, s19, s23, $0xb8;
	[tilespmem:$0x1E800] =	vst v63  }
0x37: {  	_ = 	snop  }
0x38: {  	[tilespmem:s25], [sflag:$0x2] =	stream.indirect.gather [hbm4b:s4+s23], $0x80, s24, s23, $0xb8;
	[tilespmem:$0x1E800] =	vst v63  }
0x39: {  	[bflag:$0x0] =	sbarrier.arrive $0xFFFF  }
0x3a: {  	_ =	swait.ge [sflag:s26], $0x4000  }
0x3b: {  	[sflag:s26] =	ssyncset.done $0x0  }
0x3c: {  	s21 =	simm.s32 $0x15400;
	[sflag:s26] =	ssyncadd.s32 $0xFFFFC000  }
0x3d: {  	[spmem:s2] =	stream.indirect.scatter.add.f32 [tilespmem:s22], [sflag:$0x3], $0x80, s21, s23, $0xb8;
	[tilespmem:$0x1E800] =	vst v63  }
0x3e: {  	_ =	swait.ge [sflag:s20], $0x4000  }
0x3f: {  	[sflag:s20] =	ssyncset.done $0x0  }
0x40: {  	s1 =	simm.s32 $0x14100;
	[sflag:s20] =	ssyncadd.s32 $0xFFFFC000  }
0x41: {  	[tilespmem:s22], [sflag:$0x1] =	stream.indirect.gather [hbm4b:s4+s23], $0x80, s1, s23, $0xb8;
	[tilespmem:$0x1E800] =	vst v63  }
0x42: {  	_ =	swait.ge [sflag:s28], $0x4000  }
0x43: {  	[sflag:s28] =	ssyncset.done $0x0  }
0x44: {  	s21 =	simm.s32 $0x15480;
	[sflag:s28] =	ssyncadd.s32 $0xFFFFC000  }
0x45: {  	[spmem:s2] =	stream.indirect.scatter.add.f32 [tilespmem:s25], [sflag:$0x3], $0x80, s21, s23, $0xb8;
	[tilespmem:$0x1E800] =	vst v63  }
0x46: {  	_ =	swait.ge [sflag:s20], $0x4000  }
0x47: {  	[sflag:s20] =	ssyncset.done $0x0  }
0x48: {  	s0 =	simm.s32 $0x14180;
	s1 =	simm.s32 $0x400;
	[sflag:s20] =	ssyncadd.s32 $0xFFFFC000  }
.LBB2_2:
0x49: {  	[tilespmem:s25], [sflag:$0x2] =	stream.indirect.gather [hbm4b:s4+s23], $0x80, s0, s23, $0xb8;
	[tilespmem:$0x1E800] =	vst v63  }
0x4a: {  	s0 =	smov.u32 s1  }
0x4b: {  	p0 =	sne.s32 s1, $0x4800;
	s1 =	sadd.s32 $0x400, s1;
	_ =	swait.ge [sflag:s26], $0x4000  }
0x4c: {  	s0 =	sshra.s32 s0, $0x2;
	[sflag:s26] =	ssyncset.done $0x0  }
0x4d: {  	s21 =	sadd.s32 $0x15400, s0;
	[sflag:s26] =	ssyncadd.s32 $0xFFFFC000  }
0x4e: {  	[spmem:s2] =	stream.indirect.scatter.add.f32 [tilespmem:s22], [sflag:$0x3], $0x80, s21, s23, $0xb8;
	[tilespmem:$0x1E800] =	vst v63  }
0x4f: {  	_ =	swait.ge [sflag:s20], $0x4000  }
0x50: {  	[sflag:s20] =	ssyncset.done $0x0  }
0x51: {  	s21 =	sadd.s32 $0x14100, s0;
	[sflag:s20] =	ssyncadd.s32 $0xFFFFC000  }
0x52: {  	[tilespmem:s22], [sflag:$0x1] =	stream.indirect.gather [hbm4b:s4+s23], $0x80, s21, s23, $0xb8;
	[tilespmem:$0x1E800] =	vst v63  }
0x53: {  	_ =	swait.ge [sflag:s28], $0x4000  }
0x54: {  	[sflag:s28] =	ssyncset.done $0x0  }
.Ltmp0:
0x55: {  	s21 =	sadd.s32 $0x15480, s0;
	[sflag:s28] =	ssyncadd.s32 $0xFFFFC000;
	(pc) =	sbr.rel @p0 .LBB2_2-.Ltmp0, $4  }
0x56: {  	[spmem:s2] =	stream.indirect.scatter.add.f32 [tilespmem:s25], [sflag:$0x3], $0x80, s21, s23, $0xb8;
	[tilespmem:$0x1E800] =	vst v63  }
0x57: {  	_ =	swait.ge [sflag:s20], $0x4000  }
0x58: {  	[sflag:s20] =	ssyncset.done $0x0  }
0x59: {  	s0 =	sadd.s32 $0x14180, s0;
	[sflag:s20] =	ssyncadd.s32 $0xFFFFC000  }
0x5a: {  	[tilespmem:s25], [sflag:$0x2] =	stream.indirect.gather [hbm4b:s4+s23], $0x80, s0, s23, $0xb8;
	[tilespmem:$0x1E800] =	vst v63  }
0x5b: {  	_ =	swait.ge [sflag:s26], $0x4000  }
0x5c: {  	[sflag:s26] =	ssyncset.done $0x0  }
0x5d: {  	[sflag:s26] =	ssyncadd.s32 $0xFFFFC000  }
0x5e: {  	[spmem:s2] =	stream.indirect.scatter.add.f32 [tilespmem:s22], [sflag:$0x3], $0x80, s29, s23, $0xb8;
	[tilespmem:$0x1E800] =	vst v63  }
0x5f: {  	_ =	swait.ge [sflag:s20], $0x4000  }
0x60: {  	[sflag:s20] =	ssyncset.done $0x0  }
0x61: {  	[sflag:s20] =	ssyncadd.s32 $0xFFFFC000  }
0x62: {  	_ =	swait.ge [sflag:s28], $0x4000  }
0x63: {  	[sflag:s28] =	ssyncset.done $0x0  }
0x64: {  	[sflag:s28] =	ssyncadd.s32 $0xFFFFC000  }
0x65: {  	[spmem:s2] =	stream.indirect.scatter.add.f32 [tilespmem:s25], [sflag:$0x3], $0x80, s30, s23, $0xb8;
	[tilespmem:$0x1E800] =	vst v63  }
0x66: {  	_ =	swait.ge [sflag:s20], $0x4000  }
0x67: {  	[sflag:s20] =	ssyncset.done $0x0  }
0x68: {  	[sflag:s20] =	ssyncadd.s32 $0xFFFFC000  }
0x69: {  	[bflag:$0x0] =	sbarrier.arrive $0xFFFF  }
0x6a: {  	[tilespmem:s22], [sflag:$0x3] =	stream.linear.gather [spmem:s8], $0x4000, $0x38;
	[tilespmem:$0x1E800] =	vst v63  }
0x6b: {  	_ =	swait.ge [sflag:s20], $0x4000  }
0x6c: {  	[sflag:s20] =	ssyncset.done $0x0  }
0x6d: {  	[sflag:s20] =	ssyncadd.s32 $0xFFFFC000  }
0x6e: {  	[hbm4b:s13+s3] =	stream.linear.scatter [tilespmem:s22], [sflag:$0x1], $0x4000, $0x38;
	[tilespmem:$0x1E800] =	vst v63  }
0x6f: {  	_ = 	snop  }
0x70: {  	[tilespmem:s25], [sflag:$0x3] =	stream.linear.gather [spmem:s9], $0x4000, $0x38;
	[tilespmem:$0x1E800] =	vst v63  }
0x71: {  	_ =	swait.ge [sflag:s20], $0x4000  }
0x72: {  	[sflag:s20] =	ssyncset.done $0x0  }
0x73: {  	[sflag:s20] =	ssyncadd.s32 $0xFFFFC000  }
0x74: {  	[hbm4b:s14+s3] =	stream.linear.scatter [tilespmem:s25], [sflag:$0x2], $0x4000, $0x38;
	[tilespmem:$0x1E800] =	vst v63  }
0x75: {  	_ =	swait.ge [sflag:s26], $0x4000  }
0x76: {  	[sflag:s26] =	ssyncset.done $0x0  }
0x77: {  	[sflag:s26] =	ssyncadd.s32 $0xFFFFC000  }
0x78: {  	[tilespmem:s22], [sflag:$0x3] =	stream.linear.gather [spmem:s10], $0x4000, $0x38;
	[tilespmem:$0x1E800] =	vst v63  }
0x79: {  	_ =	swait.ge [sflag:s20], $0x4000  }
0x7a: {  	[sflag:s20] =	ssyncset.done $0x0  }
0x7b: {  	[sflag:s20] =	ssyncadd.s32 $0xFFFFC000  }
0x7c: {  	[hbm4b:s15+s3] =	stream.linear.scatter [tilespmem:s22], [sflag:$0x1], $0x4000, $0x38;
	[tilespmem:$0x1E800] =	vst v63  }
0x7d: {  	_ =	swait.ge [sflag:s28], $0x4000  }
0x7e: {  	[sflag:s28] =	ssyncset.done $0x0  }
0x7f: {  	[sflag:s28] =	ssyncadd.s32 $0xFFFFC000  }
0x80: {  	[tilespmem:s25], [sflag:$0x3] =	stream.linear.gather [spmem:s11], $0x4000, $0x38;
	[tilespmem:$0x1E800] =	vst v63  }
0x81: {  	_ =	swait.ge [sflag:s20], $0x4000  }
0x82: {  	[sflag:s20] =	ssyncset.done $0x0  }
0x83: {  	[sflag:s20] =	ssyncadd.s32 $0xFFFFC000  }
0x84: {  	[hbm4b:s16+s3] =	stream.linear.scatter [tilespmem:s25], [sflag:$0x2], $0x4000, $0x38;
	[tilespmem:$0x1E800] =	vst v63  }
0x85: {  	_ =	swait.ge [sflag:s26], $0x4000  }
0x86: {  	[sflag:s26] =	ssyncset.done $0x0  }
0x87: {  	[sflag:s26] =	ssyncadd.s32 $0xFFFFC000  }
0x88: {  	[tilespmem:s22], [sflag:$0x3] =	stream.linear.gather [spmem:s12], $0x4000, $0x38;
	[tilespmem:$0x1E800] =	vst v63  }
0x89: {  	_ =	swait.ge [sflag:s20], $0x4000  }
0x8a: {  	[sflag:s20] =	ssyncset.done $0x0  }
0x8b: {  	s31 =	sadd.s32 $0x1, s31;
	[sflag:s20] =	ssyncadd.s32 $0xFFFFC000  }
0x8c: {  	[hbm4b:s17+s3] =	stream.linear.scatter [tilespmem:s22], [sflag:$0x1], $0x4000, $0x38;
	[tilespmem:$0x1E800] =	vst v63  }
0x8d: {  	p0 =	sne.s32 s31, s18;
	_ =	swait.ge [sflag:s28], $0x4000  }
.Ltmp1:
0x8e: {  	[sflag:s28] =	ssyncset.done $0x0;
	(pc) =	sbr.rel @p0 .LBB2_1-.Ltmp1, $4  }
0x8f: {  	[sflag:s28] =	ssyncadd.s32 $0xFFFFC000  }
0x90: {  	_ =	swait.ge [sflag:s26], $0x4000  }
0x91: {  	[sflag:s26] =	ssyncset.done $0x0  }
0x92: {  	[sflag:s26] =	ssyncadd.s32 $0xFFFFC000  }
0x93: {  	_ =	sfence.sel $0x180000  }
0x94: {  	[bflag:$0x0] =	sbarrier.arrive $0xFFFF  }
0x95: {  	_ =	strace $0x90000047  }
0x96: {  	s0 =	stileid.u32;
	[bflag:$0x2] =	sbarrier.arrive $0xFFFF  }
0x97: {  	p0 =	sne.s32 s0, $0x0;
	s0 =	rddreg [dreg:$0x2]  }
0x98: {  	s0 =	sadd.s32 @!p0 $0x100000, s0  }
0x99: {  	[sflag:s0] =	ssyncadd.tile.s32 @!p0 $0x1;
	_ =	shalt  }
.Lfunc_end2:
_tile_overlayer_lowered:
.L_overlay_start_2:
0x9a: {  	(tag) =	ssettag $0x2  }
0x9b: {  	s0 =	rddreg [dreg:$0x0];
	s2 =	stileid.u32  }
0x9c: {  	s1 =	rddreg [dreg:$0x1];
	p0 =	sne.s32 s2, $0x0  }
0x9d: {  	s3 =	rddreg [dreg:$0x2];
	[bflag:$0x3] =	sbarrier.arrive $0xFFFF;
	s2 =	simm.s32 @!p0 $0x1C03  }
0x9e: {  	[timem:s3], [sflag:s2] =	dma.local @!p0 [hbm:s0], s1  }
0x9f: {  	s0 =	simm.s32 @!p0 $0x3  }
0xa0: {  	_ =	swait.ge @!p0 [sflag:s0], s1  }
0xa1: {  	s1 =	ssub.s32 @!p0 $0x0, s1;
	[sflag:s0] =	ssyncset.done @!p0 $0x0  }
0xa2: {  	[sflag:s0] =	ssyncadd.s32 @!p0 s1  }
0xa3: {  	[bflag:$0x3] =	sbarrier.arrive $0xFFFF  }
0xa4: {  	_ =	shalt  }

// kernel: kernel.14.cloned.1.call-start
scs
__scs_entry_jumppad:
0x0: {  	(pc) =	sbr.rel $0x88, $3  }
0x1: {  	(tag) =	ssettag $0x0;
	lr =	simm.s32 $0x1  }
0x2: {  	[smem:$0x3F8B] =	sst lr;
	_ =	strace $0xD0000000  }
0x3: {  	_ = 	snop  }
0x4: {  	_ = 	snop  }
0x5: {  	_ = 	snop  }
0x6: {  	_ = 	snop  }
0x7: {  	_ = 	snop  }
__scs_overlays_trampoline_lowered:
0x8: {  	[smem:$0x3F9A] =	sst s0  }
0x9: {  	[smem:$0x3F9B] =	sst s1  }
0xa: {  	[smem:$0x3F9C] =	sst s2  }
0xb: {  	[smem:$0x3F9D] =	sst s3  }
0xc: {  	[smem:$0x3F9E] =	sst s4  }
0xd: {  	[smem:$0x3F9F] =	sst s5  }
0xe: {  	[smem:$0x3FA0] =	sst s6  }
0xf: {  	[smem:$0x3FA1] =	sst s7  }
0x10: {  	[smem:$0x3FA2] =	sst s8  }
0x11: {  	[smem:$0x3FA3] =	sst s9;
	s0 =	simm.s32 @!p0 $0x0  }
0x12: {  	s1 =	sld [smem:$0x3F89];
	s0 =	simm.s32 @p0 $0x1  }
0x13: {  	[smem:$0x3FA4] =	sst s0;
	s0 =	simm.s32 @!p1 $0x0  }
0x14: {  	s2 =	sld [smem:$0x3F88];
	s0 =	simm.s32 @p1 $0x1  }
0x15: {  	[smem:$0x3FA5] =	sst s0;
	s0 =	simm.s32 @!p2 $0x0  }
0x16: {  	s3 =	sld [smem:$0x3FDB];
	s0 =	simm.s32 @p2 $0x1  }
0x17: {  	s4 =	simm.s32 $0x1BF5;
	[smem:$0x3FA7] =	sst s0  }
0x18: {  	s0 =	sld [smem:$0x3F8A];
	_ =	swait.ge [sflag:s4], $0x0  }
0x19: {  	s7 =	sld [smem:$0x3F8B]  }
0x1a: {  	s8 =	sadd.s32 $0xFFFFE003, lr  }
0x1b: {  	s9 =	sadd.s32 $0xFFFFFEF7, lr;
	s5 =	simm.s32 $0xFFFFFFFF;
	p2 =	slt.u32 s8, $0xFFFFF086  }
0x1c: {  	p1 =	slt.u32 s9, $0xF7A;
	s5 =	simm.s32 @!p2 $0x0  }
0x1d: {  	s5 =	simm.s32 @p1 $0x1;
	p0 =	seq.s32 s7, s2  }
0x1e: {  	s7 =	smul.u32 @!p0 $0xF7A, s2;
	p2 =	seq.s32 @!p0 s5, $0x0  }
0x1f: {  	s9 =	smul.u32 $0xF7A, s1;
	s8 =	simm.s32 @!p0 $0x1BF5;
	p2 =	por !p2, p0  }
0x20: {  	[sflag:s8] =	ssyncset.s32 @!p0 $0xFFFFF086;
	s6 =	sadd.s32 @!p0 s3, s7;
	s7 =	simm.s32 @!p0 $0x108  }
0x21: {  	s3 =	sadd.s32 s3, s9;
	s6 =	sadd.s32 @!p0 $0x88, s6;
	s7 =	simm.s32 @p2 $0x1082  }
0x22: {  	[simem:s7], [sflag:s8] =	dma.local @!p0 [hbm:s6], $0xF7A  }
0x23: {  	s9 =	sor.u32 $0xD0000000, s2;
	s6 =	simm.s32 $0x108;
	_ =	swait.ge @!p0 [sflag:s8], $0x0  }
0x24: {  	s3 =	sadd.s32 $0x88, s3;
	s6 =	simm.s32 @!p1 $0x1082;
	[sflag:s4] =	ssyncset.s32 $0xFFFFF086  }
0x25: {  	[simem:s6], [sflag:s4] =	dma.local [hbm:s3], $0xF7A  }
0x26: {  	[smem:$0x3F8B] =	sst s1;
	(tag) =	ssettag s2;
	_ =	strace s9  }
0x27: {  	s1 =	sld [smem:$0x3F9B]  }
0x28: {  	s2 =	sld [smem:$0x3F9C]  }
0x29: {  	s4 =	sld [smem:$0x3F9E]  }
0x2a: {  	p0 =	seq.s32 s5, $0x0;
	s5 =	sld [smem:$0x3F9F]  }
0x2b: {  	s6 =	sld [smem:$0x3FA0]  }
0x2c: {  	s7 =	sld [smem:$0x3FA1]  }
0x2d: {  	s3 =	simm.s32 $0x108;
	s8 =	sld [smem:$0x3FA2]  }
0x2e: {  	s3 =	simm.s32 @!p0 $0x1082;
	s9 =	sld [smem:$0x3FA3]  }
0x2f: {  	lr =	sadd.s32 s0, s3;
	s0 =	sld [smem:$0x3F9A]  }
0x30: {  	s3 =	sld [smem:$0x3F9D]  }
0x31: {  	[smem:$0x3FA6] =	sst s10  }
0x32: {  	s10 =	sld [smem:$0x3FA4];
	_ =	sdelay $0x3  }
0x33: {  	p0 =	seq.s32 s10, $0x1;
	s10 =	sld [smem:$0x3FA6];
	_ =	sdelay $0x3  }
0x34: {  	[smem:$0x3FA6] =	sst s10  }
0x35: {  	s10 =	sld [smem:$0x3FA5];
	_ =	sdelay $0x3  }
0x36: {  	p1 =	seq.s32 s10, $0x1;
	s10 =	sld [smem:$0x3FA6];
	_ =	sdelay $0x3  }
0x37: {  	[smem:$0x3FA6] =	sst s10  }
0x38: {  	s10 =	sld [smem:$0x3FA7]  }
0x39: {  	_ = 	snop;
	(pc) =	sbr.ind lr, $3  }
0x3a: {  	_ = 	snop  }
0x3b: {  	_ = 	snop  }
0x3c: {  	p2 =	seq.s32 s10, $0x1;
	s10 =	sld [smem:$0x3FA6]  }
0x3d: {  	_ =	shalt  }
0x3e: {  	_ =	shalt  }
0x3f: {  	_ =	shalt  }
0x40: {  	_ =	shalt  }
0x41: {  	_ =	shalt  }
0x42: {  	_ =	shalt  }
0x43: {  	_ =	shalt  }
0x44: {  	_ =	shalt  }
0x45: {  	_ =	shalt  }
0x46: {  	_ =	shalt  }
0x47: {  	_ =	shalt  }
0x48: {  	_ =	shalt  }
0x49: {  	_ =	shalt  }
0x4a: {  	_ =	shalt  }
0x4b: {  	_ =	shalt  }
0x4c: {  	_ =	shalt  }
0x4d: {  	_ =	shalt  }
0x4e: {  	_ =	shalt  }
0x4f: {  	_ =	shalt  }
0x50: {  	_ =	shalt  }
0x51: {  	_ =	shalt  }
0x52: {  	_ =	shalt  }
0x53: {  	_ =	shalt  }
0x54: {  	_ =	shalt  }
0x55: {  	_ =	shalt  }
0x56: {  	_ =	shalt  }
0x57: {  	_ =	shalt  }
0x58: {  	_ =	shalt  }
0x59: {  	_ =	shalt  }
0x5a: {  	_ =	shalt  }
0x5b: {  	_ =	shalt  }
0x5c: {  	_ =	shalt  }
0x5d: {  	_ =	shalt  }
0x5e: {  	_ =	shalt  }
0x5f: {  	_ =	shalt  }
0x60: {  	_ =	shalt  }
0x61: {  	_ =	shalt  }
0x62: {  	_ =	shalt  }
0x63: {  	_ =	shalt  }
0x64: {  	_ =	shalt  }
0x65: {  	_ =	shalt  }
0x66: {  	_ =	shalt  }
0x67: {  	_ =	shalt  }
0x68: {  	_ =	shalt  }
0x69: {  	_ =	shalt  }
0x6a: {  	_ =	shalt  }
0x6b: {  	_ =	shalt  }
0x6c: {  	_ =	shalt  }
0x6d: {  	_ =	shalt  }
0x6e: {  	_ =	shalt  }
0x6f: {  	_ =	shalt  }
0x70: {  	_ =	shalt  }
0x71: {  	_ =	shalt  }
0x72: {  	_ =	shalt  }
0x73: {  	_ =	shalt  }
0x74: {  	_ =	shalt  }
0x75: {  	_ =	shalt  }
0x76: {  	_ =	shalt  }
0x77: {  	_ =	shalt  }
0x78: {  	_ =	shalt  }
0x79: {  	_ =	shalt  }
0x7a: {  	_ =	shalt  }
0x7b: {  	_ =	shalt  }
0x7c: {  	_ =	shalt  }
0x7d: {  	_ =	shalt  }
0x7e: {  	_ =	shalt  }
0x7f: {  	_ =	shalt  }
0x80: {  	_ =	shalt  }
0x81: {  	_ =	shalt  }
0x82: {  	_ =	shalt  }
0x83: {  	_ =	shalt  }
0x84: {  	_ =	shalt  }
0x85: {  	_ =	shalt  }
0x86: {  	_ =	shalt  }
0x87: {  	_ =	shalt  }
.Lfunc_end0:
.L_simem_size_0:
called_computation.2_lowered:
.L_overlay_start_0:
0x88: {  	s2 =	sld [smem:$0x3FD9]  }
0x89: {  	s3 =	sld [smem:$0x3FFE];
	_ =	sdelay $0x1  }
0x8a: {  	s1 =	srdreg.scid  }
0x8b: {  	s0 =	sand.u32 $0x1, s1  }
0x8c: {  	s16 =	sshll.u32 s0, $0xA;
	s2 =	sadd.s32 s3, s2  }
0x8d: {  	s2 =	sadd.s32 s2, s16  }
0x8e: {  	[smem:$0x3FB2] =	sst s2  }
0x8f: {  	_ = 	snop  }
0x90: {  	(tm) =	ssettm $0x1  }
0x91: {  	s17 =	sld [smem:$0x3FFB];
	_ =	sdelay $0x3  }
0x92: {  	_ =	strace s17  }
0x93: {  	s2 =	sld [smem:$0x3FFC];
	_ =	sdelay $0x3  }
0x94: {  	_ =	strace s2  }
0x95: {  	s2 =	sld [smem:$0x3FFD];
	_ =	sdelay $0x3  }
0x96: {  	_ =	strace s2  }
0x97: {  	_ =	strace $0x8FFFFFFF  }
0x98: {  	s18 =	sld [smem:$0x3FDB];
	_ =	sdelay $0x1  }
0x99: {  	s19 =	simm.s32 $_scs_section_size  }
0x9a: {  	s4 =	simm.s32 $_size__tile_overlayer_lowered;
	s5 =	simm.s32 $_tile_overlayer_lowered  }
0x9b: {  	s22 =	simm.s32 $0x1BFF;
	s21 =	sshll.u32 s5, $0x1;
	s2 =	sadd.s32 s19, s18  }
0x9c: {  	s6 =	simm.s32 $0x0;
	s20 =	sshll.u32 s4, $0x1;
	s4 =	sadd.s32 s21, s2  }
0x9d: {  	[timem:s6], [sflag:s22] =	dma.local [hbm:s4], s20  }
0x9e: {  	_ =	swait.ge [sflag:s22], s20  }
0x9f: {  	s3 =	ssub.s32 $0x0, s20;
	[sflag:s22] =	ssyncset.done $0x0  }
0xa0: {  	[sflag:s22] =	ssyncadd.s32 s3;
	_ =	sdelay $0x1  }
0xa1: {  	s23 =	simm.s32 $0x1B8B  }
0xa2: {  	_ =	swait.ge [sflag:s23], $0x1  }
0xa3: {  	[sflag:s23] =	ssyncset.done $0x0  }
0xa4: {  	s25 =	simm.s32 $0x1B8E;
	s24 =	sld [smem:$0x3FFE];
	[sflag:s23] =	ssyncadd.s32 $0xFFFFFFFF  }
0xa5: {  	s26 =	simm.s32 $execute0_lowered;
	[smem:$0x3FD2] =	sst s25  }
0xa6: {  	s4 =	sshll.u32 s26, $0x1;
	_ =	strace $0x8000004C;
	[dreg:$0x1] =	wrdreg $0xFFFFFFFF  }
0xa7: {  	s28 =	simm.s32 $_size_execute0_lowered;
	s2 =	sadd.s32 s2, s4;
	[dreg:$0x0] =	wrdreg $0x0  }
0xa8: {  	s4 =	sshll.u32 s28, $0x1;
	[dreg:$0x2] =	wrdreg s2  }
0xa9: {  	[dreg:$0x3] =	wrdreg s4  }
0xaa: {  	[dreg:$0x4] =	wrdreg $0xC0  }
0xab: {  	_ =	task [dreg:s6], $0x5FFFF  }
0xac: {  	[dreg:$0x1] =	wrdreg $0xFFFFFFFF  }
0xad: {  	[dreg:$0x0] =	wrdreg $0x60  }
0xae: {  	[dreg:$0x2] =	wrdreg s24  }
0xaf: {  	[dreg:$0x3] =	wrdreg $0x0  }
0xb0: {  	[dreg:$0x4] =	wrdreg $0x9  }
0xb1: {  	_ =	task.clear_ibuf [dreg:s6], $0x5FFFF;
	_ =	strace $0x9000004C  }
0xb2: {  	s29 =	simm.s32 $0x9;
	_ =	strace $0x8000004E  }
0xb3: {  	_ =	swait.ge [sflag:s29], $0x1  }
0xb4: {  	[sflag:s29] =	ssyncadd.s32 $0xFFFFFFFF  }
0xb5: {  	_ =	strace $0x9000004E  }
0xb6: {  	_ =	sfence  }
0xb7: {  	s30 =	sld [smem:$0x0];
	_ =	sdelay $0x2  }
0xb8: {  	s31 =	sshll.u32 s1, $0xD;
	s1 =	sshrl.u32 s1, $0x2  }
0xb9: {  	s3 =	sand.u32 $0x4000, s31;
	s1 =	sadd.s32 s1, s30  }
0xba: {  	s0 =	sor.u32 s3, s0;
	s1 =	sshll.u32 s1, $0x11  }
0xbb: {  	s0 =	sor.u32 s1, s0  }
0xbc: {  	s0 =	sadd.s32 $0x8F2B, s0  }
0xbd: {  	[sflag:s0] =	ssyncadd.remote.s32 $0x1  }
0xbe: {  	_ =	sfence.sel $0xFFFF  }
0xbf: {  	[dreg:$0x0] =	wrdreg $0xFFFFFFFF;
	(pc) =	sbr.abs _section_cstart, $3  }
0xc0: {  	[dreg:$0x1] =	wrdreg $0xFFFFFFFF  }
0xc1: {  	_ =	task.clear_ibuf [dreg:s6], $0x2FFFF;
	_ =	strace $0x9FFFFFFF  }
0xc2: {  	(tm) =	ssettm $0x7FFFFFFF  }
0xc3: {  	_ =	shalt  }
tec
execute0_lowered:
.L_overlay_start_1:
0x0: {  	(tag) =	ssettag $0x1  }
0x1: {  	s0 =	srdreg.scid  }
0x2: {  	s10 =	stileid.u32;
	s1 =	rddreg [dreg:$0x0]  }
0x3: {  	s2 =	rddreg [dreg:$0x1];
	s20 =	simm.s32 $0x3;
	s22 =	simm.s32 $0x16800  }
0x4: {  	s23 =	simm.s32 $0x80;
	s24 =	simm.s32 $0x14080;
	s25 =	simm.s32 $0x1A800  }
0x5: {  	s26 =	simm.s32 $0x1;
	s28 =	simm.s32 $0x2;
	s29 =	simm.s32 $0x16700  }
0x6: {  	s0 =	sand.u32 $0x1, s0;
	s3 =	sshll.u32 s10, $0x1;
	s8 =	smul.u32 $0x50000, s10  }
0x7: {  	s30 =	simm.s32 $0x16780;
	s12 =	smul.u32 $0x14000, s10;
	s4 =	sor.u32 s0, s3  }
0x8: {  	s3 =	simm.s32 $0x0;
	s6 =	ssub.s32 $0x2, s0;
	s0 =	smul.u32 $0x140000, s0  }
0x9: {  	s31 =	simm.s32 $0x0;
	s5 =	smul.u32 $0x280, s4;
	[smem:$0x7FF] =	sst s3  }
0xa: {  	s4 =	sadd.s32 $0xDA00, s1;
	s9 =	sshrl.u32 s6, $0x1;
	s8 =	sshrl.u32 s8, $0x2  }
0xb: {  	s13 =	sadd.s32 $0x4000, s12;
	s15 =	sadd.s32 $0x8000, s12;
	s16 =	sadd.s32 $0xC000, s12  }
0xc: {  	s17 =	sadd.s32 $0x10000, s12;
	_ =	strace $0x8000004D;
	s18 =	ssub.s32 s6, s9  }
0xd: {  	s8 =	sadd.s32 s8, s2;
	s9 =	sadd.s32 s13, s2;
	s10 =	sadd.s32 s15, s2  }
0xe: {  	s11 =	sadd.s32 s16, s2;
	s14 =	sadd.s32 s12, s0;
	s13 =	sadd.s32 s0, s13  }
0xf: {  	s12 =	sadd.s32 s17, s2;
	s15 =	sadd.s32 s0, s15;
	s16 =	sadd.s32 s0, s16  }
0x10: {  	s0 =	sadd.s32 s0, s17;
	s7 =	sadd.s32 s5, s1;
	s5 =	sadd.s32 $0x34C00, s1  }
0x11: {  	s1 =	sadd.s32 $0x35400, s1;
	s14 =	sshrl.u32 s14, $0x3;
	s19 =	sshrl.u32 s13, $0x3  }
0x12: {  	s15 =	sshrl.u32 s15, $0x3;
	s16 =	sshrl.u32 s16, $0x3;
	s0 =	sshrl.u32 s0, $0x3  }
0x13: {  	s18 =	smax.u32 s18, $0x1;
	s6 =	sadd.s32 $0x8A00, s7;
	s7 =	sadd.s32 $0x3A00, s7  }
0x14: {  	s13 =	sadd.s32 s1, s14;
	s14 =	sadd.s32 s1, s19;
	s15 =	sadd.s32 s1, s15  }
0x15: {  	s16 =	sadd.s32 s1, s16;
	s17 =	sadd.s32 s1, s0;
	s19 =	simm.s32 $0x14000  }
.LBB2_1:
0x16: {  	[tilespmem:s19], [sflag:$0x3] =	stream.linear.gather [hbm4b:s6+s3], $0x1400, $0x38;
	[tilespmem:$0x1E800] =	vst v63  }
0x17: {  	_ =	swait.ge [sflag:s20], $0x1400  }
0x18: {  	[sflag:s20] =	ssyncset.done $0x0  }
0x19: {  	s0 =	simm.s32 $0x15400;
	[sflag:s20] =	ssyncadd.s32 $0xFFFFEC00  }
0x1a: {  	[tilespmem:s0], [sflag:$0x3] =	stream.linear.gather [hbm4b:s7+s3], $0x1400, $0x38;
	[tilespmem:$0x1E800] =	vst v63  }
0x1b: {  	_ =	swait.ge [sflag:s20], $0x1400  }
0x1c: {  	[sflag:s20] =	ssyncset.done $0x0  }
0x1d: {  	[sflag:s20] =	ssyncadd.s32 $0xFFFFEC00  }
0x1e: {  	[tilespmem:s22], [sflag:$0x3] =	stream.linear.gather [hbm4b:s5+s3], $0x4000, $0x38;
	[tilespmem:$0x1E800] =	vst v63  }
0x1f: {  	_ =	swait.ge [sflag:s20], $0x4000  }
0x20: {  	[sflag:s20] =	ssyncset.done $0x0  }
0x21: {  	[sflag:s20] =	ssyncadd.s32 $0xFFFFC000  }
0x22: {  	[spmem:s8] =	stream.linear.scatter [tilespmem:s22], [sflag:$0x3], $0x4000, $0x38;
	[tilespmem:$0x1E800] =	vst v63  }
0x23: {  	_ =	swait.ge [sflag:s20], $0x4000  }
0x24: {  	[sflag:s20] =	ssyncset.done $0x0  }
0x25: {  	[sflag:s20] =	ssyncadd.s32 $0xFFFFC000  }
0x26: {  	[spmem:s9] =	stream.linear.scatter [tilespmem:s22], [sflag:$0x3], $0x4000, $0x38;
	[tilespmem:$0x1E800] =	vst v63  }
0x27: {  	_ =	swait.ge [sflag:s20], $0x4000  }
0x28: {  	[sflag:s20] =	ssyncset.done $0x0  }
0x29: {  	[sflag:s20] =	ssyncadd.s32 $0xFFFFC000  }
0x2a: {  	[spmem:s10] =	stream.linear.scatter [tilespmem:s22], [sflag:$0x3], $0x4000, $0x38;
	[tilespmem:$0x1E800] =	vst v63  }
0x2b: {  	_ =	swait.ge [sflag:s20], $0x4000  }
0x2c: {  	[sflag:s20] =	ssyncset.done $0x0  }
0x2d: {  	[sflag:s20] =	ssyncadd.s32 $0xFFFFC000  }
0x2e: {  	[spmem:s11] =	stream.linear.scatter [tilespmem:s22], [sflag:$0x3], $0x4000, $0x38;
	[tilespmem:$0x1E800] =	vst v63  }
0x2f: {  	_ =	swait.ge [sflag:s20], $0x4000  }
0x30: {  	[sflag:s20] =	ssyncset.done $0x0  }
0x31: {  	[sflag:s20] =	ssyncadd.s32 $0xFFFFC000  }
0x32: {  	[spmem:s12] =	stream.linear.scatter [tilespmem:s22], [sflag:$0x3], $0x4000, $0x38;
	[tilespmem:$0x1E800] =	vst v63  }
0x33: {  	_ =	swait.ge [sflag:s20], $0x4000  }
0x34: {  	[sflag:s20] =	ssyncset.done $0x0  }
0x35: {  	[sflag:s20] =	ssyncadd.s32 $0xFFFFC000  }
0x36: {  	[tilespmem:s22], [sflag:$0x1] =	stream.indirect.gather [hbm4b:s4+s23], $0x80, s19, s23, $0xb8;
	[tilespmem:$0x1E800] =	vst v63  }
0x37: {  	_ = 	snop  }
0x38: {  	[tilespmem:s25], [sflag:$0x2] =	stream.indirect.gather [hbm4b:s4+s23], $0x80, s24, s23, $0xb8;
	[tilespmem:$0x1E800] =	vst v63  }
0x39: {  	[bflag:$0x0] =	sbarrier.arrive $0xFFFF  }
0x3a: {  	_ =	swait.ge [sflag:s26], $0x4000  }
0x3b: {  	[sflag:s26] =	ssyncset.done $0x0  }
0x3c: {  	s21 =	simm.s32 $0x15400;
	[sflag:s26] =	ssyncadd.s32 $0xFFFFC000  }
0x3d: {  	[spmem:s2] =	stream.indirect.scatter.add.f32 [tilespmem:s22], [sflag:$0x3], $0x80, s21, s23, $0xb8;
	[tilespmem:$0x1E800] =	vst v63  }
0x3e: {  	_ =	swait.ge [sflag:s20], $0x4000  }
0x3f: {  	[sflag:s20] =	ssyncset.done $0x0  }
0x40: {  	s1 =	simm.s32 $0x14100;
	[sflag:s20] =	ssyncadd.s32 $0xFFFFC000  }
0x41: {  	[tilespmem:s22], [sflag:$0x1] =	stream.indirect.gather [hbm4b:s4+s23], $0x80, s1, s23, $0xb8;
	[tilespmem:$0x1E800] =	vst v63  }
0x42: {  	_ =	swait.ge [sflag:s28], $0x4000  }
0x43: {  	[sflag:s28] =	ssyncset.done $0x0  }
0x44: {  	s21 =	simm.s32 $0x15480;
	[sflag:s28] =	ssyncadd.s32 $0xFFFFC000  }
0x45: {  	[spmem:s2] =	stream.indirect.scatter.add.f32 [tilespmem:s25], [sflag:$0x3], $0x80, s21, s23, $0xb8;
	[tilespmem:$0x1E800] =	vst v63  }
0x46: {  	_ =	swait.ge [sflag:s20], $0x4000  }
0x47: {  	[sflag:s20] =	ssyncset.done $0x0  }
0x48: {  	s0 =	simm.s32 $0x14180;
	s1 =	simm.s32 $0x400;
	[sflag:s20] =	ssyncadd.s32 $0xFFFFC000  }
.LBB2_2:
0x49: {  	[tilespmem:s25], [sflag:$0x2] =	stream.indirect.gather [hbm4b:s4+s23], $0x80, s0, s23, $0xb8;
	[tilespmem:$0x1E800] =	vst v63  }
0x4a: {  	s0 =	smov.u32 s1  }
0x4b: {  	p0 =	sne.s32 s1, $0x4800;
	s1 =	sadd.s32 $0x400, s1;
	_ =	swait.ge [sflag:s26], $0x4000  }
0x4c: {  	s0 =	sshra.s32 s0, $0x2;
	[sflag:s26] =	ssyncset.done $0x0  }
0x4d: {  	s21 =	sadd.s32 $0x15400, s0;
	[sflag:s26] =	ssyncadd.s32 $0xFFFFC000  }
0x4e: {  	[spmem:s2] =	stream.indirect.scatter.add.f32 [tilespmem:s22], [sflag:$0x3], $0x80, s21, s23, $0xb8;
	[tilespmem:$0x1E800] =	vst v63  }
0x4f: {  	_ =	swait.ge [sflag:s20], $0x4000  }
0x50: {  	[sflag:s20] =	ssyncset.done $0x0  }
0x51: {  	s21 =	sadd.s32 $0x14100, s0;
	[sflag:s20] =	ssyncadd.s32 $0xFFFFC000  }
0x52: {  	[tilespmem:s22], [sflag:$0x1] =	stream.indirect.gather [hbm4b:s4+s23], $0x80, s21, s23, $0xb8;
	[tilespmem:$0x1E800] =	vst v63  }
0x53: {  	_ =	swait.ge [sflag:s28], $0x4000  }
0x54: {  	[sflag:s28] =	ssyncset.done $0x0  }
.Ltmp0:
0x55: {  	s21 =	sadd.s32 $0x15480, s0;
	[sflag:s28] =	ssyncadd.s32 $0xFFFFC000;
	(pc) =	sbr.rel @p0 .LBB2_2-.Ltmp0, $4  }
0x56: {  	[spmem:s2] =	stream.indirect.scatter.add.f32 [tilespmem:s25], [sflag:$0x3], $0x80, s21, s23, $0xb8;
	[tilespmem:$0x1E800] =	vst v63  }
0x57: {  	_ =	swait.ge [sflag:s20], $0x4000  }
0x58: {  	[sflag:s20] =	ssyncset.done $0x0  }
0x59: {  	s0 =	sadd.s32 $0x14180, s0;
	[sflag:s20] =	ssyncadd.s32 $0xFFFFC000  }
0x5a: {  	[tilespmem:s25], [sflag:$0x2] =	stream.indirect.gather [hbm4b:s4+s23], $0x80, s0, s23, $0xb8;
	[tilespmem:$0x1E800] =	vst v63  }
0x5b: {  	_ =	swait.ge [sflag:s26], $0x4000  }
0x5c: {  	[sflag:s26] =	ssyncset.done $0x0  }
0x5d: {  	[sflag:s26] =	ssyncadd.s32 $0xFFFFC000  }
0x5e: {  	[spmem:s2] =	stream.indirect.scatter.add.f32 [tilespmem:s22], [sflag:$0x3], $0x80, s29, s23, $0xb8;
	[tilespmem:$0x1E800] =	vst v63  }
0x5f: {  	_ =	swait.ge [sflag:s20], $0x4000  }
0x60: {  	[sflag:s20] =	ssyncset.done $0x0  }
0x61: {  	[sflag:s20] =	ssyncadd.s32 $0xFFFFC000  }
0x62: {  	_ =	swait.ge [sflag:s28], $0x4000  }
0x63: {  	[sflag:s28] =	ssyncset.done $0x0  }
0x64: {  	[sflag:s28] =	ssyncadd.s32 $0xFFFFC000  }
0x65: {  	[spmem:s2] =	stream.indirect.scatter.add.f32 [tilespmem:s25], [sflag:$0x3], $0x80, s30, s23, $0xb8;
	[tilespmem:$0x1E800] =	vst v63  }
0x66: {  	_ =	swait.ge [sflag:s20], $0x4000  }
0x67: {  	[sflag:s20] =	ssyncset.done $0x0  }
0x68: {  	[sflag:s20] =	ssyncadd.s32 $0xFFFFC000  }
0x69: {  	[bflag:$0x0] =	sbarrier.arrive $0xFFFF  }
0x6a: {  	[tilespmem:s22], [sflag:$0x3] =	stream.linear.gather [spmem:s8], $0x4000, $0x38;
	[tilespmem:$0x1E800] =	vst v63  }
0x6b: {  	_ =	swait.ge [sflag:s20], $0x4000  }
0x6c: {  	[sflag:s20] =	ssyncset.done $0x0  }
0x6d: {  	[sflag:s20] =	ssyncadd.s32 $0xFFFFC000  }
0x6e: {  	[hbm4b:s13+s3] =	stream.linear.scatter [tilespmem:s22], [sflag:$0x1], $0x4000, $0x38;
	[tilespmem:$0x1E800] =	vst v63  }
0x6f: {  	_ = 	snop  }
0x70: {  	[tilespmem:s25], [sflag:$0x3] =	stream.linear.gather [spmem:s9], $0x4000, $0x38;
	[tilespmem:$0x1E800] =	vst v63  }
0x71: {  	_ =	swait.ge [sflag:s20], $0x4000  }
0x72: {  	[sflag:s20] =	ssyncset.done $0x0  }
0x73: {  	[sflag:s20] =	ssyncadd.s32 $0xFFFFC000  }
0x74: {  	[hbm4b:s14+s3] =	stream.linear.scatter [tilespmem:s25], [sflag:$0x2], $0x4000, $0x38;
	[tilespmem:$0x1E800] =	vst v63  }
0x75: {  	_ =	swait.ge [sflag:s26], $0x4000  }
0x76: {  	[sflag:s26] =	ssyncset.done $0x0  }
0x77: {  	[sflag:s26] =	ssyncadd.s32 $0xFFFFC000  }
0x78: {  	[tilespmem:s22], [sflag:$0x3] =	stream.linear.gather [spmem:s10], $0x4000, $0x38;
	[tilespmem:$0x1E800] =	vst v63  }
0x79: {  	_ =	swait.ge [sflag:s20], $0x4000  }
0x7a: {  	[sflag:s20] =	ssyncset.done $0x0  }
0x7b: {  	[sflag:s20] =	ssyncadd.s32 $0xFFFFC000  }
0x7c: {  	[hbm4b:s15+s3] =	stream.linear.scatter [tilespmem:s22], [sflag:$0x1], $0x4000, $0x38;
	[tilespmem:$0x1E800] =	vst v63  }
0x7d: {  	_ =	swait.ge [sflag:s28], $0x4000  }
0x7e: {  	[sflag:s28] =	ssyncset.done $0x0  }
0x7f: {  	[sflag:s28] =	ssyncadd.s32 $0xFFFFC000  }
0x80: {  	[tilespmem:s25], [sflag:$0x3] =	stream.linear.gather [spmem:s11], $0x4000, $0x38;
	[tilespmem:$0x1E800] =	vst v63  }
0x81: {  	_ =	swait.ge [sflag:s20], $0x4000  }
0x82: {  	[sflag:s20] =	ssyncset.done $0x0  }
0x83: {  	[sflag:s20] =	ssyncadd.s32 $0xFFFFC000  }
0x84: {  	[hbm4b:s16+s3] =	stream.linear.scatter [tilespmem:s25], [sflag:$0x2], $0x4000, $0x38;
	[tilespmem:$0x1E800] =	vst v63  }
0x85: {  	_ =	swait.ge [sflag:s26], $0x4000  }
0x86: {  	[sflag:s26] =	ssyncset.done $0x0  }
0x87: {  	[sflag:s26] =	ssyncadd.s32 $0xFFFFC000  }
0x88: {  	[tilespmem:s22], [sflag:$0x3] =	stream.linear.gather [spmem:s12], $0x4000, $0x38;
	[tilespmem:$0x1E800] =	vst v63  }
0x89: {  	_ =	swait.ge [sflag:s20], $0x4000  }
0x8a: {  	[sflag:s20] =	ssyncset.done $0x0  }
0x8b: {  	s31 =	sadd.s32 $0x1, s31;
	[sflag:s20] =	ssyncadd.s32 $0xFFFFC000  }
0x8c: {  	[hbm4b:s17+s3] =	stream.linear.scatter [tilespmem:s22], [sflag:$0x1], $0x4000, $0x38;
	[tilespmem:$0x1E800] =	vst v63  }
0x8d: {  	p0 =	sne.s32 s31, s18;
	_ =	swait.ge [sflag:s28], $0x4000  }
.Ltmp1:
0x8e: {  	[sflag:s28] =	ssyncset.done $0x0;
	(pc) =	sbr.rel @p0 .LBB2_1-.Ltmp1, $4  }
0x8f: {  	[sflag:s28] =	ssyncadd.s32 $0xFFFFC000  }
0x90: {  	_ =	swait.ge [sflag:s26], $0x4000  }
0x91: {  	[sflag:s26] =	ssyncset.done $0x0  }
0x92: {  	[sflag:s26] =	ssyncadd.s32 $0xFFFFC000  }
0x93: {  	_ =	sfence.sel $0x180000  }
0x94: {  	[bflag:$0x0] =	sbarrier.arrive $0xFFFF  }
0x95: {  	_ =	strace $0x9000004D  }
0x96: {  	s0 =	stileid.u32;
	[bflag:$0x2] =	sbarrier.arrive $0xFFFF  }
0x97: {  	p0 =	sne.s32 s0, $0x0;
	s0 =	rddreg [dreg:$0x2]  }
0x98: {  	s0 =	sadd.s32 @!p0 $0x100000, s0  }
0x99: {  	[sflag:s0] =	ssyncadd.tile.s32 @!p0 $0x1;
	_ =	shalt  }
.Lfunc_end2:
_tile_overlayer_lowered:
.L_overlay_start_2:
0x9a: {  	(tag) =	ssettag $0x2  }
0x9b: {  	s0 =	rddreg [dreg:$0x0];
	s2 =	stileid.u32  }
0x9c: {  	s1 =	rddreg [dreg:$0x1];
	p0 =	sne.s32 s2, $0x0  }
0x9d: {  	s3 =	rddreg [dreg:$0x2];
	[bflag:$0x3] =	sbarrier.arrive $0xFFFF;
	s2 =	simm.s32 @!p0 $0x1C03  }
0x9e: {  	[timem:s3], [sflag:s2] =	dma.local @!p0 [hbm:s0], s1  }
0x9f: {  	s0 =	simm.s32 @!p0 $0x3  }
0xa0: {  	_ =	swait.ge @!p0 [sflag:s0], s1  }
0xa1: {  	s1 =	ssub.s32 @!p0 $0x0, s1;
	[sflag:s0] =	ssyncset.done @!p0 $0x0  }
0xa2: {  	[sflag:s0] =	ssyncadd.s32 @!p0 s1  }
0xa3: {  	[bflag:$0x3] =	sbarrier.arrive $0xFFFF  }
0xa4: {  	_ =	shalt  }

// kernel: kernel.8.cloned.1.call-start
scs
__scs_entry_jumppad:
0x0: {  	(pc) =	sbr.rel $0x88, $3  }
0x1: {  	(tag) =	ssettag $0x0;
	lr =	simm.s32 $0x1  }
0x2: {  	[smem:$0x3F8B] =	sst lr;
	_ =	strace $0xD0000000  }
0x3: {  	_ = 	snop  }
0x4: {  	_ = 	snop  }
0x5: {  	_ = 	snop  }
0x6: {  	_ = 	snop  }
0x7: {  	_ = 	snop  }
__scs_overlays_trampoline_lowered:
0x8: {  	[smem:$0x3F9A] =	sst s0  }
0x9: {  	[smem:$0x3F9B] =	sst s1  }
0xa: {  	[smem:$0x3F9C] =	sst s2  }
0xb: {  	[smem:$0x3F9D] =	sst s3  }
0xc: {  	[smem:$0x3F9E] =	sst s4  }
0xd: {  	[smem:$0x3F9F] =	sst s5  }
0xe: {  	[smem:$0x3FA0] =	sst s6  }
0xf: {  	[smem:$0x3FA1] =	sst s7  }
0x10: {  	[smem:$0x3FA2] =	sst s8  }
0x11: {  	[smem:$0x3FA3] =	sst s9;
	s0 =	simm.s32 @!p0 $0x0  }
0x12: {  	s1 =	sld [smem:$0x3F89];
	s0 =	simm.s32 @p0 $0x1  }
0x13: {  	[smem:$0x3FA4] =	sst s0;
	s0 =	simm.s32 @!p1 $0x0  }
0x14: {  	s2 =	sld [smem:$0x3F88];
	s0 =	simm.s32 @p1 $0x1  }
0x15: {  	[smem:$0x3FA5] =	sst s0;
	s0 =	simm.s32 @!p2 $0x0  }
0x16: {  	s3 =	sld [smem:$0x3FDB];
	s0 =	simm.s32 @p2 $0x1  }
0x17: {  	s4 =	simm.s32 $0x1BF5;
	[smem:$0x3FA7] =	sst s0  }
0x18: {  	s0 =	sld [smem:$0x3F8A];
	_ =	swait.ge [sflag:s4], $0x0  }
0x19: {  	s7 =	sld [smem:$0x3F8B]  }
0x1a: {  	s8 =	sadd.s32 $0xFFFFE003, lr  }
0x1b: {  	s9 =	sadd.s32 $0xFFFFFEF7, lr;
	s5 =	simm.s32 $0xFFFFFFFF;
	p2 =	slt.u32 s8, $0xFFFFF086  }
0x1c: {  	p1 =	slt.u32 s9, $0xF7A;
	s5 =	simm.s32 @!p2 $0x0  }
0x1d: {  	s5 =	simm.s32 @p1 $0x1;
	p0 =	seq.s32 s7, s2  }
0x1e: {  	s7 =	smul.u32 @!p0 $0xF7A, s2;
	p2 =	seq.s32 @!p0 s5, $0x0  }
0x1f: {  	s9 =	smul.u32 $0xF7A, s1;
	s8 =	simm.s32 @!p0 $0x1BF5;
	p2 =	por !p2, p0  }
0x20: {  	[sflag:s8] =	ssyncset.s32 @!p0 $0xFFFFF086;
	s6 =	sadd.s32 @!p0 s3, s7;
	s7 =	simm.s32 @!p0 $0x108  }
0x21: {  	s3 =	sadd.s32 s3, s9;
	s6 =	sadd.s32 @!p0 $0x88, s6;
	s7 =	simm.s32 @p2 $0x1082  }
0x22: {  	[simem:s7], [sflag:s8] =	dma.local @!p0 [hbm:s6], $0xF7A  }
0x23: {  	s9 =	sor.u32 $0xD0000000, s2;
	s6 =	simm.s32 $0x108;
	_ =	swait.ge @!p0 [sflag:s8], $0x0  }
0x24: {  	s3 =	sadd.s32 $0x88, s3;
	s6 =	simm.s32 @!p1 $0x1082;
	[sflag:s4] =	ssyncset.s32 $0xFFFFF086  }
0x25: {  	[simem:s6], [sflag:s4] =	dma.local [hbm:s3], $0xF7A  }
0x26: {  	[smem:$0x3F8B] =	sst s1;
	(tag) =	ssettag s2;
	_ =	strace s9  }
0x27: {  	s1 =	sld [smem:$0x3F9B]  }
0x28: {  	s2 =	sld [smem:$0x3F9C]  }
0x29: {  	s4 =	sld [smem:$0x3F9E]  }
0x2a: {  	p0 =	seq.s32 s5, $0x0;
	s5 =	sld [smem:$0x3F9F]  }
0x2b: {  	s6 =	sld [smem:$0x3FA0]  }
0x2c: {  	s7 =	sld [smem:$0x3FA1]  }
0x2d: {  	s3 =	simm.s32 $0x108;
	s8 =	sld [smem:$0x3FA2]  }
0x2e: {  	s3 =	simm.s32 @!p0 $0x1082;
	s9 =	sld [smem:$0x3FA3]  }
0x2f: {  	lr =	sadd.s32 s0, s3;
	s0 =	sld [smem:$0x3F9A]  }
0x30: {  	s3 =	sld [smem:$0x3F9D]  }
0x31: {  	[smem:$0x3FA6] =	sst s10  }
0x32: {  	s10 =	sld [smem:$0x3FA4];
	_ =	sdelay $0x3  }
0x33: {  	p0 =	seq.s32 s10, $0x1;
	s10 =	sld [smem:$0x3FA6];
	_ =	sdelay $0x3  }
0x34: {  	[smem:$0x3FA6] =	sst s10  }
0x35: {  	s10 =	sld [smem:$0x3FA5];
	_ =	sdelay $0x3  }
0x36: {  	p1 =	seq.s32 s10, $0x1;
	s10 =	sld [smem:$0x3FA6];
	_ =	sdelay $0x3  }
0x37: {  	[smem:$0x3FA6] =	sst s10  }
0x38: {  	s10 =	sld [smem:$0x3FA7]  }
0x39: {  	_ = 	snop;
	(pc) =	sbr.ind lr, $3  }
0x3a: {  	_ = 	snop  }
0x3b: {  	_ = 	snop  }
0x3c: {  	p2 =	seq.s32 s10, $0x1;
	s10 =	sld [smem:$0x3FA6]  }
0x3d: {  	_ =	shalt  }
0x3e: {  	_ =	shalt  }
0x3f: {  	_ =	shalt  }
0x40: {  	_ =	shalt  }
0x41: {  	_ =	shalt  }
0x42: {  	_ =	shalt  }
0x43: {  	_ =	shalt  }
0x44: {  	_ =	shalt  }
0x45: {  	_ =	shalt  }
0x46: {  	_ =	shalt  }
0x47: {  	_ =	shalt  }
0x48: {  	_ =	shalt  }
0x49: {  	_ =	shalt  }
0x4a: {  	_ =	shalt  }
0x4b: {  	_ =	shalt  }
0x4c: {  	_ =	shalt  }
0x4d: {  	_ =	shalt  }
0x4e: {  	_ =	shalt  }
0x4f: {  	_ =	shalt  }
0x50: {  	_ =	shalt  }
0x51: {  	_ =	shalt  }
0x52: {  	_ =	shalt  }
0x53: {  	_ =	shalt  }
0x54: {  	_ =	shalt  }
0x55: {  	_ =	shalt  }
0x56: {  	_ =	shalt  }
0x57: {  	_ =	shalt  }
0x58: {  	_ =	shalt  }
0x59: {  	_ =	shalt  }
0x5a: {  	_ =	shalt  }
0x5b: {  	_ =	shalt  }
0x5c: {  	_ =	shalt  }
0x5d: {  	_ =	shalt  }
0x5e: {  	_ =	shalt  }
0x5f: {  	_ =	shalt  }
0x60: {  	_ =	shalt  }
0x61: {  	_ =	shalt  }
0x62: {  	_ =	shalt  }
0x63: {  	_ =	shalt  }
0x64: {  	_ =	shalt  }
0x65: {  	_ =	shalt  }
0x66: {  	_ =	shalt  }
0x67: {  	_ =	shalt  }
0x68: {  	_ =	shalt  }
0x69: {  	_ =	shalt  }
0x6a: {  	_ =	shalt  }
0x6b: {  	_ =	shalt  }
0x6c: {  	_ =	shalt  }
0x6d: {  	_ =	shalt  }
0x6e: {  	_ =	shalt  }
0x6f: {  	_ =	shalt  }
0x70: {  	_ =	shalt  }
0x71: {  	_ =	shalt  }
0x72: {  	_ =	shalt  }
0x73: {  	_ =	shalt  }
0x74: {  	_ =	shalt  }
0x75: {  	_ =	shalt  }
0x76: {  	_ =	shalt  }
0x77: {  	_ =	shalt  }
0x78: {  	_ =	shalt  }
0x79: {  	_ =	shalt  }
0x7a: {  	_ =	shalt  }
0x7b: {  	_ =	shalt  }
0x7c: {  	_ =	shalt  }
0x7d: {  	_ =	shalt  }
0x7e: {  	_ =	shalt  }
0x7f: {  	_ =	shalt  }
0x80: {  	_ =	shalt  }
0x81: {  	_ =	shalt  }
0x82: {  	_ =	shalt  }
0x83: {  	_ =	shalt  }
0x84: {  	_ =	shalt  }
0x85: {  	_ =	shalt  }
0x86: {  	_ =	shalt  }
0x87: {  	_ =	shalt  }
.Lfunc_end0:
.L_simem_size_0:
called_computation_lowered:
.L_overlay_start_0:
0x88: {  	s2 =	sld [smem:$0x3FD9]  }
0x89: {  	s3 =	sld [smem:$0x3FFE];
	_ =	sdelay $0x1  }
0x8a: {  	s1 =	srdreg.scid  }
0x8b: {  	s0 =	sand.u32 $0x1, s1  }
0x8c: {  	s17 =	sshll.u32 s0, $0xA;
	s2 =	sadd.s32 s3, s2  }
0x8d: {  	s2 =	sadd.s32 s2, s17  }
0x8e: {  	[smem:$0x3FB2] =	sst s2  }
0x8f: {  	_ = 	snop  }
0x90: {  	(tm) =	ssettm $0x1  }
0x91: {  	s18 =	sld [smem:$0x3FFB];
	_ =	sdelay $0x3  }
0x92: {  	_ =	strace s18  }
0x93: {  	s2 =	sld [smem:$0x3FFC];
	_ =	sdelay $0x3  }
0x94: {  	_ =	strace s2  }
0x95: {  	s2 =	sld [smem:$0x3FFD];
	_ =	sdelay $0x3  }
0x96: {  	_ =	strace s2  }
0x97: {  	_ =	strace $0x8FFFFFFF  }
0x98: {  	s19 =	sld [smem:$0x3FDB];
	_ =	sdelay $0x1  }
0x99: {  	s20 =	simm.s32 $_scs_section_size  }
0x9a: {  	s4 =	simm.s32 $_size__tile_overlayer_lowered;
	s5 =	simm.s32 $_tile_overlayer_lowered  }
0x9b: {  	s6 =	simm.s32 $0x1BFF;
	s21 =	sshll.u32 s5, $0x1;
	s3 =	sadd.s32 s20, s19  }
0x9c: {  	s22 =	simm.s32 $0x0;
	s4 =	sshll.u32 s4, $0x1;
	s5 =	sadd.s32 s21, s3  }
0x9d: {  	[timem:s22], [sflag:s6] =	dma.local [hbm:s5], s4  }
0x9e: {  	_ =	swait.ge [sflag:s6], s4  }
0x9f: {  	s4 =	ssub.s32 $0x0, s4;
	[sflag:s6] =	ssyncset.done $0x0  }
0xa0: {  	[sflag:s6] =	ssyncadd.s32 s4;
	_ =	sdelay $0x1  }
0xa1: {  	s23 =	simm.s32 $0x1B8B  }
0xa2: {  	_ =	swait.ge [sflag:s23], $0x1  }
0xa3: {  	[sflag:s23] =	ssyncset.done $0x0  }
0xa4: {  	[sflag:s23] =	ssyncadd.s32 $0xFFFFFFFF  }
0xa5: {  	s4 =	sld [smem:$0x0]  }
0xa6: {  	s5 =	sand.u32 $0xFFFFFFFE, s1  }
0xa7: {  	p0 =	sne.s32 s1, s5  }
0xa8: {  	s5 =	sshll.u32 @p0 s5, $0xE  }
0xa9: {  	s5 =	sadd.s32 @p0 $0x11B8D, s5;
	s6 =	sshll.u32 @p0 s4, $0x11  }
0xaa: {  	s5 =	sor.u32 @p0 s6, s5  }
0xab: {  	[sflag:s5] =	ssyncadd.remote.s32 @p0 $0x1;
	_ =	sdelay $0x1  }
0xac: {  	s5 =	simm.s32 @p0 $0x1B8D  }
0xad: {  	_ =	swait.eq @p0 [sflag:s5], $0x1  }
0xae: {  	[sflag:s5] =	ssyncadd.s32 @p0 $0xFFFFFFFF  }
0xaf: {  	s6 =	sshll.u32 @!p0 s1, $0xE  }
0xb0: {  	s6 =	sor.u32 @!p0 $0x4000, s6;
	s5 =	simm.s32 @!p0 $0x1B8D  }
0xb1: {  	s4 =	sshll.u32 @!p0 s4, $0x11;
	s6 =	sadd.s32 @!p0 $0x11B8D, s6;
	_ =	swait.eq @!p0 [sflag:s5], $0x1  }
0xb2: {  	s4 =	sor.u32 @!p0 s4, s6;
	[sflag:s5] =	ssyncadd.s32 @!p0 $0xFFFFFFFF  }
0xb3: {  	s25 =	simm.s32 $0x1B8E;
	s24 =	sld [smem:$0x3FFE];
	[sflag:s4] =	ssyncadd.remote.s32 @!p0 $0x1  }
0xb4: {  	s26 =	simm.s32 $execute0_lowered;
	[smem:$0x3FD2] =	sst s25  }
0xb5: {  	s5 =	sshll.u32 s26, $0x1;
	_ =	strace $0x80000049;
	[dreg:$0x1] =	wrdreg $0xFFFFFFFF  }
0xb6: {  	s28 =	simm.s32 $_size_execute0_lowered;
	s3 =	sadd.s32 s3, s5;
	[dreg:$0x0] =	wrdreg $0x0  }
0xb7: {  	s5 =	sshll.u32 s28, $0x1;
	[dreg:$0x2] =	wrdreg s3  }
0xb8: {  	[dreg:$0x3] =	wrdreg s5  }
0xb9: {  	[dreg:$0x4] =	wrdreg $0xC0  }
0xba: {  	_ =	task [dreg:s22], $0x5FFFF  }
0xbb: {  	[dreg:$0x1] =	wrdreg $0xFFFFFFFF  }
0xbc: {  	[dreg:$0x0] =	wrdreg $0x60  }
0xbd: {  	[dreg:$0x2] =	wrdreg s24  }
0xbe: {  	[dreg:$0x3] =	wrdreg $0x0  }
0xbf: {  	[dreg:$0x4] =	wrdreg $0x9  }
0xc0: {  	_ =	task.clear_ibuf [dreg:s22], $0x5FFFF;
	_ =	strace $0x90000049  }
0xc1: {  	s29 =	simm.s32 $0x9;
	_ =	strace $0x8000004B  }
0xc2: {  	_ =	swait.ge [sflag:s29], $0x1  }
0xc3: {  	[sflag:s29] =	ssyncadd.s32 $0xFFFFFFFF  }
0xc4: {  	_ =	strace $0x9000004B  }
0xc5: {  	_ =	sfence  }
0xc6: {  	s30 =	sld [smem:$0x0];
	_ =	sdelay $0x2  }
0xc7: {  	s31 =	sshll.u32 s1, $0xD;
	s1 =	sshrl.u32 s1, $0x2  }
0xc8: {  	s4 =	sand.u32 $0x4000, s31;
	s1 =	sadd.s32 s1, s30  }
0xc9: {  	s0 =	sor.u32 s4, s0;
	s1 =	sshll.u32 s1, $0x11  }
0xca: {  	s0 =	sor.u32 s1, s0  }
0xcb: {  	s0 =	sadd.s32 $0x8F2B, s0  }
0xcc: {  	[sflag:s0] =	ssyncadd.remote.s32 $0x1  }
0xcd: {  	_ =	sfence.sel $0xFFFF  }
0xce: {  	[dreg:$0x0] =	wrdreg $0xFFFFFFFF;
	(pc) =	sbr.abs _section_cstart, $3  }
0xcf: {  	[dreg:$0x1] =	wrdreg $0xFFFFFFFF  }
0xd0: {  	_ =	task.clear_ibuf [dreg:s22], $0x2FFFF;
	_ =	strace $0x9FFFFFFF  }
0xd1: {  	(tm) =	ssettm $0x7FFFFFFF  }
tec
execute0_lowered:
.L_overlay_start_1:
0x0: {  	(tag) =	ssettag $0x1  }
0x1: {  	s1 =	srdreg.scid;
	s6 =	rddreg [dreg:$0x0]  }
0x2: {  	s0 =	stileid.u32;
	s2 =	rddreg [dreg:$0x1];
	s3 =	simm.s32 $0x0  }
0x3: {  	s21 =	simm.s32 $0x19400;
	s22 =	simm.s32 $0x80;
	s23 =	simm.s32 $0x1  }
0x4: {  	s24 =	simm.s32 $0x0;
	s8 =	sand.u32 $0x1, s1;
	s1 =	rddreg [dreg:$0x2]  }
0x5: {  	s26 =	sshll.u32 s0, $0x1;
	[smem:$0x7FF] =	sst s3;
	s10 =	smul.u32 $0x50000, s0  }
0x6: {  	s5 =	sadd.s32 $0x85400, s6;
	s16 =	sadd.s32 $0x85C00, s6;
	s11 =	smul.u32 $0x14000, s0  }
0x7: {  	s4 =	sor.u32 s8, s26;
	s9 =	ssub.s32 $0x2, s8;
	s14 =	smul.u32 $0x140000, s8  }
0x8: {  	_ =	strace $0x8000004A;
	s4 =	smul.u32 $0x280, s4;
	s28 =	sshrl.u32 s9, $0x1  }
0x9: {  	s29 =	sshrl.u32 s10, $0x2;
	s12 =	sadd.s32 $0x4000, s11;
	s15 =	sadd.s32 $0x8000, s11  }
0xa: {  	s18 =	sadd.s32 $0xC000, s11;
	s19 =	sadd.s32 $0x10000, s11;
	s17 =	ssub.s32 s9, s28  }
0xb: {  	s8 =	sadd.s32 s12, s2;
	s9 =	sadd.s32 s15, s2;
	s10 =	sadd.s32 s18, s2  }
0xc: {  	s13 =	sadd.s32 s11, s14;
	s20 =	sadd.s32 s14, s12;
	s11 =	sadd.s32 s19, s2  }
0xd: {  	s15 =	sadd.s32 s14, s15;
	s18 =	sadd.s32 s14, s18;
	s19 =	sadd.s32 s14, s19  }
0xe: {  	s7 =	sadd.s32 s4, s6;
	s4 =	sadd.s32 $0x34C00, s6;
	s13 =	sshrl.u32 s13, $0x3  }
0xf: {  	s30 =	sshrl.u32 s20, $0x3;
	s15 =	sshrl.u32 s15, $0x3;
	s18 =	sshrl.u32 s18, $0x3  }
0x10: {  	s31 =	sshrl.u32 s19, $0x3;
	s17 =	smax.u32 s17, $0x1;
	s19 =	simm.s32 $0x2  }
0x11: {  	s20 =	simm.s32 $0x15400;
	s6 =	sadd.s32 $0x3A00, s7;
	s7 =	sadd.s32 s29, s2  }
0x12: {  	s12 =	sadd.s32 s16, s13;
	s13 =	sadd.s32 s16, s30;
	s14 =	sadd.s32 s16, s15  }
0x13: {  	s15 =	sadd.s32 s16, s18;
	s16 =	sadd.s32 s16, s31;
	s18 =	simm.s32 $0x14000  }
.LBB2_1:
0x14: {  	[tilespmem:s18], [sflag:$0x2] =	stream.linear.gather [hbm4b:s6+s3], $0x1400, $0x38;
	[tilespmem:$0x1D400] =	vst v63  }
0x15: {  	_ =	swait.ge [sflag:s19], $0x1400  }
0x16: {  	[sflag:s19] =	ssyncset.done $0x0  }
0x17: {  	[sflag:s19] =	ssyncadd.s32 $0xFFFFEC00  }
0x18: {  	[tilespmem:s20], [sflag:$0x2] =	stream.linear.gather [hbm4b:s5+s3], $0x4000, $0x38;
	[tilespmem:$0x1D400] =	vst v63  }
0x19: {  	_ =	swait.ge [sflag:s19], $0x4000  }
0x1a: {  	[sflag:s19] =	ssyncset.done $0x0  }
0x1b: {  	[sflag:s19] =	ssyncadd.s32 $0xFFFFC000  }
0x1c: {  	[tilespmem:s21], [sflag:$0x2] =	stream.linear.gather [hbm4b:s4+s3], $0x4000, $0x38;
	[tilespmem:$0x1D400] =	vst v63  }
0x1d: {  	_ =	swait.ge [sflag:s19], $0x4000  }
0x1e: {  	[sflag:s19] =	ssyncset.done $0x0  }
0x1f: {  	[sflag:s19] =	ssyncadd.s32 $0xFFFFC000  }
0x20: {  	[spmem:s7] =	stream.linear.scatter [tilespmem:s21], [sflag:$0x2], $0x4000, $0x38;
	[tilespmem:$0x1D400] =	vst v63  }
0x21: {  	_ =	swait.ge [sflag:s19], $0x4000  }
0x22: {  	[sflag:s19] =	ssyncset.done $0x0  }
0x23: {  	[sflag:s19] =	ssyncadd.s32 $0xFFFFC000  }
0x24: {  	[spmem:s8] =	stream.linear.scatter [tilespmem:s21], [sflag:$0x2], $0x4000, $0x38;
	[tilespmem:$0x1D400] =	vst v63  }
0x25: {  	_ =	swait.ge [sflag:s19], $0x4000  }
0x26: {  	[sflag:s19] =	ssyncset.done $0x0  }
0x27: {  	[sflag:s19] =	ssyncadd.s32 $0xFFFFC000  }
0x28: {  	[spmem:s9] =	stream.linear.scatter [tilespmem:s21], [sflag:$0x2], $0x4000, $0x38;
	[tilespmem:$0x1D400] =	vst v63  }
0x29: {  	_ =	swait.ge [sflag:s19], $0x4000  }
0x2a: {  	[sflag:s19] =	ssyncset.done $0x0  }
0x2b: {  	[sflag:s19] =	ssyncadd.s32 $0xFFFFC000  }
0x2c: {  	[spmem:s10] =	stream.linear.scatter [tilespmem:s21], [sflag:$0x2], $0x4000, $0x38;
	[tilespmem:$0x1D400] =	vst v63  }
0x2d: {  	_ =	swait.ge [sflag:s19], $0x4000  }
0x2e: {  	[sflag:s19] =	ssyncset.done $0x0  }
0x2f: {  	[sflag:s19] =	ssyncadd.s32 $0xFFFFC000  }
0x30: {  	[spmem:s11] =	stream.linear.scatter [tilespmem:s21], [sflag:$0x2], $0x4000, $0x38;
	[tilespmem:$0x1D400] =	vst v63  }
0x31: {  	_ =	swait.ge [sflag:s19], $0x4000  }
0x32: {  	[sflag:s19] =	ssyncset.done $0x0  }
0x33: {  	[sflag:s19] =	ssyncadd.s32 $0xFFFFC000  }
0x34: {  	s25 =	simm.s32 $0x14000;
	[bflag:$0x0] =	sbarrier.arrive $0xFFFF  }
0x35: {  	[spmem:s2] =	stream.indirect.scatter.add.f32 [tilespmem:s20], [sflag:$0x2], $0x80, s25, s22, $0xb8;
	[tilespmem:$0x1D400] =	vst v63  }
0x36: {  	s25 =	simm.s32 $0x200;
	_ =	swait.ge [sflag:s19], $0x4000  }
.LBB2_2:
0x37: {  	s26 =	sshra.s32 s25, $0x2;
	[sflag:s19] =	ssyncset.done $0x0;
	p0 =	sne.s32 s25, $0x4E00  }
.Ltmp0:
0x38: {  	s26 =	sadd.s32 $0x14000, s26;
	[sflag:s19] =	ssyncadd.s32 $0xFFFFC000;
	(pc) =	sbr.rel @p0 .LBB2_2-.Ltmp0, $3  }
0x39: {  	[spmem:s2] =	stream.indirect.scatter.add.f32 [tilespmem:s20], [sflag:$0x2], $0x80, s26, s22, $0xb8;
	[tilespmem:$0x1D400] =	vst v63  }
0x3a: {  	s25 =	sadd.s32 $0x200, s25;
	_ =	sdelay $0x1  }
0x3b: {  	_ =	swait.ge [sflag:s19], $0x4000  }
0x3c: {  	[sflag:s19] =	ssyncset.done $0x0  }
0x3d: {  	[sflag:s19] =	ssyncadd.s32 $0xFFFFC000  }
0x3e: {  	[bflag:$0x0] =	sbarrier.arrive $0xFFFF  }
0x3f: {  	[tilespmem:s21], [sflag:$0x2] =	stream.linear.gather [spmem:s7], $0x4000, $0x38;
	[tilespmem:$0x1D400] =	vst v63  }
0x40: {  	_ =	swait.ge [sflag:s19], $0x4000  }
0x41: {  	[sflag:s19] =	ssyncset.done $0x0  }
0x42: {  	[sflag:s19] =	ssyncadd.s32 $0xFFFFC000  }
0x43: {  	[hbm4b:s12+s3] =	stream.linear.scatter [tilespmem:s21], [sflag:$0x1], $0x4000, $0x38;
	[tilespmem:$0x1D400] =	vst v63  }
0x44: {  	_ =	swait.ge [sflag:s23], $0x4000  }
0x45: {  	[sflag:s23] =	ssyncset.done $0x0  }
0x46: {  	[sflag:s23] =	ssyncadd.s32 $0xFFFFC000  }
0x47: {  	[tilespmem:s21], [sflag:$0x2] =	stream.linear.gather [spmem:s8], $0x4000, $0x38;
	[tilespmem:$0x1D400] =	vst v63  }
0x48: {  	_ =	swait.ge [sflag:s19], $0x4000  }
0x49: {  	[sflag:s19] =	ssyncset.done $0x0  }
0x4a: {  	[sflag:s19] =	ssyncadd.s32 $0xFFFFC000  }
0x4b: {  	[hbm4b:s13+s3] =	stream.linear.scatter [tilespmem:s21], [sflag:$0x1], $0x4000, $0x38;
	[tilespmem:$0x1D400] =	vst v63  }
0x4c: {  	_ =	swait.ge [sflag:s23], $0x4000  }
0x4d: {  	[sflag:s23] =	ssyncset.done $0x0  }
0x4e: {  	[sflag:s23] =	ssyncadd.s32 $0xFFFFC000  }
0x4f: {  	[tilespmem:s21], [sflag:$0x2] =	stream.linear.gather [spmem:s9], $0x4000, $0x38;
	[tilespmem:$0x1D400] =	vst v63  }
0x50: {  	_ =	swait.ge [sflag:s19], $0x4000  }
0x51: {  	[sflag:s19] =	ssyncset.done $0x0  }
0x52: {  	[sflag:s19] =	ssyncadd.s32 $0xFFFFC000  }
0x53: {  	[hbm4b:s14+s3] =	stream.linear.scatter [tilespmem:s21], [sflag:$0x1], $0x4000, $0x38;
	[tilespmem:$0x1D400] =	vst v63  }
0x54: {  	_ =	swait.ge [sflag:s23], $0x4000  }
0x55: {  	[sflag:s23] =	ssyncset.done $0x0  }
0x56: {  	[sflag:s23] =	ssyncadd.s32 $0xFFFFC000  }
0x57: {  	[tilespmem:s21], [sflag:$0x2] =	stream.linear.gather [spmem:s10], $0x4000, $0x38;
	[tilespmem:$0x1D400] =	vst v63  }
0x58: {  	_ =	swait.ge [sflag:s19], $0x4000  }
0x59: {  	[sflag:s19] =	ssyncset.done $0x0  }
0x5a: {  	[sflag:s19] =	ssyncadd.s32 $0xFFFFC000  }
0x5b: {  	[hbm4b:s15+s3] =	stream.linear.scatter [tilespmem:s21], [sflag:$0x1], $0x4000, $0x38;
	[tilespmem:$0x1D400] =	vst v63  }
0x5c: {  	_ =	swait.ge [sflag:s23], $0x4000  }
0x5d: {  	[sflag:s23] =	ssyncset.done $0x0  }
0x5e: {  	[sflag:s23] =	ssyncadd.s32 $0xFFFFC000  }
0x5f: {  	[tilespmem:s21], [sflag:$0x2] =	stream.linear.gather [spmem:s11], $0x4000, $0x38;
	[tilespmem:$0x1D400] =	vst v63  }
0x60: {  	s24 =	sadd.s32 $0x1, s24;
	_ =	swait.ge [sflag:s19], $0x4000  }
0x61: {  	p0 =	sne.s32 s24, s17;
	[sflag:s19] =	ssyncset.done $0x0  }
.Ltmp1:
0x62: {  	[sflag:s19] =	ssyncadd.s32 $0xFFFFC000;
	(pc) =	sbr.rel @p0 .LBB2_1-.Ltmp1, $4  }
0x63: {  	[hbm4b:s16+s3] =	stream.linear.scatter [tilespmem:s21], [sflag:$0x1], $0x4000, $0x38;
	[tilespmem:$0x1D400] =	vst v63  }
0x64: {  	_ =	swait.ge [sflag:s23], $0x4000  }
0x65: {  	[sflag:s23] =	ssyncset.done $0x0  }
0x66: {  	[sflag:s23] =	ssyncadd.s32 $0xFFFFC000  }
0x67: {  	_ =	sfence.sel $0x180000  }
0x68: {  	[bflag:$0x0] =	sbarrier.arrive $0xFFFF  }
0x69: {  	p0 =	sne.s32 s0, $0x0;
	_ =	strace $0x9000004A  }
0x6a: {  	s0 =	sadd.s32 @!p0 $0x100000, s1;
	[bflag:$0x2] =	sbarrier.arrive $0xFFFF  }
0x6b: {  	[sflag:s0] =	ssyncadd.tile.s32 @!p0 $0x1;
	_ =	shalt  }
.Lfunc_end2:
_tile_overlayer_lowered:
.L_overlay_start_2:
0x6c: {  	(tag) =	ssettag $0x2  }
0x6d: {  	s0 =	rddreg [dreg:$0x0];
	s2 =	stileid.u32  }
0x6e: {  	s1 =	rddreg [dreg:$0x1];
	p0 =	sne.s32 s2, $0x0  }
0x6f: {  	s3 =	rddreg [dreg:$0x2];
	[bflag:$0x3] =	sbarrier.arrive $0xFFFF;
	s2 =	simm.s32 @!p0 $0x1C02  }
0x70: {  	[timem:s3], [sflag:s2] =	dma.local @!p0 [hbm:s0], s1  }
0x71: {  	s0 =	simm.s32 @!p0 $0x2  }
0x72: {  	_ =	swait.ge @!p0 [sflag:s0], s1  }
0x73: {  	s1 =	ssub.s32 @!p0 $0x0, s1;
	[sflag:s0] =	ssyncset.done @!p0 $0x0  }
0x74: {  	[sflag:s0] =	ssyncadd.s32 @!p0 s1  }
0x75: {  	[bflag:$0x3] =	sbarrier.arrive $0xFFFF  }
0x76: {  	_ =	shalt  }

</sc_bundles>
